<compile_context>
chip_gen: v7x
topology: tpu7x:2x2x1
jax: 0.10.2.dev20260603
libtpu: 0.0.44.dev20260713+nightly
codegen_flags: <defaults>
</compile_context>

<pallas_src>
import dataclasses
import functools

import jax
import jax.numpy as jnp
from jax import lax
from jax.experimental import pallas as pl
from jax.experimental.pallas import tpu as pltpu
from jax.experimental.pallas import tpu_sc as plsc

NC, NS, L = 2, 16, 16
NW = NC * NS
CHUNK = 128


def _a_body(x_ref, w1_ref, enc_ref, w2_ref, degp_ref, g_ref, dinv_ref):
    c = jnp.sum(enc_ref[...] * w2_ref[...], axis=0, keepdims=True)
    ht = (
        jnp.dot(x_ref[...], w1_ref[...], preferred_element_type=jnp.float32)
        + c
    )
    n = ht.shape[0]
    deg = degp_ref[0, :n, :] + degp_ref[1, :n, :] + 1.0
    dinv = lax.rsqrt(deg)
    dinv_ref[...] = dinv
    g_ref[...] = ht * dinv


def _e_body(p_ref, g_ref, dinv_ref, bg_ref, gam_ref, bet_ref, wl_ref,
            bl_ref, out_ref):
    n = out_ref.shape[0]
    agg = p_ref[0, :n, :] + p_ref[1, :n, :] + g_ref[...]
    out0 = agg * dinv_ref[...] + bg_ref[...]
    mean = jnp.mean(out0, axis=0, keepdims=True)
    d = out0 - mean
    var = jnp.mean(d * d, axis=0, keepdims=True)
    y = d * lax.rsqrt(var + 1e-5) * gam_ref[...] + bet_ref[...]
    y = jnp.where(y >= 0, y, 0.01 * y)
    out_ref[...] = (
        jnp.dot(y, wl_ref[...], preferred_element_type=jnp.float32)
        + bl_ref[...]
    )


def _deg_body(n_pad, n_chunks, col_hbm, w_hbm, degp_hbm,
              colv, wv, dbuf, acc, sem):
    c = lax.axis_index("core")
    s = lax.axis_index("subcore")
    wid = c * NS + s
    per_tile = n_chunks // NW
    base_chunk = wid * per_tile
    rows_z = n_pad // NS
    pltpu.async_copy(col_hbm.at[pl.ds(base_chunk, per_tile)], colv, sem).wait()
    pltpu.async_copy(w_hbm.at[pl.ds(base_chunk, per_tile)], wv, sem).wait()

    @pl.loop(0, rows_z, step=L)
    def _(i):
        dbuf[pl.ds(i, L)] = jnp.zeros((L,), jnp.float32)

    pltpu.sync_copy(dbuf, acc.at[pl.ds(s * rows_z, rows_z)])
    plsc.subcore_barrier()

    @pl.loop(0, per_tile)
    def _(k):
        pltpu.async_copy(wv.at[k], acc.at[colv.at[k]], sem, add=True)

    @pl.loop(0, per_tile)
    def _(k):
        pltpu.make_async_copy(wv.at[k], acc.at[colv.at[k]], sem).wait()

    plsc.subcore_barrier()
    pltpu.sync_copy(acc.at[pl.ds(s * rows_z, rows_z)],
                    degp_hbm.at[c, pl.ds(s * rows_z, rows_z)])


NBUF = 4
CHD = 80


def _agg_body(n_pad, n_chunks, g_hbm, row_hbm, col_hbm, w_hbm, out_hbm,
              ibuf, buf, acc, gsem, ssem):
    c = lax.axis_index("core")
    s = lax.axis_index("subcore")
    wid = c * NS + s
    per_tile = n_chunks // NW
    base_chunk = wid * per_tile

    @pl.loop(0, CHD)
    def _(r):
        for j in range(8):
            buf[0, r, pl.ds(j * L, L)] = jnp.zeros((L,), jnp.float32)

    rows_z = n_pad // NS
    for z in range(rows_z // CHD):
        pltpu.sync_copy(buf.at[0], acc.at[pl.ds(s * rows_z + z * CHD, CHD)])
    plsc.subcore_barrier()

    def fetch_idx(k, h):
        sl = pl.ds((base_chunk + k) * CHD, CHD)
        pltpu.async_copy(row_hbm.at[sl], ibuf.at[h, 0], gsem.at[h])
        pltpu.async_copy(col_hbm.at[sl], ibuf.at[h, 1], gsem.at[h])
        pltpu.async_copy(w_hbm.at[sl], ibuf.at[h, 2], gsem.at[h])

    def wait_idx(k, h):
        sl = pl.ds((base_chunk + k) * CHD, CHD)
        pltpu.make_async_copy(row_hbm.at[sl], ibuf.at[h, 0], gsem.at[h]).wait()
        pltpu.make_async_copy(col_hbm.at[sl], ibuf.at[h, 1], gsem.at[h]).wait()
        pltpu.make_async_copy(w_hbm.at[sl], ibuf.at[h, 2], gsem.at[h]).wait()

    def scale(h):
        @pl.loop(0, CHD)
        def _(e):
            wi = plsc.load_gather(ibuf.at[h, 2],
                                  [jnp.zeros((L,), jnp.int32) + e])
            wsp = plsc.bitcast(wi, jnp.float32)
            for j in range(8):
                sl = (h, e, pl.ds(j * L, L))
                buf[sl] = buf[sl] * wsp

    fetch_idx(0, 0)
    fetch_idx(1, 1)
    wait_idx(0, 0)
    pltpu.async_copy(g_hbm.at[ibuf.at[0, 0]], buf.at[0], gsem.at[0])

    @pl.loop(0, per_tile, step=NBUF)
    def _(k0):
        for h in range(NBUF):
            k = k0 + h
            hn = (h + 1) % NBUF
            hg = (h + 2) % NBUF

            @pl.when(k >= 2)
            def _():
                pltpu.make_async_copy(
                    buf.at[hg], acc.at[ibuf.at[hg, 1]], ssem.at[hg]).wait()

            @pl.when(k + 2 < per_tile)
            def _():
                fetch_idx(k + 2, hg)

            @pl.when(k + 1 < per_tile)
            def _():
                wait_idx(k + 1, hn)
                pltpu.async_copy(g_hbm.at[ibuf.at[hn, 0]], buf.at[hn],
                                 gsem.at[hn])

            pltpu.make_async_copy(g_hbm.at[ibuf.at[h, 0]], buf.at[h],
                                  gsem.at[h]).wait()
            scale(h)
            pltpu.async_copy(buf.at[h], acc.at[ibuf.at[h, 1]], ssem.at[h],
                             add=True)

    for h in (NBUF - 2, NBUF - 1):
        pltpu.make_async_copy(
            buf.at[h], acc.at[ibuf.at[h, 1]], ssem.at[h]).wait()

    plsc.subcore_barrier()
    pltpu.sync_copy(acc.at[pl.ds(s * rows_z, rows_z)],
                    out_hbm.at[c, pl.ds(s * rows_z, rows_z)])


def kernel(x, edge_index, edge_weight, time_diff, is_weekend,
           workday_freq, weekday_freq, W_gcn, b_gcn,
           bn_gamma, bn_beta, W_lin, b_lin):
    n, c_in = x.shape
    c_out = W_gcn.shape[1]
    t_feat = W_gcn.shape[0] - c_in
    e = edge_index.shape[1]

    n_pad = ((n + NW * L - 1) // (NW * L)) * (NW * L)
    align = 81920
    e_pad = ((e + align - 1) // align) * align
    n_chunks = e_pad // CHUNK
    pad = e_pad - e
    pad_idx = jnp.arange(pad, dtype=jnp.int32) % n
    row_p = jnp.concatenate([edge_index[0], pad_idx])
    col_p = jnp.concatenate([edge_index[1], pad_idx])
    w_p = jnp.concatenate([edge_weight, jnp.zeros((pad,), jnp.float32)])
    col2d = col_p.reshape(n_chunks, CHUNK)
    w2d = w_p.reshape(n_chunks, CHUNK)

    enc = jnp.where(
        jnp.asarray(is_weekend),
        jnp.sin(time_diff * workday_freq * jnp.pi),
        jnp.cos(time_diff * weekday_freq * jnp.pi),
    )
    enc_col = enc.reshape(t_feat, 1)
    W1 = W_gcn[:c_in]
    W2 = W_gcn[c_in:]

    mesh = plsc.VectorSubcoreMesh(core_axis_name="core",
                                  subcore_axis_name="subcore",
                                  num_cores=NC, num_subcores=NS)
    sc_params = pltpu.CompilerParams()
    if "needs_layout_passes" in pltpu.CompilerParams.__dataclass_fields__:
        sc_params = dataclasses.replace(sc_params, needs_layout_passes=False)
    per_tile_b = n_chunks // NW
    degp = pl.kernel(
        functools.partial(_deg_body, n_pad, n_chunks),
        out_type=jax.ShapeDtypeStruct((NC, n_pad), jnp.float32),
        mesh=mesh,
        scratch_types=[
            pltpu.VMEM((per_tile_b, CHUNK), jnp.int32),
            pltpu.VMEM((per_tile_b, CHUNK), jnp.float32),
            pltpu.VMEM((n_pad // NS,), jnp.float32),
            pltpu.VMEM_SHARED((n_pad,), jnp.float32),
            pltpu.SemaphoreType.DMA,
        ],
        compiler_params=sc_params,
    )(col2d, w2d)

    g, dinv_col = pl.pallas_call(
        _a_body,
        out_shape=(jax.ShapeDtypeStruct((n, c_out), jnp.float32),
                   jax.ShapeDtypeStruct((n, 1), jnp.float32)),
    )(x, W1, enc_col, W2, degp.reshape(NC, n_pad, 1))

    nchd = e_pad // CHD
    w_bits = lax.bitcast_convert_type(w_p, jnp.int32)
    partials = pl.kernel(
        functools.partial(_agg_body, n_pad, nchd),
        out_type=jax.ShapeDtypeStruct((NC, n_pad, c_out), jnp.float32),
        mesh=mesh,
        scratch_types=[
            pltpu.VMEM((NBUF, 3, CHD), jnp.int32),
            pltpu.VMEM((NBUF, CHD, c_out), jnp.float32),
            pltpu.VMEM_SHARED((n_pad, c_out), jnp.float32),
            pltpu.SemaphoreType.DMA((NBUF,)),
            pltpu.SemaphoreType.DMA((NBUF,)),
        ],
        compiler_params=sc_params,
    )(g, row_p, col_p, w_bits)

    out = pl.pallas_call(
        _e_body,
        out_shape=jax.ShapeDtypeStruct((n, c_out), jnp.float32),
    )(partials, g, dinv_col, b_gcn.reshape(1, c_out),
      bn_gamma.reshape(1, c_out), bn_beta.reshape(1, c_out),
      W_lin, b_lin.reshape(1, c_out))
    return out

# --- scband reference (transcript-rebuilt; emitter-appended) ---
"""Pipeline reference for scband-tgcnlayer-68779606278981 (READ-ONLY COPY).

The authoritative reference and input builder live on the scoring server;
editing this copy changes nothing except your own understanding.
"""

import jax, jax.numpy as jnp
import numpy as np

N_NODES = 10000
N_EDGES = 320000
C_IN = 128
T_FEAT = 16
C_OUT = 128


def setup_inputs(seed: int = 0) -> dict:
    key = jax.random.key(seed)
    ks = jax.random.split(key, 12)
    x = jax.random.normal(ks[0], (N_NODES, C_IN), dtype=jnp.float32)
    edge_index = jax.random.randint(ks[1], (2, N_EDGES), 0, N_NODES, dtype=jnp.int32)
    edge_weight = jax.random.uniform(ks[2], (N_EDGES,), dtype=jnp.float32)
    time_diff = jnp.float32(0.5)
    is_weekend = True
    d_gcn_in = C_IN + T_FEAT
    W_gcn = jax.random.normal(ks[3], (d_gcn_in, C_OUT), dtype=jnp.float32) / np.sqrt(d_gcn_in)
    b_gcn = jnp.zeros((C_OUT,), dtype=jnp.float32)
    bn_gamma = jnp.ones((C_OUT,), dtype=jnp.float32)
    bn_beta = jnp.zeros((C_OUT,), dtype=jnp.float32)
    W_lin = jax.random.normal(ks[4], (C_OUT, C_OUT), dtype=jnp.float32) / np.sqrt(C_OUT)
    b_lin = jax.random.normal(ks[5], (C_OUT,), dtype=jnp.float32) * 0.01
    workday_freq = jax.random.normal(ks[6], (T_FEAT,), dtype=jnp.float32)
    weekday_freq = jax.random.normal(ks[7], (T_FEAT,), dtype=jnp.float32)
    return {
        'x': x, 'edge_index': edge_index, 'edge_weight': edge_weight,
        'time_diff': time_diff, 'is_weekend': is_weekend,
        'workday_freq': workday_freq, 'weekday_freq': weekday_freq,
        'W_gcn': W_gcn, 'b_gcn': b_gcn,
        'bn_gamma': bn_gamma, 'bn_beta': bn_beta,
        'W_lin': W_lin, 'b_lin': b_lin,
    }


def reference(x, edge_index, edge_weight, time_diff, is_weekend,
              workday_freq, weekday_freq, W_gcn, b_gcn,
              bn_gamma, bn_beta, W_lin, b_lin):
    N = x.shape[0]
    # --- time encoding (sin for weekend using workday_freq, cos otherwise) ---
    enc_sin = jnp.sin(time_diff * workday_freq * jnp.pi)
    enc_cos = jnp.cos(time_diff * weekday_freq * jnp.pi)
    enc = jnp.where(jnp.asarray(is_weekend), enc_sin, enc_cos)
    enc = jnp.broadcast_to(enc[None, :], (N, enc.shape[0]))
    h = jnp.concatenate([x, enc], axis=1)
    # --- GCNConv: add self-loops, symmetric gcn normalization ---
    loop = jnp.arange(N, dtype=edge_index.dtype)
    row = jnp.concatenate([edge_index[0], loop])
    col = jnp.concatenate([edge_index[1], loop])
    w = jnp.concatenate([edge_weight, jnp.ones((N,), dtype=edge_weight.dtype)])
    deg = jax.ops.segment_sum(w, col, num_segments=N)
    dinv = jnp.where(deg > 0, jax.lax.rsqrt(jnp.maximum(deg, 1e-12)), 0.0)
    norm = dinv[row] * w * dinv[col]
    ht = h @ W_gcn
    msg = norm[:, None] * jnp.take(ht, row, axis=0)
    out = jax.ops.segment_sum(msg, col, num_segments=N) + b_gcn
    # --- BatchNorm1d (training-mode batch statistics, biased var) ---
    mean = jnp.mean(out, axis=0)
    var = jnp.var(out, axis=0)
    out = (out - mean) * jax.lax.rsqrt(var + 1e-5) * bn_gamma + bn_beta
    # --- LeakyReLU (slope 0.01) ---
    out = jnp.where(out >= 0, out, 0.01 * out)
    # --- Linear (dropout is identity in eval) ---
    out = out @ W_lin + b_lin
    return out

if __name__ == "__main__":
    import jax
    _d = setup_inputs()
    print(jax.jit(kernel)(*tuple(_d.values())))

</pallas_src>

<mosaic_0001>
#map = affine_map<(d0, d1) -> (0, 0)>
#map1 = affine_map<(d0, d1) -> (0)>
#map2 = affine_map<(d0, d1) -> (0, 0, 0)>
module attributes {stable_mosaic.version = 14 : i64} {
  func.func @_agg_body(%arg0: i32, %arg1: i32, %arg2: memref<10000x128xf32, #tpu.memory_space<hbm>>, %arg3: memref<327680xi32, #tpu.memory_space<hbm>>, %arg4: memref<327680xi32, #tpu.memory_space<hbm>>, %arg5: memref<327680xi32, #tpu.memory_space<hbm>>, %arg6: memref<2x10240x128xf32, #tpu.memory_space<hbm>>, %arg7: memref<4x3x80xi32, #tpu.memory_space<vmem>>, %arg8: memref<4x80x128xf32, #tpu.memory_space<vmem>>, %arg9: memref<10240x128xf32, #tpu.memory_space<vmem_shared>>, %arg10: memref<4x!tpu.dma_semaphore, #tpu.memory_space<semaphore_mem>>, %arg11: memref<4x!tpu.dma_semaphore, #tpu.memory_space<semaphore_mem>>) attributes {dimension_semantics = [#tpu.dimension_semantics<core_parallel>, #tpu.dimension_semantics<subcore_parallel>], iteration_bounds = array<i64: 2, 16>, scalar_prefetch = 0 : i64, scratch_operands = 5 : i64, tpu.core_type = #tpu.core_type<sc_vector_subcore>, window_params = [{transform_indices = #map}, {transform_indices = #map1}, {transform_indices = #map1}, {transform_indices = #map1}, {transform_indices = #map2}]} {
    %mul3A = arith.constant 16 : i32
    %mul3A_0 = arith.muli %arg0, %mul3A : i32
    %add3A = arith.addi %mul3A_0, %arg1 : i32
    %mul3A_1 = arith.constant 128 : i32
    %mul3A_2 = arith.muli %add3A, %mul3A_1 : i32
    %scan3A = arith.constant 0 : i32
    %scan3A_3 = arith.constant 80 : i32
    %scan3A_4 = arith.addi %scan3A, %scan3A_3 : i32
    %scan3A_5 = arith.constant 1 : i32
    scf.for %scan3A_231 = %scan3A to %scan3A_4 step %scan3A_5  : i32 {
      %mul3A_232 = arith.constant 1 : i32
      %mul3A_233 = arith.muli %scan3A_231, %mul3A_232 : i32
      %add3A_234 = arith.constant 0 : i32
      %add3A_235 = arith.addi %add3A_234, %mul3A_233 : i32
      %broadcast_in_dim3A = arith.constant 0.000000e+00 : f32
      %broadcast_in_dim3A_236 = vector.broadcast %broadcast_in_dim3A : f32 to vector<16xf32>
      %swap3A = arith.constant 0 : i32
      %swap3A_237 = arith.index_cast %swap3A : i32 to index
      %swap3A_238 = arith.index_cast %add3A_235 : i32 to index
      %swap3A_239 = arith.constant 0 : index
      %swap3A_240 = tpu.vector_load %arg8[%swap3A_237, %swap3A_238, %swap3A_239] {strides = array<i32>} : memref<4x80x128xf32, #tpu.memory_space<vmem>>, vector<16xf32>,
      tpu.vector_store %arg8[%swap3A_237, %swap3A_238, %swap3A_239], %broadcast_in_dim3A_236 {strides = array<i32>} : memref<4x80x128xf32, #tpu.memory_space<vmem>>, vector<16xf32>,
      %broadcast_in_dim3A_241 = arith.constant 0.000000e+00 : f32
      %broadcast_in_dim3A_242 = vector.broadcast %broadcast_in_dim3A_241 : f32 to vector<16xf32>
      %swap3A_243 = arith.constant 0 : i32
      %swap3A_244 = arith.index_cast %swap3A_243 : i32 to index
      %swap3A_245 = arith.index_cast %add3A_235 : i32 to index
      %swap3A_246 = arith.constant 16 : index
      %swap3A_247 = tpu.vector_load %arg8[%swap3A_244, %swap3A_245, %swap3A_246] {strides = array<i32>} : memref<4x80x128xf32, #tpu.memory_space<vmem>>, vector<16xf32>,
      tpu.vector_store %arg8[%swap3A_244, %swap3A_245, %swap3A_246], %broadcast_in_dim3A_242 {strides = array<i32>} : memref<4x80x128xf32, #tpu.memory_space<vmem>>, vector<16xf32>,
      %broadcast_in_dim3A_248 = arith.constant 0.000000e+00 : f32
      %broadcast_in_dim3A_249 = vector.broadcast %broadcast_in_dim3A_248 : f32 to vector<16xf32>
      %swap3A_250 = arith.constant 0 : i32
      %swap3A_251 = arith.index_cast %swap3A_250 : i32 to index
      %swap3A_252 = arith.index_cast %add3A_235 : i32 to index
      %swap3A_253 = arith.constant 32 : index
      %swap3A_254 = tpu.vector_load %arg8[%swap3A_251, %swap3A_252, %swap3A_253] {strides = array<i32>} : memref<4x80x128xf32, #tpu.memory_space<vmem>>, vector<16xf32>,
      tpu.vector_store %arg8[%swap3A_251, %swap3A_252, %swap3A_253], %broadcast_in_dim3A_249 {strides = array<i32>} : memref<4x80x128xf32, #tpu.memory_space<vmem>>, vector<16xf32>,
      %broadcast_in_dim3A_255 = arith.constant 0.000000e+00 : f32
      %broadcast_in_dim3A_256 = vector.broadcast %broadcast_in_dim3A_255 : f32 to vector<16xf32>
      %swap3A_257 = arith.constant 0 : i32
      %swap3A_258 = arith.index_cast %swap3A_257 : i32 to index
      %swap3A_259 = arith.index_cast %add3A_235 : i32 to index
      %swap3A_260 = arith.constant 48 : index
      %swap3A_261 = tpu.vector_load %arg8[%swap3A_258, %swap3A_259, %swap3A_260] {strides = array<i32>} : memref<4x80x128xf32, #tpu.memory_space<vmem>>, vector<16xf32>,
      tpu.vector_store %arg8[%swap3A_258, %swap3A_259, %swap3A_260], %broadcast_in_dim3A_256 {strides = array<i32>} : memref<4x80x128xf32, #tpu.memory_space<vmem>>, vector<16xf32>,
      %broadcast_in_dim3A_262 = arith.constant 0.000000e+00 : f32
      %broadcast_in_dim3A_263 = vector.broadcast %broadcast_in_dim3A_262 : f32 to vector<16xf32>
      %swap3A_264 = arith.constant 0 : i32
      %swap3A_265 = arith.index_cast %swap3A_264 : i32 to index
      %swap3A_266 = arith.index_cast %add3A_235 : i32 to index
      %swap3A_267 = arith.constant 64 : index
      %swap3A_268 = tpu.vector_load %arg8[%swap3A_265, %swap3A_266, %swap3A_267] {strides = array<i32>} : memref<4x80x128xf32, #tpu.memory_space<vmem>>, vector<16xf32>,
      tpu.vector_store %arg8[%swap3A_265, %swap3A_266, %swap3A_267], %broadcast_in_dim3A_263 {strides = array<i32>} : memref<4x80x128xf32, #tpu.memory_space<vmem>>, vector<16xf32>,
      %broadcast_in_dim3A_269 = arith.constant 0.000000e+00 : f32
      %broadcast_in_dim3A_270 = vector.broadcast %broadcast_in_dim3A_269 : f32 to vector<16xf32>
      %swap3A_271 = arith.constant 0 : i32
      %swap3A_272 = arith.index_cast %swap3A_271 : i32 to index
      %swap3A_273 = arith.index_cast %add3A_235 : i32 to index
      %swap3A_274 = arith.constant 80 : index
      %swap3A_275 = tpu.vector_load %arg8[%swap3A_272, %swap3A_273, %swap3A_274] {strides = array<i32>} : memref<4x80x128xf32, #tpu.memory_space<vmem>>, vector<16xf32>,
      tpu.vector_store %arg8[%swap3A_272, %swap3A_273, %swap3A_274], %broadcast_in_dim3A_270 {strides = array<i32>} : memref<4x80x128xf32, #tpu.memory_space<vmem>>, vector<16xf32>,
      %broadcast_in_dim3A_276 = arith.constant 0.000000e+00 : f32
      %broadcast_in_dim3A_277 = vector.broadcast %broadcast_in_dim3A_276 : f32 to vector<16xf32>
      %swap3A_278 = arith.constant 0 : i32
      %swap3A_279 = arith.index_cast %swap3A_278 : i32 to index
      %swap3A_280 = arith.index_cast %add3A_235 : i32 to index
      %swap3A_281 = arith.constant 96 : index
      %swap3A_282 = tpu.vector_load %arg8[%swap3A_279, %swap3A_280, %swap3A_281] {strides = array<i32>} : memref<4x80x128xf32, #tpu.memory_space<vmem>>, vector<16xf32>,
      tpu.vector_store %arg8[%swap3A_279, %swap3A_280, %swap3A_281], %broadcast_in_dim3A_277 {strides = array<i32>} : memref<4x80x128xf32, #tpu.memory_space<vmem>>, vector<16xf32>,
      %broadcast_in_dim3A_283 = arith.constant 0.000000e+00 : f32
      %broadcast_in_dim3A_284 = vector.broadcast %broadcast_in_dim3A_283 : f32 to vector<16xf32>
      %swap3A_285 = arith.constant 0 : i32
      %swap3A_286 = arith.index_cast %swap3A_285 : i32 to index
      %swap3A_287 = arith.index_cast %add3A_235 : i32 to index
      %swap3A_288 = arith.constant 112 : index
      %swap3A_289 = tpu.vector_load %arg8[%swap3A_286, %swap3A_287, %swap3A_288] {strides = array<i32>} : memref<4x80x128xf32, #tpu.memory_space<vmem>>, vector<16xf32>,
      tpu.vector_store %arg8[%swap3A_286, %swap3A_287, %swap3A_288], %broadcast_in_dim3A_284 {strides = array<i32>} : memref<4x80x128xf32, #tpu.memory_space<vmem>>, vector<16xf32>,
    }
    %scan3A_6 = arith.constant 80 : i32
    %mul3A_7 = arith.constant 640 : i32
    %mul3A_8 = arith.muli %arg1, %mul3A_7 : i32
    %add3A_9 = arith.constant 0 : i32
    %add3A_10 = arith.addi %mul3A_8, %add3A_9 : i32
    %run_scoped3A = arith.constant 0 : i32
    "tpu.region"() ({
      %run_scoped3A_231 = tpu.sem_alloc : memref<!tpu.dma_semaphore, #tpu.memory_space<semaphore_mem>>
      %dma_start3A_232 = arith.constant 0 : i32
      %dma_start3A_233 = arith.constant 0 : i32
      %dma_start3A_234 = tpu.memref_slice %arg8[%run_scoped3A, %dma_start3A_232, %dma_start3A_233] : memref<4x80x128xf32, #tpu.memory_space<vmem>> -> memref<1x80x128xf32, #tpu.memory_space<vmem>>
      %dma_start3A_235 = tpu.memref_squeeze %dma_start3A_234 : memref<1x80x128xf32, #tpu.memory_space<vmem>> -> memref<80x128xf32, #tpu.memory_space<vmem>>
      %dma_start3A_236 = arith.constant 0 : i32
      %dma_start3A_237 = tpu.memref_slice %arg9[%add3A_10, %dma_start3A_236] : memref<10240x128xf32, #tpu.memory_space<vmem_shared>> -> memref<80x128xf32, #tpu.memory_space<vmem_shared>>
      %dma_start3A_238 = arith.constant 0 : i32
      %dma_start3A_239 = tpu.memref_slice %arg9[%add3A_10, %dma_start3A_238] : memref<10240x128xf32, #tpu.memory_space<vmem_shared>> -> memref<80x128xf32, #tpu.memory_space<vmem_shared>>
      %dma_start3A_240 = arith.constant 0 : i32
      %dma_start3A_241 = arith.constant 0 : i32
      %dma_start3A_242 = tpu.memref_slice %arg8[%run_scoped3A, %dma_start3A_240, %dma_start3A_241] : memref<4x80x128xf32, #tpu.memory_space<vmem>> -> memref<1x80x128xf32, #tpu.memory_space<vmem>>
      %dma_start3A_243 = tpu.memref_squeeze %dma_start3A_242 : memref<1x80x128xf32, #tpu.memory_space<vmem>> -> memref<80x128xf32, #tpu.memory_space<vmem>>
      tpu.enqueue_dma source(%dma_start3A_243 : memref<80x128xf32, #tpu.memory_space<vmem>>) target(%dma_start3A_239 : memref<80x128xf32, #tpu.memory_space<vmem_shared>>) target_semaphore(%run_scoped3A_231 : memref<!tpu.dma_semaphore, #tpu.memory_space<semaphore_mem>>)
      %dma_wait3A_244 = arith.constant 0 : i32
      %dma_wait3A_245 = arith.constant 0 : i32
      %dma_wait3A_246 = tpu.memref_slice %arg8[%run_scoped3A, %dma_wait3A_244, %dma_wait3A_245] : memref<4x80x128xf32, #tpu.memory_space<vmem>> -> memref<1x80x128xf32, #tpu.memory_space<vmem>>
      %dma_wait3A_247 = tpu.memref_squeeze %dma_wait3A_246 : memref<1x80x128xf32, #tpu.memory_space<vmem>> -> memref<80x128xf32, #tpu.memory_space<vmem>>
      %dma_wait3A_248 = arith.constant 0 : i32
      %dma_wait3A_249 = tpu.memref_slice %arg9[%add3A_10, %dma_wait3A_248] : memref<10240x128xf32, #tpu.memory_space<vmem_shared>> -> memref<80x128xf32, #tpu.memory_space<vmem_shared>>
      %dma_wait3A_250 = arith.constant 0 : i32
      %dma_wait3A_251 = tpu.memref_slice %arg9[%add3A_10, %dma_wait3A_250] : memref<10240x128xf32, #tpu.memory_space<vmem_shared>> -> memref<80x128xf32, #tpu.memory_space<vmem_shared>>
      %dma_wait3A_252 = arith.constant 0 : i32
      %dma_wait3A_253 = arith.constant 0 : i32
      %dma_wait3A_254 = tpu.memref_slice %arg8[%run_scoped3A, %dma_wait3A_252, %dma_wait3A_253] : memref<4x80x128xf32, #tpu.memory_space<vmem>> -> memref<1x80x128xf32, #tpu.memory_space<vmem>>
      %dma_wait3A_255 = tpu.memref_squeeze %dma_wait3A_254 : memref<1x80x128xf32, #tpu.memory_space<vmem>> -> memref<80x128xf32, #tpu.memory_space<vmem>>
      tpu.wait_dma2 semaphore(%run_scoped3A_231 : memref<!tpu.dma_semaphore, #tpu.memory_space<semaphore_mem>>) src(%dma_wait3A_255 : memref<80x128xf32, #tpu.memory_space<vmem>>) dst(%dma_wait3A_251 : memref<80x128xf32, #tpu.memory_space<vmem_shared>>)
      tpu.yield
    }) : () -> ()
    %mul3A_11 = arith.constant 640 : i32
    %mul3A_12 = arith.muli %arg1, %mul3A_11 : i32
    %add3A_13 = arith.constant 80 : i32
    %add3A_14 = arith.addi %mul3A_12, %add3A_13 : i32
    %run_scoped3A_15 = arith.constant 0 : i32
    "tpu.region"() ({
      %run_scoped3A_231 = tpu.sem_alloc : memref<!tpu.dma_semaphore, #tpu.memory_space<semaphore_mem>>
      %dma_start3A_232 = arith.constant 0 : i32
      %dma_start3A_233 = arith.constant 0 : i32
      %dma_start3A_234 = tpu.memref_slice %arg8[%run_scoped3A_15, %dma_start3A_232, %dma_start3A_233] : memref<4x80x128xf32, #tpu.memory_space<vmem>> -> memref<1x80x128xf32, #tpu.memory_space<vmem>>
      %dma_start3A_235 = tpu.memref_squeeze %dma_start3A_234 : memref<1x80x128xf32, #tpu.memory_space<vmem>> -> memref<80x128xf32, #tpu.memory_space<vmem>>
      %dma_start3A_236 = arith.constant 0 : i32
      %dma_start3A_237 = tpu.memref_slice %arg9[%add3A_14, %dma_start3A_236] : memref<10240x128xf32, #tpu.memory_space<vmem_shared>> -> memref<80x128xf32, #tpu.memory_space<vmem_shared>>
      %dma_start3A_238 = arith.constant 0 : i32
      %dma_start3A_239 = tpu.memref_slice %arg9[%add3A_14, %dma_start3A_238] : memref<10240x128xf32, #tpu.memory_space<vmem_shared>> -> memref<80x128xf32, #tpu.memory_space<vmem_shared>>
      %dma_start3A_240 = arith.constant 0 : i32
      %dma_start3A_241 = arith.constant 0 : i32
      %dma_start3A_242 = tpu.memref_slice %arg8[%run_scoped3A_15, %dma_start3A_240, %dma_start3A_241] : memref<4x80x128xf32, #tpu.memory_space<vmem>> -> memref<1x80x128xf32, #tpu.memory_space<vmem>>
      %dma_start3A_243 = tpu.memref_squeeze %dma_start3A_242 : memref<1x80x128xf32, #tpu.memory_space<vmem>> -> memref<80x128xf32, #tpu.memory_space<vmem>>
      tpu.enqueue_dma source(%dma_start3A_243 : memref<80x128xf32, #tpu.memory_space<vmem>>) target(%dma_start3A_239 : memref<80x128xf32, #tpu.memory_space<vmem_shared>>) target_semaphore(%run_scoped3A_231 : memref<!tpu.dma_semaphore, #tpu.memory_space<semaphore_mem>>)
      %dma_wait3A_244 = arith.constant 0 : i32
      %dma_wait3A_245 = arith.constant 0 : i32
      %dma_wait3A_246 = tpu.memref_slice %arg8[%run_scoped3A_15, %dma_wait3A_244, %dma_wait3A_245] : memref<4x80x128xf32, #tpu.memory_space<vmem>> -> memref<1x80x128xf32, #tpu.memory_space<vmem>>
      %dma_wait3A_247 = tpu.memref_squeeze %dma_wait3A_246 : memref<1x80x128xf32, #tpu.memory_space<vmem>> -> memref<80x128xf32, #tpu.memory_space<vmem>>
      %dma_wait3A_248 = arith.constant 0 : i32
      %dma_wait3A_249 = tpu.memref_slice %arg9[%add3A_14, %dma_wait3A_248] : memref<10240x128xf32, #tpu.memory_space<vmem_shared>> -> memref<80x128xf32, #tpu.memory_space<vmem_shared>>
      %dma_wait3A_250 = arith.constant 0 : i32
      %dma_wait3A_251 = tpu.memref_slice %arg9[%add3A_14, %dma_wait3A_250] : memref<10240x128xf32, #tpu.memory_space<vmem_shared>> -> memref<80x128xf32, #tpu.memory_space<vmem_shared>>
      %dma_wait3A_252 = arith.constant 0 : i32
      %dma_wait3A_253 = arith.constant 0 : i32
      %dma_wait3A_254 = tpu.memref_slice %arg8[%run_scoped3A_15, %dma_wait3A_252, %dma_wait3A_253] : memref<4x80x128xf32, #tpu.memory_space<vmem>> -> memref<1x80x128xf32, #tpu.memory_space<vmem>>
      %dma_wait3A_255 = tpu.memref_squeeze %dma_wait3A_254 : memref<1x80x128xf32, #tpu.memory_space<vmem>> -> memref<80x128xf32, #tpu.memory_space<vmem>>
      tpu.wait_dma2 semaphore(%run_scoped3A_231 : memref<!tpu.dma_semaphore, #tpu.memory_space<semaphore_mem>>) src(%dma_wait3A_255 : memref<80x128xf32, #tpu.memory_space<vmem>>) dst(%dma_wait3A_251 : memref<80x128xf32, #tpu.memory_space<vmem_shared>>)
      tpu.yield
    }) : () -> ()
    %mul3A_16 = arith.constant 640 : i32
    %mul3A_17 = arith.muli %arg1, %mul3A_16 : i32
    %add3A_18 = arith.constant 160 : i32
    %add3A_19 = arith.addi %mul3A_17, %add3A_18 : i32
    %run_scoped3A_20 = arith.constant 0 : i32
    "tpu.region"() ({
      %run_scoped3A_231 = tpu.sem_alloc : memref<!tpu.dma_semaphore, #tpu.memory_space<semaphore_mem>>
      %dma_start3A_232 = arith.constant 0 : i32
      %dma_start3A_233 = arith.constant 0 : i32
      %dma_start3A_234 = tpu.memref_slice %arg8[%run_scoped3A_20, %dma_start3A_232, %dma_start3A_233] : memref<4x80x128xf32, #tpu.memory_space<vmem>> -> memref<1x80x128xf32, #tpu.memory_space<vmem>>
      %dma_start3A_235 = tpu.memref_squeeze %dma_start3A_234 : memref<1x80x128xf32, #tpu.memory_space<vmem>> -> memref<80x128xf32, #tpu.memory_space<vmem>>
      %dma_start3A_236 = arith.constant 0 : i32
      %dma_start3A_237 = tpu.memref_slice %arg9[%add3A_19, %dma_start3A_236] : memref<10240x128xf32, #tpu.memory_space<vmem_shared>> -> memref<80x128xf32, #tpu.memory_space<vmem_shared>>
      %dma_start3A_238 = arith.constant 0 : i32
      %dma_start3A_239 = tpu.memref_slice %arg9[%add3A_19, %dma_start3A_238] : memref<10240x128xf32, #tpu.memory_space<vmem_shared>> -> memref<80x128xf32, #tpu.memory_space<vmem_shared>>
      %dma_start3A_240 = arith.constant 0 : i32
      %dma_start3A_241 = arith.constant 0 : i32
      %dma_start3A_242 = tpu.memref_slice %arg8[%run_scoped3A_20, %dma_start3A_240, %dma_start3A_241] : memref<4x80x128xf32, #tpu.memory_space<vmem>> -> memref<1x80x128xf32, #tpu.memory_space<vmem>>
      %dma_start3A_243 = tpu.memref_squeeze %dma_start3A_242 : memref<1x80x128xf32, #tpu.memory_space<vmem>> -> memref<80x128xf32, #tpu.memory_space<vmem>>
      tpu.enqueue_dma source(%dma_start3A_243 : memref<80x128xf32, #tpu.memory_space<vmem>>) target(%dma_start3A_239 : memref<80x128xf32, #tpu.memory_space<vmem_shared>>) target_semaphore(%run_scoped3A_231 : memref<!tpu.dma_semaphore, #tpu.memory_space<semaphore_mem>>)
      %dma_wait3A_244 = arith.constant 0 : i32
      %dma_wait3A_245 = arith.constant 0 : i32
      %dma_wait3A_246 = tpu.memref_slice %arg8[%run_scoped3A_20, %dma_wait3A_244, %dma_wait3A_245] : memref<4x80x128xf32, #tpu.memory_space<vmem>> -> memref<1x80x128xf32, #tpu.memory_space<vmem>>
      %dma_wait3A_247 = tpu.memref_squeeze %dma_wait3A_246 : memref<1x80x128xf32, #tpu.memory_space<vmem>> -> memref<80x128xf32, #tpu.memory_space<vmem>>
      %dma_wait3A_248 = arith.constant 0 : i32
      %dma_wait3A_249 = tpu.memref_slice %arg9[%add3A_19, %dma_wait3A_248] : memref<10240x128xf32, #tpu.memory_space<vmem_shared>> -> memref<80x128xf32, #tpu.memory_space<vmem_shared>>
      %dma_wait3A_250 = arith.constant 0 : i32
      %dma_wait3A_251 = tpu.memref_slice %arg9[%add3A_19, %dma_wait3A_250] : memref<10240x128xf32, #tpu.memory_space<vmem_shared>> -> memref<80x128xf32, #tpu.memory_space<vmem_shared>>
      %dma_wait3A_252 = arith.constant 0 : i32
      %dma_wait3A_253 = arith.constant 0 : i32
      %dma_wait3A_254 = tpu.memref_slice %arg8[%run_scoped3A_20, %dma_wait3A_252, %dma_wait3A_253] : memref<4x80x128xf32, #tpu.memory_space<vmem>> -> memref<1x80x128xf32, #tpu.memory_space<vmem>>
      %dma_wait3A_255 = tpu.memref_squeeze %dma_wait3A_254 : memref<1x80x128xf32, #tpu.memory_space<vmem>> -> memref<80x128xf32, #tpu.memory_space<vmem>>
      tpu.wait_dma2 semaphore(%run_scoped3A_231 : memref<!tpu.dma_semaphore, #tpu.memory_space<semaphore_mem>>) src(%dma_wait3A_255 : memref<80x128xf32, #tpu.memory_space<vmem>>) dst(%dma_wait3A_251 : memref<80x128xf32, #tpu.memory_space<vmem_shared>>)
      tpu.yield
    }) : () -> ()
    %mul3A_21 = arith.constant 640 : i32
    %mul3A_22 = arith.muli %arg1, %mul3A_21 : i32
    %add3A_23 = arith.constant 240 : i32
    %add3A_24 = arith.addi %mul3A_22, %add3A_23 : i32
    %run_scoped3A_25 = arith.constant 0 : i32
    "tpu.region"() ({
      %run_scoped3A_231 = tpu.sem_alloc : memref<!tpu.dma_semaphore, #tpu.memory_space<semaphore_mem>>
      %dma_start3A_232 = arith.constant 0 : i32
      %dma_start3A_233 = arith.constant 0 : i32
      %dma_start3A_234 = tpu.memref_slice %arg8[%run_scoped3A_25, %dma_start3A_232, %dma_start3A_233] : memref<4x80x128xf32, #tpu.memory_space<vmem>> -> memref<1x80x128xf32, #tpu.memory_space<vmem>>
      %dma_start3A_235 = tpu.memref_squeeze %dma_start3A_234 : memref<1x80x128xf32, #tpu.memory_space<vmem>> -> memref<80x128xf32, #tpu.memory_space<vmem>>
      %dma_start3A_236 = arith.constant 0 : i32
      %dma_start3A_237 = tpu.memref_slice %arg9[%add3A_24, %dma_start3A_236] : memref<10240x128xf32, #tpu.memory_space<vmem_shared>> -> memref<80x128xf32, #tpu.memory_space<vmem_shared>>
      %dma_start3A_238 = arith.constant 0 : i32
      %dma_start3A_239 = tpu.memref_slice %arg9[%add3A_24, %dma_start3A_238] : memref<10240x128xf32, #tpu.memory_space<vmem_shared>> -> memref<80x128xf32, #tpu.memory_space<vmem_shared>>
      %dma_start3A_240 = arith.constant 0 : i32
      %dma_start3A_241 = arith.constant 0 : i32
      %dma_start3A_242 = tpu.memref_slice %arg8[%run_scoped3A_25, %dma_start3A_240, %dma_start3A_241] : memref<4x80x128xf32, #tpu.memory_space<vmem>> -> memref<1x80x128xf32, #tpu.memory_space<vmem>>
      %dma_start3A_243 = tpu.memref_squeeze %dma_start3A_242 : memref<1x80x128xf32, #tpu.memory_space<vmem>> -> memref<80x128xf32, #tpu.memory_space<vmem>>
      tpu.enqueue_dma source(%dma_start3A_243 : memref<80x128xf32, #tpu.memory_space<vmem>>) target(%dma_start3A_239 : memref<80x128xf32, #tpu.memory_space<vmem_shared>>) target_semaphore(%run_scoped3A_231 : memref<!tpu.dma_semaphore, #tpu.memory_space<semaphore_mem>>)
      %dma_wait3A_244 = arith.constant 0 : i32
      %dma_wait3A_245 = arith.constant 0 : i32
      %dma_wait3A_246 = tpu.memref_slice %arg8[%run_scoped3A_25, %dma_wait3A_244, %dma_wait3A_245] : memref<4x80x128xf32, #tpu.memory_space<vmem>> -> memref<1x80x128xf32, #tpu.memory_space<vmem>>
      %dma_wait3A_247 = tpu.memref_squeeze %dma_wait3A_246 : memref<1x80x128xf32, #tpu.memory_space<vmem>> -> memref<80x128xf32, #tpu.memory_space<vmem>>
      %dma_wait3A_248 = arith.constant 0 : i32
      %dma_wait3A_249 = tpu.memref_slice %arg9[%add3A_24, %dma_wait3A_248] : memref<10240x128xf32, #tpu.memory_space<vmem_shared>> -> memref<80x128xf32, #tpu.memory_space<vmem_shared>>
      %dma_wait3A_250 = arith.constant 0 : i32
      %dma_wait3A_251 = tpu.memref_slice %arg9[%add3A_24, %dma_wait3A_250] : memref<10240x128xf32, #tpu.memory_space<vmem_shared>> -> memref<80x128xf32, #tpu.memory_space<vmem_shared>>
      %dma_wait3A_252 = arith.constant 0 : i32
      %dma_wait3A_253 = arith.constant 0 : i32
      %dma_wait3A_254 = tpu.memref_slice %arg8[%run_scoped3A_25, %dma_wait3A_252, %dma_wait3A_253] : memref<4x80x128xf32, #tpu.memory_space<vmem>> -> memref<1x80x128xf32, #tpu.memory_space<vmem>>
      %dma_wait3A_255 = tpu.memref_squeeze %dma_wait3A_254 : memref<1x80x128xf32, #tpu.memory_space<vmem>> -> memref<80x128xf32, #tpu.memory_space<vmem>>
      tpu.wait_dma2 semaphore(%run_scoped3A_231 : memref<!tpu.dma_semaphore, #tpu.memory_space<semaphore_mem>>) src(%dma_wait3A_255 : memref<80x128xf32, #tpu.memory_space<vmem>>) dst(%dma_wait3A_251 : memref<80x128xf32, #tpu.memory_space<vmem_shared>>)
      tpu.yield
    }) : () -> ()
    %mul3A_26 = arith.constant 640 : i32
    %mul3A_27 = arith.muli %arg1, %mul3A_26 : i32
    %add3A_28 = arith.constant 320 : i32
    %add3A_29 = arith.addi %mul3A_27, %add3A_28 : i32
    %run_scoped3A_30 = arith.constant 0 : i32
    "tpu.region"() ({
      %run_scoped3A_231 = tpu.sem_alloc : memref<!tpu.dma_semaphore, #tpu.memory_space<semaphore_mem>>
      %dma_start3A_232 = arith.constant 0 : i32
      %dma_start3A_233 = arith.constant 0 : i32
      %dma_start3A_234 = tpu.memref_slice %arg8[%run_scoped3A_30, %dma_start3A_232, %dma_start3A_233] : memref<4x80x128xf32, #tpu.memory_space<vmem>> -> memref<1x80x128xf32, #tpu.memory_space<vmem>>
      %dma_start3A_235 = tpu.memref_squeeze %dma_start3A_234 : memref<1x80x128xf32, #tpu.memory_space<vmem>> -> memref<80x128xf32, #tpu.memory_space<vmem>>
      %dma_start3A_236 = arith.constant 0 : i32
      %dma_start3A_237 = tpu.memref_slice %arg9[%add3A_29, %dma_start3A_236] : memref<10240x128xf32, #tpu.memory_space<vmem_shared>> -> memref<80x128xf32, #tpu.memory_space<vmem_shared>>
      %dma_start3A_238 = arith.constant 0 : i32
      %dma_start3A_239 = tpu.memref_slice %arg9[%add3A_29, %dma_start3A_238] : memref<10240x128xf32, #tpu.memory_space<vmem_shared>> -> memref<80x128xf32, #tpu.memory_space<vmem_shared>>
      %dma_start3A_240 = arith.constant 0 : i32
      %dma_start3A_241 = arith.constant 0 : i32
      %dma_start3A_242 = tpu.memref_slice %arg8[%run_scoped3A_30, %dma_start3A_240, %dma_start3A_241] : memref<4x80x128xf32, #tpu.memory_space<vmem>> -> memref<1x80x128xf32, #tpu.memory_space<vmem>>
      %dma_start3A_243 = tpu.memref_squeeze %dma_start3A_242 : memref<1x80x128xf32, #tpu.memory_space<vmem>> -> memref<80x128xf32, #tpu.memory_space<vmem>>
      tpu.enqueue_dma source(%dma_start3A_243 : memref<80x128xf32, #tpu.memory_space<vmem>>) target(%dma_start3A_239 : memref<80x128xf32, #tpu.memory_space<vmem_shared>>) target_semaphore(%run_scoped3A_231 : memref<!tpu.dma_semaphore, #tpu.memory_space<semaphore_mem>>)
      %dma_wait3A_244 = arith.constant 0 : i32
      %dma_wait3A_245 = arith.constant 0 : i32
      %dma_wait3A_246 = tpu.memref_slice %arg8[%run_scoped3A_30, %dma_wait3A_244, %dma_wait3A_245] : memref<4x80x128xf32, #tpu.memory_space<vmem>> -> memref<1x80x128xf32, #tpu.memory_space<vmem>>
      %dma_wait3A_247 = tpu.memref_squeeze %dma_wait3A_246 : memref<1x80x128xf32, #tpu.memory_space<vmem>> -> memref<80x128xf32, #tpu.memory_space<vmem>>
      %dma_wait3A_248 = arith.constant 0 : i32
      %dma_wait3A_249 = tpu.memref_slice %arg9[%add3A_29, %dma_wait3A_248] : memref<10240x128xf32, #tpu.memory_space<vmem_shared>> -> memref<80x128xf32, #tpu.memory_space<vmem_shared>>
      %dma_wait3A_250 = arith.constant 0 : i32
      %dma_wait3A_251 = tpu.memref_slice %arg9[%add3A_29, %dma_wait3A_250] : memref<10240x128xf32, #tpu.memory_space<vmem_shared>> -> memref<80x128xf32, #tpu.memory_space<vmem_shared>>
      %dma_wait3A_252 = arith.constant 0 : i32
      %dma_wait3A_253 = arith.constant 0 : i32
      %dma_wait3A_254 = tpu.memref_slice %arg8[%run_scoped3A_30, %dma_wait3A_252, %dma_wait3A_253] : memref<4x80x128xf32, #tpu.memory_space<vmem>> -> memref<1x80x128xf32, #tpu.memory_space<vmem>>
      %dma_wait3A_255 = tpu.memref_squeeze %dma_wait3A_254 : memref<1x80x128xf32, #tpu.memory_space<vmem>> -> memref<80x128xf32, #tpu.memory_space<vmem>>
      tpu.wait_dma2 semaphore(%run_scoped3A_231 : memref<!tpu.dma_semaphore, #tpu.memory_space<semaphore_mem>>) src(%dma_wait3A_255 : memref<80x128xf32, #tpu.memory_space<vmem>>) dst(%dma_wait3A_251 : memref<80x128xf32, #tpu.memory_space<vmem_shared>>)
      tpu.yield
    }) : () -> ()
    %mul3A_31 = arith.constant 640 : i32
    %mul3A_32 = arith.muli %arg1, %mul3A_31 : i32
    %add3A_33 = arith.constant 400 : i32
    %add3A_34 = arith.addi %mul3A_32, %add3A_33 : i32
    %run_scoped3A_35 = arith.constant 0 : i32
    "tpu.region"() ({
      %run_scoped3A_231 = tpu.sem_alloc : memref<!tpu.dma_semaphore, #tpu.memory_space<semaphore_mem>>
      %dma_start3A_232 = arith.constant 0 : i32
      %dma_start3A_233 = arith.constant 0 : i32
      %dma_start3A_234 = tpu.memref_slice %arg8[%run_scoped3A_35, %dma_start3A_232, %dma_start3A_233] : memref<4x80x128xf32, #tpu.memory_space<vmem>> -> memref<1x80x128xf32, #tpu.memory_space<vmem>>
      %dma_start3A_235 = tpu.memref_squeeze %dma_start3A_234 : memref<1x80x128xf32, #tpu.memory_space<vmem>> -> memref<80x128xf32, #tpu.memory_space<vmem>>
      %dma_start3A_236 = arith.constant 0 : i32
      %dma_start3A_237 = tpu.memref_slice %arg9[%add3A_34, %dma_start3A_236] : memref<10240x128xf32, #tpu.memory_space<vmem_shared>> -> memref<80x128xf32, #tpu.memory_space<vmem_shared>>
      %dma_start3A_238 = arith.constant 0 : i32
      %dma_start3A_239 = tpu.memref_slice %arg9[%add3A_34, %dma_start3A_238] : memref<10240x128xf32, #tpu.memory_space<vmem_shared>> -> memref<80x128xf32, #tpu.memory_space<vmem_shared>>
      %dma_start3A_240 = arith.constant 0 : i32
      %dma_start3A_241 = arith.constant 0 : i32
      %dma_start3A_242 = tpu.memref_slice %arg8[%run_scoped3A_35, %dma_start3A_240, %dma_start3A_241] : memref<4x80x128xf32, #tpu.memory_space<vmem>> -> memref<1x80x128xf32, #tpu.memory_space<vmem>>
      %dma_start3A_243 = tpu.memref_squeeze %dma_start3A_242 : memref<1x80x128xf32, #tpu.memory_space<vmem>> -> memref<80x128xf32, #tpu.memory_space<vmem>>
      tpu.enqueue_dma source(%dma_start3A_243 : memref<80x128xf32, #tpu.memory_space<vmem>>) target(%dma_start3A_239 : memref<80x128xf32, #tpu.memory_space<vmem_shared>>) target_semaphore(%run_scoped3A_231 : memref<!tpu.dma_semaphore, #tpu.memory_space<semaphore_mem>>)
      %dma_wait3A_244 = arith.constant 0 : i32
      %dma_wait3A_245 = arith.constant 0 : i32
      %dma_wait3A_246 = tpu.memref_slice %arg8[%run_scoped3A_35, %dma_wait3A_244, %dma_wait3A_245] : memref<4x80x128xf32, #tpu.memory_space<vmem>> -> memref<1x80x128xf32, #tpu.memory_space<vmem>>
      %dma_wait3A_247 = tpu.memref_squeeze %dma_wait3A_246 : memref<1x80x128xf32, #tpu.memory_space<vmem>> -> memref<80x128xf32, #tpu.memory_space<vmem>>
      %dma_wait3A_248 = arith.constant 0 : i32
      %dma_wait3A_249 = tpu.memref_slice %arg9[%add3A_34, %dma_wait3A_248] : memref<10240x128xf32, #tpu.memory_space<vmem_shared>> -> memref<80x128xf32, #tpu.memory_space<vmem_shared>>
      %dma_wait3A_250 = arith.constant 0 : i32
      %dma_wait3A_251 = tpu.memref_slice %arg9[%add3A_34, %dma_wait3A_250] : memref<10240x128xf32, #tpu.memory_space<vmem_shared>> -> memref<80x128xf32, #tpu.memory_space<vmem_shared>>
      %dma_wait3A_252 = arith.constant 0 : i32
      %dma_wait3A_253 = arith.constant 0 : i32
      %dma_wait3A_254 = tpu.memref_slice %arg8[%run_scoped3A_35, %dma_wait3A_252, %dma_wait3A_253] : memref<4x80x128xf32, #tpu.memory_space<vmem>> -> memref<1x80x128xf32, #tpu.memory_space<vmem>>
      %dma_wait3A_255 = tpu.memref_squeeze %dma_wait3A_254 : memref<1x80x128xf32, #tpu.memory_space<vmem>> -> memref<80x128xf32, #tpu.memory_space<vmem>>
      tpu.wait_dma2 semaphore(%run_scoped3A_231 : memref<!tpu.dma_semaphore, #tpu.memory_space<semaphore_mem>>) src(%dma_wait3A_255 : memref<80x128xf32, #tpu.memory_space<vmem>>) dst(%dma_wait3A_251 : memref<80x128xf32, #tpu.memory_space<vmem_shared>>)
      tpu.yield
    }) : () -> ()
    %mul3A_36 = arith.constant 640 : i32
    %mul3A_37 = arith.muli %arg1, %mul3A_36 : i32
    %add3A_38 = arith.constant 480 : i32
    %add3A_39 = arith.addi %mul3A_37, %add3A_38 : i32
    %run_scoped3A_40 = arith.constant 0 : i32
    "tpu.region"() ({
      %run_scoped3A_231 = tpu.sem_alloc : memref<!tpu.dma_semaphore, #tpu.memory_space<semaphore_mem>>
      %dma_start3A_232 = arith.constant 0 : i32
      %dma_start3A_233 = arith.constant 0 : i32
      %dma_start3A_234 = tpu.memref_slice %arg8[%run_scoped3A_40, %dma_start3A_232, %dma_start3A_233] : memref<4x80x128xf32, #tpu.memory_space<vmem>> -> memref<1x80x128xf32, #tpu.memory_space<vmem>>
      %dma_start3A_235 = tpu.memref_squeeze %dma_start3A_234 : memref<1x80x128xf32, #tpu.memory_space<vmem>> -> memref<80x128xf32, #tpu.memory_space<vmem>>
      %dma_start3A_236 = arith.constant 0 : i32
      %dma_start3A_237 = tpu.memref_slice %arg9[%add3A_39, %dma_start3A_236] : memref<10240x128xf32, #tpu.memory_space<vmem_shared>> -> memref<80x128xf32, #tpu.memory_space<vmem_shared>>
      %dma_start3A_238 = arith.constant 0 : i32
      %dma_start3A_239 = tpu.memref_slice %arg9[%add3A_39, %dma_start3A_238] : memref<10240x128xf32, #tpu.memory_space<vmem_shared>> -> memref<80x128xf32, #tpu.memory_space<vmem_shared>>
      %dma_start3A_240 = arith.constant 0 : i32
      %dma_start3A_241 = arith.constant 0 : i32
      %dma_start3A_242 = tpu.memref_slice %arg8[%run_scoped3A_40, %dma_start3A_240, %dma_start3A_241] : memref<4x80x128xf32, #tpu.memory_space<vmem>> -> memref<1x80x128xf32, #tpu.memory_space<vmem>>
      %dma_start3A_243 = tpu.memref_squeeze %dma_start3A_242 : memref<1x80x128xf32, #tpu.memory_space<vmem>> -> memref<80x128xf32, #tpu.memory_space<vmem>>
      tpu.enqueue_dma source(%dma_start3A_243 : memref<80x128xf32, #tpu.memory_space<vmem>>) target(%dma_start3A_239 : memref<80x128xf32, #tpu.memory_space<vmem_shared>>) target_semaphore(%run_scoped3A_231 : memref<!tpu.dma_semaphore, #tpu.memory_space<semaphore_mem>>)
      %dma_wait3A_244 = arith.constant 0 : i32
      %dma_wait3A_245 = arith.constant 0 : i32
      %dma_wait3A_246 = tpu.memref_slice %arg8[%run_scoped3A_40, %dma_wait3A_244, %dma_wait3A_245] : memref<4x80x128xf32, #tpu.memory_space<vmem>> -> memref<1x80x128xf32, #tpu.memory_space<vmem>>
      %dma_wait3A_247 = tpu.memref_squeeze %dma_wait3A_246 : memref<1x80x128xf32, #tpu.memory_space<vmem>> -> memref<80x128xf32, #tpu.memory_space<vmem>>
      %dma_wait3A_248 = arith.constant 0 : i32
      %dma_wait3A_249 = tpu.memref_slice %arg9[%add3A_39, %dma_wait3A_248] : memref<10240x128xf32, #tpu.memory_space<vmem_shared>> -> memref<80x128xf32, #tpu.memory_space<vmem_shared>>
      %dma_wait3A_250 = arith.constant 0 : i32
      %dma_wait3A_251 = tpu.memref_slice %arg9[%add3A_39, %dma_wait3A_250] : memref<10240x128xf32, #tpu.memory_space<vmem_shared>> -> memref<80x128xf32, #tpu.memory_space<vmem_shared>>
      %dma_wait3A_252 = arith.constant 0 : i32
      %dma_wait3A_253 = arith.constant 0 : i32
      %dma_wait3A_254 = tpu.memref_slice %arg8[%run_scoped3A_40, %dma_wait3A_252, %dma_wait3A_253] : memref<4x80x128xf32, #tpu.memory_space<vmem>> -> memref<1x80x128xf32, #tpu.memory_space<vmem>>
      %dma_wait3A_255 = tpu.memref_squeeze %dma_wait3A_254 : memref<1x80x128xf32, #tpu.memory_space<vmem>> -> memref<80x128xf32, #tpu.memory_space<vmem>>
      tpu.wait_dma2 semaphore(%run_scoped3A_231 : memref<!tpu.dma_semaphore, #tpu.memory_space<semaphore_mem>>) src(%dma_wait3A_255 : memref<80x128xf32, #tpu.memory_space<vmem>>) dst(%dma_wait3A_251 : memref<80x128xf32, #tpu.memory_space<vmem_shared>>)
      tpu.yield
    }) : () -> ()
    %mul3A_41 = arith.constant 640 : i32
    %mul3A_42 = arith.muli %arg1, %mul3A_41 : i32
    %add3A_43 = arith.constant 560 : i32
    %add3A_44 = arith.addi %mul3A_42, %add3A_43 : i32
    %run_scoped3A_45 = arith.constant 0 : i32
    "tpu.region"() ({
      %run_scoped3A_231 = tpu.sem_alloc : memref<!tpu.dma_semaphore, #tpu.memory_space<semaphore_mem>>
      %dma_start3A_232 = arith.constant 0 : i32
      %dma_start3A_233 = arith.constant 0 : i32
      %dma_start3A_234 = tpu.memref_slice %arg8[%run_scoped3A_45, %dma_start3A_232, %dma_start3A_233] : memref<4x80x128xf32, #tpu.memory_space<vmem>> -> memref<1x80x128xf32, #tpu.memory_space<vmem>>
      %dma_start3A_235 = tpu.memref_squeeze %dma_start3A_234 : memref<1x80x128xf32, #tpu.memory_space<vmem>> -> memref<80x128xf32, #tpu.memory_space<vmem>>
      %dma_start3A_236 = arith.constant 0 : i32
      %dma_start3A_237 = tpu.memref_slice %arg9[%add3A_44, %dma_start3A_236] : memref<10240x128xf32, #tpu.memory_space<vmem_shared>> -> memref<80x128xf32, #tpu.memory_space<vmem_shared>>
      %dma_start3A_238 = arith.constant 0 : i32
      %dma_start3A_239 = tpu.memref_slice %arg9[%add3A_44, %dma_start3A_238] : memref<10240x128xf32, #tpu.memory_space<vmem_shared>> -> memref<80x128xf32, #tpu.memory_space<vmem_shared>>
      %dma_start3A_240 = arith.constant 0 : i32
      %dma_start3A_241 = arith.constant 0 : i32
      %dma_start3A_242 = tpu.memref_slice %arg8[%run_scoped3A_45, %dma_start3A_240, %dma_start3A_241] : memref<4x80x128xf32, #tpu.memory_space<vmem>> -> memref<1x80x128xf32, #tpu.memory_space<vmem>>
      %dma_start3A_243 = tpu.memref_squeeze %dma_start3A_242 : memref<1x80x128xf32, #tpu.memory_space<vmem>> -> memref<80x128xf32, #tpu.memory_space<vmem>>
      tpu.enqueue_dma source(%dma_start3A_243 : memref<80x128xf32, #tpu.memory_space<vmem>>) target(%dma_start3A_239 : memref<80x128xf32, #tpu.memory_space<vmem_shared>>) target_semaphore(%run_scoped3A_231 : memref<!tpu.dma_semaphore, #tpu.memory_space<semaphore_mem>>)
      %dma_wait3A_244 = arith.constant 0 : i32
      %dma_wait3A_245 = arith.constant 0 : i32
      %dma_wait3A_246 = tpu.memref_slice %arg8[%run_scoped3A_45, %dma_wait3A_244, %dma_wait3A_245] : memref<4x80x128xf32, #tpu.memory_space<vmem>> -> memref<1x80x128xf32, #tpu.memory_space<vmem>>
      %dma_wait3A_247 = tpu.memref_squeeze %dma_wait3A_246 : memref<1x80x128xf32, #tpu.memory_space<vmem>> -> memref<80x128xf32, #tpu.memory_space<vmem>>
      %dma_wait3A_248 = arith.constant 0 : i32
      %dma_wait3A_249 = tpu.memref_slice %arg9[%add3A_44, %dma_wait3A_248] : memref<10240x128xf32, #tpu.memory_space<vmem_shared>> -> memref<80x128xf32, #tpu.memory_space<vmem_shared>>
      %dma_wait3A_250 = arith.constant 0 : i32
      %dma_wait3A_251 = tpu.memref_slice %arg9[%add3A_44, %dma_wait3A_250] : memref<10240x128xf32, #tpu.memory_space<vmem_shared>> -> memref<80x128xf32, #tpu.memory_space<vmem_shared>>
      %dma_wait3A_252 = arith.constant 0 : i32
      %dma_wait3A_253 = arith.constant 0 : i32
      %dma_wait3A_254 = tpu.memref_slice %arg8[%run_scoped3A_45, %dma_wait3A_252, %dma_wait3A_253] : memref<4x80x128xf32, #tpu.memory_space<vmem>> -> memref<1x80x128xf32, #tpu.memory_space<vmem>>
      %dma_wait3A_255 = tpu.memref_squeeze %dma_wait3A_254 : memref<1x80x128xf32, #tpu.memory_space<vmem>> -> memref<80x128xf32, #tpu.memory_space<vmem>>
      tpu.wait_dma2 semaphore(%run_scoped3A_231 : memref<!tpu.dma_semaphore, #tpu.memory_space<semaphore_mem>>) src(%dma_wait3A_255 : memref<80x128xf32, #tpu.memory_space<vmem>>) dst(%dma_wait3A_251 : memref<80x128xf32, #tpu.memory_space<vmem_shared>>)
      tpu.yield
    }) : () -> ()
    %barrier3A = arith.constant 0 : index
    tpu.barrier barrier_id(%barrier3A)
    %add3A_46 = arith.constant 0 : i32
    %add3A_47 = arith.addi %mul3A_2, %add3A_46 : i32
    %mul3A_48 = arith.constant 80 : i32
    %mul3A_49 = arith.muli %add3A_47, %mul3A_48 : i32
    %dma_start3A = arith.constant 0 : i32
    %dma_start3A_50 = arith.constant 0 : i32
    %dma_start3A_51 = arith.constant 0 : i32
    %dma_start3A_52 = arith.constant 0 : i32
    %dma_start3A_53 = tpu.memref_slice %arg7[%dma_start3A, %dma_start3A_50, %dma_start3A_52] : memref<4x3x80xi32, #tpu.memory_space<vmem>> -> memref<1x1x80xi32, #tpu.memory_space<vmem>>
    %dma_start3A_54 = tpu.memref_squeeze %dma_start3A_53 : memref<1x1x80xi32, #tpu.memory_space<vmem>> -> memref<80xi32, #tpu.memory_space<vmem>>
    %dma_start3A_55 = tpu.memref_slice %arg3[%mul3A_49] : memref<327680xi32, #tpu.memory_space<hbm>> -> memref<80xi32, #tpu.memory_space<hbm>>
    %dma_start3A_56 = tpu.memref_slice %arg10[%dma_start3A_51] : memref<4x!tpu.dma_semaphore, #tpu.memory_space<semaphore_mem>> -> memref<1x!tpu.dma_semaphore, #tpu.memory_space<semaphore_mem>>
    %dma_start3A_57 = tpu.memref_squeeze %dma_start3A_56 : memref<1x!tpu.dma_semaphore, #tpu.memory_space<semaphore_mem>> -> memref<!tpu.dma_semaphore, #tpu.memory_space<semaphore_mem>>
    %dma_start3A_58 = arith.constant 0 : i32
    %dma_start3A_59 = tpu.memref_slice %arg7[%dma_start3A, %dma_start3A_50, %dma_start3A_58] : memref<4x3x80xi32, #tpu.memory_space<vmem>> -> memref<1x1x80xi32, #tpu.memory_space<vmem>>
    %dma_start3A_60 = tpu.memref_squeeze %dma_start3A_59 : memref<1x1x80xi32, #tpu.memory_space<vmem>> -> memref<80xi32, #tpu.memory_space<vmem>>
    %dma_start3A_61 = tpu.memref_slice %arg3[%mul3A_49] : memref<327680xi32, #tpu.memory_space<hbm>> -> memref<80xi32, #tpu.memory_space<hbm>>
    tpu.enqueue_dma source(%dma_start3A_61 : memref<80xi32, #tpu.memory_space<hbm>>) target(%dma_start3A_60 : memref<80xi32, #tpu.memory_space<vmem>>) target_semaphore(%dma_start3A_57 : memref<!tpu.dma_semaphore, #tpu.memory_space<semaphore_mem>>)
    %dma_start3A_62 = arith.constant 0 : i32
    %dma_start3A_63 = arith.constant 1 : i32
    %dma_start3A_64 = arith.constant 0 : i32
    %dma_start3A_65 = arith.constant 0 : i32
    %dma_start3A_66 = tpu.memref_slice %arg7[%dma_start3A_62, %dma_start3A_63, %dma_start3A_65] : memref<4x3x80xi32, #tpu.memory_space<vmem>> -> memref<1x1x80xi32, #tpu.memory_space<vmem>>
    %dma_start3A_67 = tpu.memref_squeeze %dma_start3A_66 : memref<1x1x80xi32, #tpu.memory_space<vmem>> -> memref<80xi32, #tpu.memory_space<vmem>>
    %dma_start3A_68 = tpu.memref_slice %arg4[%mul3A_49] : memref<327680xi32, #tpu.memory_space<hbm>> -> memref<80xi32, #tpu.memory_space<hbm>>
    %dma_start3A_69 = tpu.memref_slice %arg10[%dma_start3A_64] : memref<4x!tpu.dma_semaphore, #tpu.memory_space<semaphore_mem>> -> memref<1x!tpu.dma_semaphore, #tpu.memory_space<semaphore_mem>>
    %dma_start3A_70 = tpu.memref_squeeze %dma_start3A_69 : memref<1x!tpu.dma_semaphore, #tpu.memory_space<semaphore_mem>> -> memref<!tpu.dma_semaphore, #tpu.memory_space<semaphore_mem>>
    %dma_start3A_71 = arith.constant 0 : i32
    %dma_start3A_72 = tpu.memref_slice %arg7[%dma_start3A_62, %dma_start3A_63, %dma_start3A_71] : memref<4x3x80xi32, #tpu.memory_space<vmem>> -> memref<1x1x80xi32, #tpu.memory_space<vmem>>
    %dma_start3A_73 = tpu.memref_squeeze %dma_start3A_72 : memref<1x1x80xi32, #tpu.memory_space<vmem>> -> memref<80xi32, #tpu.memory_space<vmem>>
    %dma_start3A_74 = tpu.memref_slice %arg4[%mul3A_49] : memref<327680xi32, #tpu.memory_space<hbm>> -> memref<80xi32, #tpu.memory_space<hbm>>
    tpu.enqueue_dma source(%dma_start3A_74 : memref<80xi32, #tpu.memory_space<hbm>>) target(%dma_start3A_73 : memref<80xi32, #tpu.memory_space<vmem>>) target_semaphore(%dma_start3A_70 : memref<!tpu.dma_semaphore, #tpu.memory_space<semaphore_mem>>)
    %dma_start3A_75 = arith.constant 0 : i32
    %dma_start3A_76 = arith.constant 2 : i32
    %dma_start3A_77 = arith.constant 0 : i32
    %dma_start3A_78 = arith.constant 0 : i32
    %dma_start3A_79 = tpu.memref_slice %arg7[%dma_start3A_75, %dma_start3A_76, %dma_start3A_78] : memref<4x3x80xi32, #tpu.memory_space<vmem>> -> memref<1x1x80xi32, #tpu.memory_space<vmem>>
    %dma_start3A_80 = tpu.memref_squeeze %dma_start3A_79 : memref<1x1x80xi32, #tpu.memory_space<vmem>> -> memref<80xi32, #tpu.memory_space<vmem>>
    %dma_start3A_81 = tpu.memref_slice %arg5[%mul3A_49] : memref<327680xi32, #tpu.memory_space<hbm>> -> memref<80xi32, #tpu.memory_space<hbm>>
    %dma_start3A_82 = tpu.memref_slice %arg10[%dma_start3A_77] : memref<4x!tpu.dma_semaphore, #tpu.memory_space<semaphore_mem>> -> memref<1x!tpu.dma_semaphore, #tpu.memory_space<semaphore_mem>>
    %dma_start3A_83 = tpu.memref_squeeze %dma_start3A_82 : memref<1x!tpu.dma_semaphore, #tpu.memory_space<semaphore_mem>> -> memref<!tpu.dma_semaphore, #tpu.memory_space<semaphore_mem>>
    %dma_start3A_84 = arith.constant 0 : i32
    %dma_start3A_85 = tpu.memref_slice %arg7[%dma_start3A_75, %dma_start3A_76, %dma_start3A_84] : memref<4x3x80xi32, #tpu.memory_space<vmem>> -> memref<1x1x80xi32, #tpu.memory_space<vmem>>
    %dma_start3A_86 = tpu.memref_squeeze %dma_start3A_85 : memref<1x1x80xi32, #tpu.memory_space<vmem>> -> memref<80xi32, #tpu.memory_space<vmem>>
    %dma_start3A_87 = tpu.memref_slice %arg5[%mul3A_49] : memref<327680xi32, #tpu.memory_space<hbm>> -> memref<80xi32, #tpu.memory_space<hbm>>
    tpu.enqueue_dma source(%dma_start3A_87 : memref<80xi32, #tpu.memory_space<hbm>>) target(%dma_start3A_86 : memref<80xi32, #tpu.memory_space<vmem>>) target_semaphore(%dma_start3A_83 : memref<!tpu.dma_semaphore, #tpu.memory_space<semaphore_mem>>)
    %add3A_88 = arith.constant 1 : i32
    %add3A_89 = arith.addi %mul3A_2, %add3A_88 : i32
    %mul3A_90 = arith.constant 80 : i32
    %mul3A_91 = arith.muli %add3A_89, %mul3A_90 : i32
    %dma_start3A_92 = arith.constant 1 : i32
    %dma_start3A_93 = arith.constant 0 : i32
    %dma_start3A_94 = arith.constant 1 : i32
    %dma_start3A_95 = arith.constant 0 : i32
    %dma_start3A_96 = tpu.memref_slice %arg7[%dma_start3A_92, %dma_start3A_93, %dma_start3A_95] : memref<4x3x80xi32, #tpu.memory_space<vmem>> -> memref<1x1x80xi32, #tpu.memory_space<vmem>>
    %dma_start3A_97 = tpu.memref_squeeze %dma_start3A_96 : memref<1x1x80xi32, #tpu.memory_space<vmem>> -> memref<80xi32, #tpu.memory_space<vmem>>
    %dma_start3A_98 = tpu.memref_slice %arg3[%mul3A_91] : memref<327680xi32, #tpu.memory_space<hbm>> -> memref<80xi32, #tpu.memory_space<hbm>>
    %dma_start3A_99 = tpu.memref_slice %arg10[%dma_start3A_94] : memref<4x!tpu.dma_semaphore, #tpu.memory_space<semaphore_mem>> -> memref<1x!tpu.dma_semaphore, #tpu.memory_space<semaphore_mem>>
    %dma_start3A_100 = tpu.memref_squeeze %dma_start3A_99 : memref<1x!tpu.dma_semaphore, #tpu.memory_space<semaphore_mem>> -> memref<!tpu.dma_semaphore, #tpu.memory_space<semaphore_mem>>
    %dma_start3A_101 = arith.constant 0 : i32
    %dma_start3A_102 = tpu.memref_slice %arg7[%dma_start3A_92, %dma_start3A_93, %dma_start3A_101] : memref<4x3x80xi32, #tpu.memory_space<vmem>> -> memref<1x1x80xi32, #tpu.memory_space<vmem>>
    %dma_start3A_103 = tpu.memref_squeeze %dma_start3A_102 : memref<1x1x80xi32, #tpu.memory_space<vmem>> -> memref<80xi32, #tpu.memory_space<vmem>>
    %dma_start3A_104 = tpu.memref_slice %arg3[%mul3A_91] : memref<327680xi32, #tpu.memory_space<hbm>> -> memref<80xi32, #tpu.memory_space<hbm>>
    tpu.enqueue_dma source(%dma_start3A_104 : memref<80xi32, #tpu.memory_space<hbm>>) target(%dma_start3A_103 : memref<80xi32, #tpu.memory_space<vmem>>) target_semaphore(%dma_start3A_100 : memref<!tpu.dma_semaphore, #tpu.memory_space<semaphore_mem>>)
    %dma_start3A_105 = arith.constant 1 : i32
    %dma_start3A_106 = arith.constant 1 : i32
    %dma_start3A_107 = arith.constant 1 : i32
    %dma_start3A_108 = arith.constant 0 : i32
    %dma_start3A_109 = tpu.memref_slice %arg7[%dma_start3A_105, %dma_start3A_106, %dma_start3A_108] : memref<4x3x80xi32, #tpu.memory_space<vmem>> -> memref<1x1x80xi32, #tpu.memory_space<vmem>>
    %dma_start3A_110 = tpu.memref_squeeze %dma_start3A_109 : memref<1x1x80xi32, #tpu.memory_space<vmem>> -> memref<80xi32, #tpu.memory_space<vmem>>
    %dma_start3A_111 = tpu.memref_slice %arg4[%mul3A_91] : memref<327680xi32, #tpu.memory_space<hbm>> -> memref<80xi32, #tpu.memory_space<hbm>>
    %dma_start3A_112 = tpu.memref_slice %arg10[%dma_start3A_107] : memref<4x!tpu.dma_semaphore, #tpu.memory_space<semaphore_mem>> -> memref<1x!tpu.dma_semaphore, #tpu.memory_space<semaphore_mem>>
    %dma_start3A_113 = tpu.memref_squeeze %dma_start3A_112 : memref<1x!tpu.dma_semaphore, #tpu.memory_space<semaphore_mem>> -> memref<!tpu.dma_semaphore, #tpu.memory_space<semaphore_mem>>
    %dma_start3A_114 = arith.constant 0 : i32
    %dma_start3A_115 = tpu.memref_slice %arg7[%dma_start3A_105, %dma_start3A_106, %dma_start3A_114] : memref<4x3x80xi32, #tpu.memory_space<vmem>> -> memref<1x1x80xi32, #tpu.memory_space<vmem>>
    %dma_start3A_116 = tpu.memref_squeeze %dma_start3A_115 : memref<1x1x80xi32, #tpu.memory_space<vmem>> -> memref<80xi32, #tpu.memory_space<vmem>>
    %dma_start3A_117 = tpu.memref_slice %arg4[%mul3A_91] : memref<327680xi32, #tpu.memory_space<hbm>> -> memref<80xi32, #tpu.memory_space<hbm>>
    tpu.enqueue_dma source(%dma_start3A_117 : memref<80xi32, #tpu.memory_space<hbm>>) target(%dma_start3A_116 : memref<80xi32, #tpu.memory_space<vmem>>) target_semaphore(%dma_start3A_113 : memref<!tpu.dma_semaphore, #tpu.memory_space<semaphore_mem>>)
    %dma_start3A_118 = arith.constant 1 : i32
    %dma_start3A_119 = arith.constant 2 : i32
    %dma_start3A_120 = arith.constant 1 : i32
    %dma_start3A_121 = arith.constant 0 : i32
    %dma_start3A_122 = tpu.memref_slice %arg7[%dma_start3A_118, %dma_start3A_119, %dma_start3A_121] : memref<4x3x80xi32, #tpu.memory_space<vmem>> -> memref<1x1x80xi32, #tpu.memory_space<vmem>>
    %dma_start3A_123 = tpu.memref_squeeze %dma_start3A_122 : memref<1x1x80xi32, #tpu.memory_space<vmem>> -> memref<80xi32, #tpu.memory_space<vmem>>
    %dma_start3A_124 = tpu.memref_slice %arg5[%mul3A_91] : memref<327680xi32, #tpu.memory_space<hbm>> -> memref<80xi32, #tpu.memory_space<hbm>>
    %dma_start3A_125 = tpu.memref_slice %arg10[%dma_start3A_120] : memref<4x!tpu.dma_semaphore, #tpu.memory_space<semaphore_mem>> -> memref<1x!tpu.dma_semaphore, #tpu.memory_space<semaphore_mem>>
    %dma_start3A_126 = tpu.memref_squeeze %dma_start3A_125 : memref<1x!tpu.dma_semaphore, #tpu.memory_space<semaphore_mem>> -> memref<!tpu.dma_semaphore, #tpu.memory_space<semaphore_mem>>
    %dma_start3A_127 = arith.constant 0 : i32
    %dma_start3A_128 = tpu.memref_slice %arg7[%dma_start3A_118, %dma_start3A_119, %dma_start3A_127] : memref<4x3x80xi32, #tpu.memory_space<vmem>> -> memref<1x1x80xi32, #tpu.memory_space<vmem>>
    %dma_start3A_129 = tpu.memref_squeeze %dma_start3A_128 : memref<1x1x80xi32, #tpu.memory_space<vmem>> -> memref<80xi32, #tpu.memory_space<vmem>>
    %dma_start3A_130 = tpu.memref_slice %arg5[%mul3A_91] : memref<327680xi32, #tpu.memory_space<hbm>> -> memref<80xi32, #tpu.memory_space<hbm>>
    tpu.enqueue_dma source(%dma_start3A_130 : memref<80xi32, #tpu.memory_space<hbm>>) target(%dma_start3A_129 : memref<80xi32, #tpu.memory_space<vmem>>) target_semaphore(%dma_start3A_126 : memref<!tpu.dma_semaphore, #tpu.memory_space<semaphore_mem>>)
    %add3A_131 = arith.constant 0 : i32
    %add3A_132 = arith.addi %mul3A_2, %add3A_131 : i32
    %mul3A_133 = arith.constant 80 : i32
    %mul3A_134 = arith.muli %add3A_132, %mul3A_133 : i32
    %dma_wait3A = arith.constant 0 : i32
    %dma_wait3A_135 = arith.constant 0 : i32
    %dma_wait3A_136 = arith.constant 0 : i32
    %dma_wait3A_137 = arith.constant 0 : i32
    %dma_wait3A_138 = tpu.memref_slice %arg7[%dma_wait3A, %dma_wait3A_135, %dma_wait3A_137] : memref<4x3x80xi32, #tpu.memory_space<vmem>> -> memref<1x1x80xi32, #tpu.memory_space<vmem>>
    %dma_wait3A_139 = tpu.memref_squeeze %dma_wait3A_138 : memref<1x1x80xi32, #tpu.memory_space<vmem>> -> memref<80xi32, #tpu.memory_space<vmem>>
    %dma_wait3A_140 = tpu.memref_slice %arg3[%mul3A_134] : memref<327680xi32, #tpu.memory_space<hbm>> -> memref<80xi32, #tpu.memory_space<hbm>>
    %dma_wait3A_141 = tpu.memref_slice %arg10[%dma_wait3A_136] : memref<4x!tpu.dma_semaphore, #tpu.memory_space<semaphore_mem>> -> memref<1x!tpu.dma_semaphore, #tpu.memory_space<semaphore_mem>>
    %dma_wait3A_142 = tpu.memref_squeeze %dma_wait3A_141 : memref<1x!tpu.dma_semaphore, #tpu.memory_space<semaphore_mem>> -> memref<!tpu.dma_semaphore, #tpu.memory_space<semaphore_mem>>
    %dma_wait3A_143 = arith.constant 0 : i32
    %dma_wait3A_144 = tpu.memref_slice %arg7[%dma_wait3A, %dma_wait3A_135, %dma_wait3A_143] : memref<4x3x80xi32, #tpu.memory_space<vmem>> -> memref<1x1x80xi32, #tpu.memory_space<vmem>>
    %dma_wait3A_145 = tpu.memref_squeeze %dma_wait3A_144 : memref<1x1x80xi32, #tpu.memory_space<vmem>> -> memref<80xi32, #tpu.memory_space<vmem>>
    %dma_wait3A_146 = tpu.memref_slice %arg3[%mul3A_134] : memref<327680xi32, #tpu.memory_space<hbm>> -> memref<80xi32, #tpu.memory_space<hbm>>
    tpu.wait_dma2 semaphore(%dma_wait3A_142 : memref<!tpu.dma_semaphore, #tpu.memory_space<semaphore_mem>>) src(%dma_wait3A_146 : memref<80xi32, #tpu.memory_space<hbm>>) dst(%dma_wait3A_145 : memref<80xi32, #tpu.memory_space<vmem>>)
    %dma_wait3A_147 = arith.constant 0 : i32
    %dma_wait3A_148 = arith.constant 1 : i32
    %dma_wait3A_149 = arith.constant 0 : i32
    %dma_wait3A_150 = arith.constant 0 : i32
    %dma_wait3A_151 = tpu.memref_slice %arg7[%dma_wait3A_147, %dma_wait3A_148, %dma_wait3A_150] : memref<4x3x80xi32, #tpu.memory_space<vmem>> -> memref<1x1x80xi32, #tpu.memory_space<vmem>>
    %dma_wait3A_152 = tpu.memref_squeeze %dma_wait3A_151 : memref<1x1x80xi32, #tpu.memory_space<vmem>> -> memref<80xi32, #tpu.memory_space<vmem>>
    %dma_wait3A_153 = tpu.memref_slice %arg4[%mul3A_134] : memref<327680xi32, #tpu.memory_space<hbm>> -> memref<80xi32, #tpu.memory_space<hbm>>
    %dma_wait3A_154 = tpu.memref_slice %arg10[%dma_wait3A_149] : memref<4x!tpu.dma_semaphore, #tpu.memory_space<semaphore_mem>> -> memref<1x!tpu.dma_semaphore, #tpu.memory_space<semaphore_mem>>
    %dma_wait3A_155 = tpu.memref_squeeze %dma_wait3A_154 : memref<1x!tpu.dma_semaphore, #tpu.memory_space<semaphore_mem>> -> memref<!tpu.dma_semaphore, #tpu.memory_space<semaphore_mem>>
    %dma_wait3A_156 = arith.constant 0 : i32
    %dma_wait3A_157 = tpu.memref_slice %arg7[%dma_wait3A_147, %dma_wait3A_148, %dma_wait3A_156] : memref<4x3x80xi32, #tpu.memory_space<vmem>> -> memref<1x1x80xi32, #tpu.memory_space<vmem>>
    %dma_wait3A_158 = tpu.memref_squeeze %dma_wait3A_157 : memref<1x1x80xi32, #tpu.memory_space<vmem>> -> memref<80xi32, #tpu.memory_space<vmem>>
    %dma_wait3A_159 = tpu.memref_slice %arg4[%mul3A_134] : memref<327680xi32, #tpu.memory_space<hbm>> -> memref<80xi32, #tpu.memory_space<hbm>>
    tpu.wait_dma2 semaphore(%dma_wait3A_155 : memref<!tpu.dma_semaphore, #tpu.memory_space<semaphore_mem>>) src(%dma_wait3A_159 : memref<80xi32, #tpu.memory_space<hbm>>) dst(%dma_wait3A_158 : memref<80xi32, #tpu.memory_space<vmem>>)
    %dma_wait3A_160 = arith.constant 0 : i32
    %dma_wait3A_161 = arith.constant 2 : i32
    %dma_wait3A_162 = arith.constant 0 : i32
    %dma_wait3A_163 = arith.constant 0 : i32
    %dma_wait3A_164 = tpu.memref_slice %arg7[%dma_wait3A_160, %dma_wait3A_161, %dma_wait3A_163] : memref<4x3x80xi32, #tpu.memory_space<vmem>> -> memref<1x1x80xi32, #tpu.memory_space<vmem>>
    %dma_wait3A_165 = tpu.memref_squeeze %dma_wait3A_164 : memref<1x1x80xi32, #tpu.memory_space<vmem>> -> memref<80xi32, #tpu.memory_space<vmem>>
    %dma_wait3A_166 = tpu.memref_slice %arg5[%mul3A_134] : memref<327680xi32, #tpu.memory_space<hbm>> -> memref<80xi32, #tpu.memory_space<hbm>>
    %dma_wait3A_167 = tpu.memref_slice %arg10[%dma_wait3A_162] : memref<4x!tpu.dma_semaphore, #tpu.memory_space<semaphore_mem>> -> memref<1x!tpu.dma_semaphore, #tpu.memory_space<semaphore_mem>>
    %dma_wait3A_168 = tpu.memref_squeeze %dma_wait3A_167 : memref<1x!tpu.dma_semaphore, #tpu.memory_space<semaphore_mem>> -> memref<!tpu.dma_semaphore, #tpu.memory_space<semaphore_mem>>
    %dma_wait3A_169 = arith.constant 0 : i32
    %dma_wait3A_170 = tpu.memref_slice %arg7[%dma_wait3A_160, %dma_wait3A_161, %dma_wait3A_169] : memref<4x3x80xi32, #tpu.memory_space<vmem>> -> memref<1x1x80xi32, #tpu.memory_space<vmem>>
    %dma_wait3A_171 = tpu.memref_squeeze %dma_wait3A_170 : memref<1x1x80xi32, #tpu.memory_space<vmem>> -> memref<80xi32, #tpu.memory_space<vmem>>
    %dma_wait3A_172 = tpu.memref_slice %arg5[%mul3A_134] : memref<327680xi32, #tpu.memory_space<hbm>> -> memref<80xi32, #tpu.memory_space<hbm>>
    tpu.wait_dma2 semaphore(%dma_wait3A_168 : memref<!tpu.dma_semaphore, #tpu.memory_space<semaphore_mem>>) src(%dma_wait3A_172 : memref<80xi32, #tpu.memory_space<hbm>>) dst(%dma_wait3A_171 : memref<80xi32, #tpu.memory_space<vmem>>)
    %dma_start3A_173 = arith.constant 0 : i32
    %dma_start3A_174 = arith.constant 0 : i32
    %dma_start3A_175 = arith.constant 0 : i32
    %dma_start3A_176 = arith.constant 0 : i32
    %dma_start3A_177 = arith.constant 0 : i32
    %dma_start3A_178 = arith.constant 0 : i32
    %dma_start3A_179 = tpu.memref_slice %arg8[%dma_start3A_175, %dma_start3A_177, %dma_start3A_178] : memref<4x80x128xf32, #tpu.memory_space<vmem>> -> memref<1x80x128xf32, #tpu.memory_space<vmem>>
    %dma_start3A_180 = tpu.memref_squeeze %dma_start3A_179 : memref<1x80x128xf32, #tpu.memory_space<vmem>> -> memref<80x128xf32, #tpu.memory_space<vmem>>
    %dma_start3A_181 = arith.constant 0 : i32
    %dma_start3A_182 = tpu.memref_slice %arg7[%dma_start3A_173, %dma_start3A_174, %dma_start3A_181] : memref<4x3x80xi32, #tpu.memory_space<vmem>> -> memref<1x1x80xi32, #tpu.memory_space<vmem>>
    %dma_start3A_183 = tpu.memref_squeeze %dma_start3A_182 : memref<1x1x80xi32, #tpu.memory_space<vmem>> -> memref<80xi32, #tpu.memory_space<vmem>>
    %dma_start3A_184 = arith.constant 0 : i32
    %dma_start3A_185 = arith.constant 0 : i32
    %dma_start3A_186 = tpu.memref_slice %arg2[%dma_start3A_184, %dma_start3A_185] : memref<10000x128xf32, #tpu.memory_space<hbm>> -> memref<10000x128xf32, #tpu.memory_space<hbm>>
    %dma_start3A_187 = tpu.memref_slice %arg10[%dma_start3A_176] : memref<4x!tpu.dma_semaphore, #tpu.memory_space<semaphore_mem>> -> memref<1x!tpu.dma_semaphore, #tpu.memory_space<semaphore_mem>>
    %dma_start3A_188 = tpu.memref_squeeze %dma_start3A_187 : memref<1x!tpu.dma_semaphore, #tpu.memory_space<semaphore_mem>> -> memref<!tpu.dma_semaphore, #tpu.memory_space<semaphore_mem>>
    tpu.enqueue_indirect_dma source(%dma_start3A_186 : memref<10000x128xf32, #tpu.memory_space<hbm>>) target(%dma_start3A_180 : memref<80x128xf32, #tpu.memory_space<vmem>>) offsets(%dma_start3A_183 : memref<80xi32, #tpu.memory_space<vmem>>) semaphore(%dma_start3A_188 : memref<!tpu.dma_semaphore, #tpu.memory_space<semaphore_mem>>)
    %scan3A_189 = arith.constant 0 : i32
    %scan3A_190 = arith.constant 32 : i32
    %scan3A_191 = arith.addi %scan3A_189, %scan3A_190 : i32
    %scan3A_192 = arith.constant 1 : i32
    scf.for %scan3A_231 = %scan3A_189 to %scan3A_191 step %scan3A_192  : i32 {
      %mul3A_232 = arith.constant 4 : i32
      %mul3A_233 = arith.muli %scan3A_231, %mul3A_232 : i32
      %add3A_234 = arith.constant 0 : i32
      %add3A_235 = arith.addi %add3A_234, %mul3A_233 : i32
      %add3A_236 = arith.constant 0 : i32
      %add3A_237 = arith.addi %add3A_235, %add3A_236 : i32
      %ge3A = arith.constant 2 : i32
      %ge3A_238 = arith.cmpi sge, %add3A_237, %ge3A : i32
      %convert_element_type3A = arith.extui %ge3A_238 : i1 to i32
      %cond3A = arith.constant 0 : i32
      %cond3A_239 = arith.cmpi ne, %convert_element_type3A, %cond3A : i32
      scf.if %cond3A_239 {
        %dma_wait3A_464 = arith.constant 2 : i32
        %dma_wait3A_465 = arith.constant 2 : i32
        %dma_wait3A_466 = arith.constant 1 : i32
        %dma_wait3A_467 = arith.constant 2 : i32
        %dma_wait3A_468 = arith.constant 0 : i32
        %dma_wait3A_469 = arith.constant 0 : i32
        %dma_wait3A_470 = tpu.memref_slice %arg8[%dma_wait3A_464, %dma_wait3A_468, %dma_wait3A_469] : memref<4x80x128xf32, #tpu.memory_space<vmem>> -> memref<1x80x128xf32, #tpu.memory_space<vmem>>
        %dma_wait3A_471 = tpu.memref_squeeze %dma_wait3A_470 : memref<1x80x128xf32, #tpu.memory_space<vmem>> -> memref<80x128xf32, #tpu.memory_space<vmem>>
        %dma_wait3A_472 = arith.constant 0 : i32
        %dma_wait3A_473 = tpu.memref_slice %arg7[%dma_wait3A_465, %dma_wait3A_466, %dma_wait3A_472] : memref<4x3x80xi32, #tpu.memory_space<vmem>> -> memref<1x1x80xi32, #tpu.memory_space<vmem>>
        %dma_wait3A_474 = tpu.memref_squeeze %dma_wait3A_473 : memref<1x1x80xi32, #tpu.memory_space<vmem>> -> memref<80xi32, #tpu.memory_space<vmem>>
        %dma_wait3A_475 = arith.constant 0 : i32
        %dma_wait3A_476 = arith.constant 0 : i32
        %dma_wait3A_477 = tpu.memref_slice %arg9[%dma_wait3A_475, %dma_wait3A_476] : memref<10240x128xf32, #tpu.memory_space<vmem_shared>> -> memref<10240x128xf32, #tpu.memory_space<vmem_shared>>
        %dma_wait3A_478 = tpu.memref_slice %arg11[%dma_wait3A_467] : memref<4x!tpu.dma_semaphore, #tpu.memory_space<semaphore_mem>> -> memref<1x!tpu.dma_semaphore, #tpu.memory_space<semaphore_mem>>
        %dma_wait3A_479 = tpu.memref_squeeze %dma_wait3A_478 : memref<1x!tpu.dma_semaphore, #tpu.memory_space<semaphore_mem>> -> memref<!tpu.dma_semaphore, #tpu.memory_space<semaphore_mem>>
        tpu.wait_indirect_dma semaphore(%dma_wait3A_479 : memref<!tpu.dma_semaphore, #tpu.memory_space<semaphore_mem>>) src(%dma_wait3A_471 : memref<80x128xf32, #tpu.memory_space<vmem>>) dst(%dma_wait3A_477 : memref<10240x128xf32, #tpu.memory_space<vmem_shared>>)
      } else {
      }
      %add3A_240 = arith.constant 2 : i32
      %add3A_241 = arith.addi %add3A_237, %add3A_240 : i32
      %lt3A = arith.constant 128 : i32
      %lt3A_242 = arith.cmpi slt, %add3A_241, %lt3A : i32
      %convert_element_type3A_243 = arith.extui %lt3A_242 : i1 to i32
      %cond3A_244 = arith.constant 0 : i32
      %cond3A_245 = arith.cmpi ne, %convert_element_type3A_243, %cond3A_244 : i32
      scf.if %cond3A_245 {
        %add3A_464 = arith.constant 2 : i32
        %add3A_465 = arith.addi %add3A_237, %add3A_464 : i32
        %add3A_466 = arith.addi %mul3A_2, %add3A_465 : i32
        %mul3A_467 = arith.constant 80 : i32
        %mul3A_468 = arith.muli %add3A_466, %mul3A_467 : i32
        %dma_start3A_469 = arith.constant 2 : i32
        %dma_start3A_470 = arith.constant 0 : i32
        %dma_start3A_471 = arith.constant 2 : i32
        %dma_start3A_472 = arith.constant 0 : i32
        %dma_start3A_473 = tpu.memref_slice %arg7[%dma_start3A_469, %dma_start3A_470, %dma_start3A_472] : memref<4x3x80xi32, #tpu.memory_space<vmem>> -> memref<1x1x80xi32, #tpu.memory_space<vmem>>
        %dma_start3A_474 = tpu.memref_squeeze %dma_start3A_473 : memref<1x1x80xi32, #tpu.memory_space<vmem>> -> memref<80xi32, #tpu.memory_space<vmem>>
        %dma_start3A_475 = tpu.memref_slice %arg3[%mul3A_468] : memref<327680xi32, #tpu.memory_space<hbm>> -> memref<80xi32, #tpu.memory_space<hbm>>
        %dma_start3A_476 = tpu.memref_slice %arg10[%dma_start3A_471] : memref<4x!tpu.dma_semaphore, #tpu.memory_space<semaphore_mem>> -> memref<1x!tpu.dma_semaphore, #tpu.memory_space<semaphore_mem>>
        %dma_start3A_477 = tpu.memref_squeeze %dma_start3A_476 : memref<1x!tpu.dma_semaphore, #tpu.memory_space<semaphore_mem>> -> memref<!tpu.dma_semaphore, #tpu.memory_space<semaphore_mem>>
        %dma_start3A_478 = arith.constant 0 : i32
        %dma_start3A_479 = tpu.memref_slice %arg7[%dma_start3A_469, %dma_start3A_470, %dma_start3A_478] : memref<4x3x80xi32, #tpu.memory_space<vmem>> -> memref<1x1x80xi32, #tpu.memory_space<vmem>>
        %dma_start3A_480 = tpu.memref_squeeze %dma_start3A_479 : memref<1x1x80xi32, #tpu.memory_space<vmem>> -> memref<80xi32, #tpu.memory_space<vmem>>
        %dma_start3A_481 = tpu.memref_slice %arg3[%mul3A_468] : memref<327680xi32, #tpu.memory_space<hbm>> -> memref<80xi32, #tpu.memory_space<hbm>>
        tpu.enqueue_dma source(%dma_start3A_481 : memref<80xi32, #tpu.memory_space<hbm>>) target(%dma_start3A_480 : memref<80xi32, #tpu.memory_space<vmem>>) target_semaphore(%dma_start3A_477 : memref<!tpu.dma_semaphore, #tpu.memory_space<semaphore_mem>>)
        %dma_start3A_482 = arith.constant 2 : i32
        %dma_start3A_483 = arith.constant 1 : i32
        %dma_start3A_484 = arith.constant 2 : i32
        %dma_start3A_485 = arith.constant 0 : i32
        %dma_start3A_486 = tpu.memref_slice %arg7[%dma_start3A_482, %dma_start3A_483, %dma_start3A_485] : memref<4x3x80xi32, #tpu.memory_space<vmem>> -> memref<1x1x80xi32, #tpu.memory_space<vmem>>
        %dma_start3A_487 = tpu.memref_squeeze %dma_start3A_486 : memref<1x1x80xi32, #tpu.memory_space<vmem>> -> memref<80xi32, #tpu.memory_space<vmem>>
        %dma_start3A_488 = tpu.memref_slice %arg4[%mul3A_468] : memref<327680xi32, #tpu.memory_space<hbm>> -> memref<80xi32, #tpu.memory_space<hbm>>
        %dma_start3A_489 = tpu.memref_slice %arg10[%dma_start3A_484] : memref<4x!tpu.dma_semaphore, #tpu.memory_space<semaphore_mem>> -> memref<1x!tpu.dma_semaphore, #tpu.memory_space<semaphore_mem>>
        %dma_start3A_490 = tpu.memref_squeeze %dma_start3A_489 : memref<1x!tpu.dma_semaphore, #tpu.memory_space<semaphore_mem>> -> memref<!tpu.dma_semaphore, #tpu.memory_space<semaphore_mem>>
        %dma_start3A_491 = arith.constant 0 : i32
        %dma_start3A_492 = tpu.memref_slice %arg7[%dma_start3A_482, %dma_start3A_483, %dma_start3A_491] : memref<4x3x80xi32, #tpu.memory_space<vmem>> -> memref<1x1x80xi32, #tpu.memory_space<vmem>>
        %dma_start3A_493 = tpu.memref_squeeze %dma_start3A_492 : memref<1x1x80xi32, #tpu.memory_space<vmem>> -> memref<80xi32, #tpu.memory_space<vmem>>
        %dma_start3A_494 = tpu.memref_slice %arg4[%mul3A_468] : memref<327680xi32, #tpu.memory_space<hbm>> -> memref<80xi32, #tpu.memory_space<hbm>>
        tpu.enqueue_dma source(%dma_start3A_494 : memref<80xi32, #tpu.memory_space<hbm>>) target(%dma_start3A_493 : memref<80xi32, #tpu.memory_space<vmem>>) target_semaphore(%dma_start3A_490 : memref<!tpu.dma_semaphore, #tpu.memory_space<semaphore_mem>>)
        %dma_start3A_495 = arith.constant 2 : i32
        %dma_start3A_496 = arith.constant 2 : i32
        %dma_start3A_497 = arith.constant 2 : i32
        %dma_start3A_498 = arith.constant 0 : i32
        %dma_start3A_499 = tpu.memref_slice %arg7[%dma_start3A_495, %dma_start3A_496, %dma_start3A_498] : memref<4x3x80xi32, #tpu.memory_space<vmem>> -> memref<1x1x80xi32, #tpu.memory_space<vmem>>
        %dma_start3A_500 = tpu.memref_squeeze %dma_start3A_499 : memref<1x1x80xi32, #tpu.memory_space<vmem>> -> memref<80xi32, #tpu.memory_space<vmem>>
        %dma_start3A_501 = tpu.memref_slice %arg5[%mul3A_468] : memref<327680xi32, #tpu.memory_space<hbm>> -> memref<80xi32, #tpu.memory_space<hbm>>
        %dma_start3A_502 = tpu.memref_slice %arg10[%dma_start3A_497] : memref<4x!tpu.dma_semaphore, #tpu.memory_space<semaphore_mem>> -> memref<1x!tpu.dma_semaphore, #tpu.memory_space<semaphore_mem>>
        %dma_start3A_503 = tpu.memref_squeeze %dma_start3A_502 : memref<1x!tpu.dma_semaphore, #tpu.memory_space<semaphore_mem>> -> memref<!tpu.dma_semaphore, #tpu.memory_space<semaphore_mem>>
        %dma_start3A_504 = arith.constant 0 : i32
        %dma_start3A_505 = tpu.memref_slice %arg7[%dma_start3A_495, %dma_start3A_496, %dma_start3A_504] : memref<4x3x80xi32, #tpu.memory_space<vmem>> -> memref<1x1x80xi32, #tpu.memory_space<vmem>>
        %dma_start3A_506 = tpu.memref_squeeze %dma_start3A_505 : memref<1x1x80xi32, #tpu.memory_space<vmem>> -> memref<80xi32, #tpu.memory_space<vmem>>
        %dma_start3A_507 = tpu.memref_slice %arg5[%mul3A_468] : memref<327680xi32, #tpu.memory_space<hbm>> -> memref<80xi32, #tpu.memory_space<hbm>>
        tpu.enqueue_dma source(%dma_start3A_507 : memref<80xi32, #tpu.memory_space<hbm>>) target(%dma_start3A_506 : memref<80xi32, #tpu.memory_space<vmem>>) target_semaphore(%dma_start3A_503 : memref<!tpu.dma_semaphore, #tpu.memory_space<semaphore_mem>>)
      } else {
      }
      %add3A_246 = arith.constant 1 : i32
      %add3A_247 = arith.addi %add3A_237, %add3A_246 : i32
      %lt3A_248 = arith.constant 128 : i32
      %lt3A_249 = arith.cmpi slt, %add3A_247, %lt3A_248 : i32
      %convert_element_type3A_250 = arith.extui %lt3A_249 : i1 to i32
      %cond3A_251 = arith.constant 0 : i32
      %cond3A_252 = arith.cmpi ne, %convert_element_type3A_250, %cond3A_251 : i32
      scf.if %cond3A_252 {
        %add3A_464 = arith.constant 1 : i32
        %add3A_465 = arith.addi %add3A_237, %add3A_464 : i32
        %add3A_466 = arith.addi %mul3A_2, %add3A_465 : i32
        %mul3A_467 = arith.constant 80 : i32
        %mul3A_468 = arith.muli %add3A_466, %mul3A_467 : i32
        %dma_wait3A_469 = arith.constant 1 : i32
        %dma_wait3A_470 = arith.constant 0 : i32
        %dma_wait3A_471 = arith.constant 1 : i32
        %dma_wait3A_472 = arith.constant 0 : i32
        %dma_wait3A_473 = tpu.memref_slice %arg7[%dma_wait3A_469, %dma_wait3A_470, %dma_wait3A_472] : memref<4x3x80xi32, #tpu.memory_space<vmem>> -> memref<1x1x80xi32, #tpu.memory_space<vmem>>
        %dma_wait3A_474 = tpu.memref_squeeze %dma_wait3A_473 : memref<1x1x80xi32, #tpu.memory_space<vmem>> -> memref<80xi32, #tpu.memory_space<vmem>>
        %dma_wait3A_475 = tpu.memref_slice %arg3[%mul3A_468] : memref<327680xi32, #tpu.memory_space<hbm>> -> memref<80xi32, #tpu.memory_space<hbm>>
        %dma_wait3A_476 = tpu.memref_slice %arg10[%dma_wait3A_471] : memref<4x!tpu.dma_semaphore, #tpu.memory_space<semaphore_mem>> -> memref<1x!tpu.dma_semaphore, #tpu.memory_space<semaphore_mem>>
        %dma_wait3A_477 = tpu.memref_squeeze %dma_wait3A_476 : memref<1x!tpu.dma_semaphore, #tpu.memory_space<semaphore_mem>> -> memref<!tpu.dma_semaphore, #tpu.memory_space<semaphore_mem>>
        %dma_wait3A_478 = arith.constant 0 : i32
        %dma_wait3A_479 = tpu.memref_slice %arg7[%dma_wait3A_469, %dma_wait3A_470, %dma_wait3A_478] : memref<4x3x80xi32, #tpu.memory_space<vmem>> -> memref<1x1x80xi32, #tpu.memory_space<vmem>>
        %dma_wait3A_480 = tpu.memref_squeeze %dma_wait3A_479 : memref<1x1x80xi32, #tpu.memory_space<vmem>> -> memref<80xi32, #tpu.memory_space<vmem>>
        %dma_wait3A_481 = tpu.memref_slice %arg3[%mul3A_468] : memref<327680xi32, #tpu.memory_space<hbm>> -> memref<80xi32, #tpu.memory_space<hbm>>
        tpu.wait_dma2 semaphore(%dma_wait3A_477 : memref<!tpu.dma_semaphore, #tpu.memory_space<semaphore_mem>>) src(%dma_wait3A_481 : memref<80xi32, #tpu.memory_space<hbm>>) dst(%dma_wait3A_480 : memref<80xi32, #tpu.memory_space<vmem>>)
        %dma_wait3A_482 = arith.constant 1 : i32
        %dma_wait3A_483 = arith.constant 1 : i32
        %dma_wait3A_484 = arith.constant 1 : i32
        %dma_wait3A_485 = arith.constant 0 : i32
        %dma_wait3A_486 = tpu.memref_slice %arg7[%dma_wait3A_482, %dma_wait3A_483, %dma_wait3A_485] : memref<4x3x80xi32, #tpu.memory_space<vmem>> -> memref<1x1x80xi32, #tpu.memory_space<vmem>>
        %dma_wait3A_487 = tpu.memref_squeeze %dma_wait3A_486 : memref<1x1x80xi32, #tpu.memory_space<vmem>> -> memref<80xi32, #tpu.memory_space<vmem>>
        %dma_wait3A_488 = tpu.memref_slice %arg4[%mul3A_468] : memref<327680xi32, #tpu.memory_space<hbm>> -> memref<80xi32, #tpu.memory_space<hbm>>
        %dma_wait3A_489 = tpu.memref_slice %arg10[%dma_wait3A_484] : memref<4x!tpu.dma_semaphore, #tpu.memory_space<semaphore_mem>> -> memref<1x!tpu.dma_semaphore, #tpu.memory_space<semaphore_mem>>
        %dma_wait3A_490 = tpu.memref_squeeze %dma_wait3A_489 : memref<1x!tpu.dma_semaphore, #tpu.memory_space<semaphore_mem>> -> memref<!tpu.dma_semaphore, #tpu.memory_space<semaphore_mem>>
        %dma_wait3A_491 = arith.constant 0 : i32
        %dma_wait3A_492 = tpu.memref_slice %arg7[%dma_wait3A_482, %dma_wait3A_483, %dma_wait3A_491] : memref<4x3x80xi32, #tpu.memory_space<vmem>> -> memref<1x1x80xi32, #tpu.memory_space<vmem>>
        %dma_wait3A_493 = tpu.memref_squeeze %dma_wait3A_492 : memref<1x1x80xi32, #tpu.memory_space<vmem>> -> memref<80xi32, #tpu.memory_space<vmem>>
        %dma_wait3A_494 = tpu.memref_slice %arg4[%mul3A_468] : memref<327680xi32, #tpu.memory_space<hbm>> -> memref<80xi32, #tpu.memory_space<hbm>>
        tpu.wait_dma2 semaphore(%dma_wait3A_490 : memref<!tpu.dma_semaphore, #tpu.memory_space<semaphore_mem>>) src(%dma_wait3A_494 : memref<80xi32, #tpu.memory_space<hbm>>) dst(%dma_wait3A_493 : memref<80xi32, #tpu.memory_space<vmem>>)
        %dma_wait3A_495 = arith.constant 1 : i32
        %dma_wait3A_496 = arith.constant 2 : i32
        %dma_wait3A_497 = arith.constant 1 : i32
        %dma_wait3A_498 = arith.constant 0 : i32
        %dma_wait3A_499 = tpu.memref_slice %arg7[%dma_wait3A_495, %dma_wait3A_496, %dma_wait3A_498] : memref<4x3x80xi32, #tpu.memory_space<vmem>> -> memref<1x1x80xi32, #tpu.memory_space<vmem>>
        %dma_wait3A_500 = tpu.memref_squeeze %dma_wait3A_499 : memref<1x1x80xi32, #tpu.memory_space<vmem>> -> memref<80xi32, #tpu.memory_space<vmem>>
        %dma_wait3A_501 = tpu.memref_slice %arg5[%mul3A_468] : memref<327680xi32, #tpu.memory_space<hbm>> -> memref<80xi32, #tpu.memory_space<hbm>>
        %dma_wait3A_502 = tpu.memref_slice %arg10[%dma_wait3A_497] : memref<4x!tpu.dma_semaphore, #tpu.memory_space<semaphore_mem>> -> memref<1x!tpu.dma_semaphore, #tpu.memory_space<semaphore_mem>>
        %dma_wait3A_503 = tpu.memref_squeeze %dma_wait3A_502 : memref<1x!tpu.dma_semaphore, #tpu.memory_space<semaphore_mem>> -> memref<!tpu.dma_semaphore, #tpu.memory_space<semaphore_mem>>
        %dma_wait3A_504 = arith.constant 0 : i32
        %dma_wait3A_505 = tpu.memref_slice %arg7[%dma_wait3A_495, %dma_wait3A_496, %dma_wait3A_504] : memref<4x3x80xi32, #tpu.memory_space<vmem>> -> memref<1x1x80xi32, #tpu.memory_space<vmem>>
        %dma_wait3A_506 = tpu.memref_squeeze %dma_wait3A_505 : memref<1x1x80xi32, #tpu.memory_space<vmem>> -> memref<80xi32, #tpu.memory_space<vmem>>
        %dma_wait3A_507 = tpu.memref_slice %arg5[%mul3A_468] : memref<327680xi32, #tpu.memory_space<hbm>> -> memref<80xi32, #tpu.memory_space<hbm>>
        tpu.wait_dma2 semaphore(%dma_wait3A_503 : memref<!tpu.dma_semaphore, #tpu.memory_space<semaphore_mem>>) src(%dma_wait3A_507 : memref<80xi32, #tpu.memory_space<hbm>>) dst(%dma_wait3A_506 : memref<80xi32, #tpu.memory_space<vmem>>)
        %dma_start3A_508 = arith.constant 1 : i32
        %dma_start3A_509 = arith.constant 0 : i32
        %dma_start3A_510 = arith.constant 1 : i32
        %dma_start3A_511 = arith.constant 1 : i32
        %dma_start3A_512 = arith.constant 0 : i32
        %dma_start3A_513 = arith.constant 0 : i32
        %dma_start3A_514 = tpu.memref_slice %arg8[%dma_start3A_510, %dma_start3A_512, %dma_start3A_513] : memref<4x80x128xf32, #tpu.memory_space<vmem>> -> memref<1x80x128xf32, #tpu.memory_space<vmem>>
        %dma_start3A_515 = tpu.memref_squeeze %dma_start3A_514 : memref<1x80x128xf32, #tpu.memory_space<vmem>> -> memref<80x128xf32, #tpu.memory_space<vmem>>
        %dma_start3A_516 = arith.constant 0 : i32
        %dma_start3A_517 = tpu.memref_slice %arg7[%dma_start3A_508, %dma_start3A_509, %dma_start3A_516] : memref<4x3x80xi32, #tpu.memory_space<vmem>> -> memref<1x1x80xi32, #tpu.memory_space<vmem>>
        %dma_start3A_518 = tpu.memref_squeeze %dma_start3A_517 : memref<1x1x80xi32, #tpu.memory_space<vmem>> -> memref<80xi32, #tpu.memory_space<vmem>>
        %dma_start3A_519 = arith.constant 0 : i32
        %dma_start3A_520 = arith.constant 0 : i32
        %dma_start3A_521 = tpu.memref_slice %arg2[%dma_start3A_519, %dma_start3A_520] : memref<10000x128xf32, #tpu.memory_space<hbm>> -> memref<10000x128xf32, #tpu.memory_space<hbm>>
        %dma_start3A_522 = tpu.memref_slice %arg10[%dma_start3A_511] : memref<4x!tpu.dma_semaphore, #tpu.memory_space<semaphore_mem>> -> memref<1x!tpu.dma_semaphore, #tpu.memory_space<semaphore_mem>>
        %dma_start3A_523 = tpu.memref_squeeze %dma_start3A_522 : memref<1x!tpu.dma_semaphore, #tpu.memory_space<semaphore_mem>> -> memref<!tpu.dma_semaphore, #tpu.memory_space<semaphore_mem>>
        tpu.enqueue_indirect_dma source(%dma_start3A_521 : memref<10000x128xf32, #tpu.memory_space<hbm>>) target(%dma_start3A_515 : memref<80x128xf32, #tpu.memory_space<vmem>>) offsets(%dma_start3A_518 : memref<80xi32, #tpu.memory_space<vmem>>) semaphore(%dma_start3A_523 : memref<!tpu.dma_semaphore, #tpu.memory_space<semaphore_mem>>)
      } else {
      }
      %dma_wait3A_253 = arith.constant 0 : i32
      %dma_wait3A_254 = arith.constant 0 : i32
      %dma_wait3A_255 = arith.constant 0 : i32
      %dma_wait3A_256 = arith.constant 0 : i32
      %dma_wait3A_257 = arith.constant 0 : i32
      %dma_wait3A_258 = arith.constant 0 : i32
      %dma_wait3A_259 = tpu.memref_slice %arg8[%dma_wait3A_255, %dma_wait3A_257, %dma_wait3A_258] : memref<4x80x128xf32, #tpu.memory_space<vmem>> -> memref<1x80x128xf32, #tpu.memory_space<vmem>>
      %dma_wait3A_260 = tpu.memref_squeeze %dma_wait3A_259 : memref<1x80x128xf32, #tpu.memory_space<vmem>> -> memref<80x128xf32, #tpu.memory_space<vmem>>
      %dma_wait3A_261 = arith.constant 0 : i32
      %dma_wait3A_262 = tpu.memref_slice %arg7[%dma_wait3A_253, %dma_wait3A_254, %dma_wait3A_261] : memref<4x3x80xi32, #tpu.memory_space<vmem>> -> memref<1x1x80xi32, #tpu.memory_space<vmem>>
      %dma_wait3A_263 = tpu.memref_squeeze %dma_wait3A_262 : memref<1x1x80xi32, #tpu.memory_space<vmem>> -> memref<80xi32, #tpu.memory_space<vmem>>
      %dma_wait3A_264 = arith.constant 0 : i32
      %dma_wait3A_265 = arith.constant 0 : i32
      %dma_wait3A_266 = tpu.memref_slice %arg2[%dma_wait3A_264, %dma_wait3A_265] : memref<10000x128xf32, #tpu.memory_space<hbm>> -> memref<10000x128xf32, #tpu.memory_space<hbm>>
      %dma_wait3A_267 = tpu.memref_slice %arg10[%dma_wait3A_256] : memref<4x!tpu.dma_semaphore, #tpu.memory_space<semaphore_mem>> -> memref<1x!tpu.dma_semaphore, #tpu.memory_space<semaphore_mem>>
      %dma_wait3A_268 = tpu.memref_squeeze %dma_wait3A_267 : memref<1x!tpu.dma_semaphore, #tpu.memory_space<semaphore_mem>> -> memref<!tpu.dma_semaphore, #tpu.memory_space<semaphore_mem>>
      tpu.wait_indirect_dma semaphore(%dma_wait3A_268 : memref<!tpu.dma_semaphore, #tpu.memory_space<semaphore_mem>>) src(%dma_wait3A_266 : memref<10000x128xf32, #tpu.memory_space<hbm>>) dst(%dma_wait3A_260 : memref<80x128xf32, #tpu.memory_space<vmem>>)
      %scan3A_269 = arith.constant 0 : i32
      %scan3A_270 = arith.constant 80 : i32
      %scan3A_271 = arith.addi %scan3A_269, %scan3A_270 : i32
      %scan3A_272 = arith.constant 1 : i32
      scf.for %scan3A_464 = %scan3A_269 to %scan3A_271 step %scan3A_272  : i32 {
        %mul3A_465 = arith.constant 1 : i32
        %mul3A_466 = arith.muli %scan3A_464, %mul3A_465 : i32
        %add3A_467 = arith.constant 0 : i32
        %add3A_468 = arith.addi %add3A_467, %mul3A_466 : i32
        %broadcast_in_dim3A = arith.constant 0 : i32
        %broadcast_in_dim3A_469 = vector.broadcast %broadcast_in_dim3A : i32 to vector<16xi32>
        %add3A_470 = vector.broadcast %add3A_468 : i32 to vector<16xi32>
        %add3A_471 = arith.addi %broadcast_in_dim3A_469, %add3A_470 : vector<16xi32>
        %gather3A = arith.constant 0 : i32
        %gather3A_472 = arith.constant 2 : i32
        %gather3A_473 = arith.constant 0 : i32
        %gather3A_474 = tpu.memref_slice %arg7[%gather3A, %gather3A_472, %gather3A_473] : memref<4x3x80xi32, #tpu.memory_space<vmem>> -> memref<1x1x80xi32, #tpu.memory_space<vmem>>
        %gather3A_475 = tpu.memref_squeeze %gather3A_474 : memref<1x1x80xi32, #tpu.memory_space<vmem>> -> memref<80xi32, #tpu.memory_space<vmem>>
        %gather3A_476 = tpu.vector_load_idx %gather3A_475[%add3A_471] : memref<80xi32, #tpu.memory_space<vmem>>[vector<16xi32>], vector<16xi32>,
        %bitcast3A = vector.bitcast %gather3A_476 : vector<16xi32> to vector<16xf32>
        %get3A = arith.constant 0 : i32
        %get3A_477 = arith.index_cast %get3A : i32 to index
        %get3A_478 = arith.index_cast %add3A_468 : i32 to index
        %get3A_479 = arith.constant 0 : index
        %get3A_480 = tpu.vector_load %arg8[%get3A_477, %get3A_478, %get3A_479] {strides = array<i32>} : memref<4x80x128xf32, #tpu.memory_space<vmem>>, vector<16xf32>,
        %mul3A_481 = arith.mulf %get3A_480, %bitcast3A : vector<16xf32>
        %swap3A = arith.constant 0 : i32
        %swap3A_482 = arith.index_cast %swap3A : i32 to index
        %swap3A_483 = arith.index_cast %add3A_468 : i32 to index
        %swap3A_484 = arith.constant 0 : index
        %swap3A_485 = tpu.vector_load %arg8[%swap3A_482, %swap3A_483, %swap3A_484] {strides = array<i32>} : memref<4x80x128xf32, #tpu.memory_space<vmem>>, vector<16xf32>,
        tpu.vector_store %arg8[%swap3A_482, %swap3A_483, %swap3A_484], %mul3A_481 {strides = array<i32>} : memref<4x80x128xf32, #tpu.memory_space<vmem>>, vector<16xf32>,
        %get3A_486 = arith.constant 0 : i32
        %get3A_487 = arith.index_cast %get3A_486 : i32 to index
        %get3A_488 = arith.index_cast %add3A_468 : i32 to index
        %get3A_489 = arith.constant 16 : index
        %get3A_490 = tpu.vector_load %arg8[%get3A_487, %get3A_488, %get3A_489] {strides = array<i32>} : memref<4x80x128xf32, #tpu.memory_space<vmem>>, vector<16xf32>,
        %mul3A_491 = arith.mulf %get3A_490, %bitcast3A : vector<16xf32>
        %swap3A_492 = arith.constant 0 : i32
        %swap3A_493 = arith.index_cast %swap3A_492 : i32 to index
        %swap3A_494 = arith.index_cast %add3A_468 : i32 to index
        %swap3A_495 = arith.constant 16 : index
        %swap3A_496 = tpu.vector_load %arg8[%swap3A_493, %swap3A_494, %swap3A_495] {strides = array<i32>} : memref<4x80x128xf32, #tpu.memory_space<vmem>>, vector<16xf32>,
        tpu.vector_store %arg8[%swap3A_493, %swap3A_494, %swap3A_495], %mul3A_491 {strides = array<i32>} : memref<4x80x128xf32, #tpu.memory_space<vmem>>, vector<16xf32>,
        %get3A_497 = arith.constant 0 : i32
        %get3A_498 = arith.index_cast %get3A_497 : i32 to index
        %get3A_499 = arith.index_cast %add3A_468 : i32 to index
        %get3A_500 = arith.constant 32 : index
        %get3A_501 = tpu.vector_load %arg8[%get3A_498, %get3A_499, %get3A_500] {strides = array<i32>} : memref<4x80x128xf32, #tpu.memory_space<vmem>>, vector<16xf32>,
        %mul3A_502 = arith.mulf %get3A_501, %bitcast3A : vector<16xf32>
        %swap3A_503 = arith.constant 0 : i32
        %swap3A_504 = arith.index_cast %swap3A_503 : i32 to index
        %swap3A_505 = arith.index_cast %add3A_468 : i32 to index
        %swap3A_506 = arith.constant 32 : index
        %swap3A_507 = tpu.vector_load %arg8[%swap3A_504, %swap3A_505, %swap3A_506] {strides = array<i32>} : memref<4x80x128xf32, #tpu.memory_space<vmem>>, vector<16xf32>,
        tpu.vector_store %arg8[%swap3A_504, %swap3A_505, %swap3A_506], %mul3A_502 {strides = array<i32>} : memref<4x80x128xf32, #tpu.memory_space<vmem>>, vector<16xf32>,
        %get3A_508 = arith.constant 0 : i32
        %get3A_509 = arith.index_cast %get3A_508 : i32 to index
        %get3A_510 = arith.index_cast %add3A_468 : i32 to index
        %get3A_511 = arith.constant 48 : index
        %get3A_512 = tpu.vector_load %arg8[%get3A_509, %get3A_510, %get3A_511] {strides = array<i32>} : memref<4x80x128xf32, #tpu.memory_space<vmem>>, vector<16xf32>,
        %mul3A_513 = arith.mulf %get3A_512, %bitcast3A : vector<16xf32>
        %swap3A_514 = arith.constant 0 : i32
        %swap3A_515 = arith.index_cast %swap3A_514 : i32 to index
        %swap3A_516 = arith.index_cast %add3A_468 : i32 to index
        %swap3A_517 = arith.constant 48 : index
        %swap3A_518 = tpu.vector_load %arg8[%swap3A_515, %swap3A_516, %swap3A_517] {strides = array<i32>} : memref<4x80x128xf32, #tpu.memory_space<vmem>>, vector<16xf32>,
        tpu.vector_store %arg8[%swap3A_515, %swap3A_516, %swap3A_517], %mul3A_513 {strides = array<i32>} : memref<4x80x128xf32, #tpu.memory_space<vmem>>, vector<16xf32>,
        %get3A_519 = arith.constant 0 : i32
        %get3A_520 = arith.index_cast %get3A_519 : i32 to index
        %get3A_521 = arith.index_cast %add3A_468 : i32 to index
        %get3A_522 = arith.constant 64 : index
        %get3A_523 = tpu.vector_load %arg8[%get3A_520, %get3A_521, %get3A_522] {strides = array<i32>} : memref<4x80x128xf32, #tpu.memory_space<vmem>>, vector<16xf32>,
        %mul3A_524 = arith.mulf %get3A_523, %bitcast3A : vector<16xf32>
        %swap3A_525 = arith.constant 0 : i32
        %swap3A_526 = arith.index_cast %swap3A_525 : i32 to index
        %swap3A_527 = arith.index_cast %add3A_468 : i32 to index
        %swap3A_528 = arith.constant 64 : index
        %swap3A_529 = tpu.vector_load %arg8[%swap3A_526, %swap3A_527, %swap3A_528] {strides = array<i32>} : memref<4x80x128xf32, #tpu.memory_space<vmem>>, vector<16xf32>,
        tpu.vector_store %arg8[%swap3A_526, %swap3A_527, %swap3A_528], %mul3A_524 {strides = array<i32>} : memref<4x80x128xf32, #tpu.memory_space<vmem>>, vector<16xf32>,
        %get3A_530 = arith.constant 0 : i32
        %get3A_531 = arith.index_cast %get3A_530 : i32 to index
        %get3A_532 = arith.index_cast %add3A_468 : i32 to index
        %get3A_533 = arith.constant 80 : index
        %get3A_534 = tpu.vector_load %arg8[%get3A_531, %get3A_532, %get3A_533] {strides = array<i32>} : memref<4x80x128xf32, #tpu.memory_space<vmem>>, vector<16xf32>,
        %mul3A_535 = arith.mulf %get3A_534, %bitcast3A : vector<16xf32>
        %swap3A_536 = arith.constant 0 : i32
        %swap3A_537 = arith.index_cast %swap3A_536 : i32 to index
        %swap3A_538 = arith.index_cast %add3A_468 : i32 to index
        %swap3A_539 = arith.constant 80 : index
        %swap3A_540 = tpu.vector_load %arg8[%swap3A_537, %swap3A_538, %swap3A_539] {strides = array<i32>} : memref<4x80x128xf32, #tpu.memory_space<vmem>>, vector<16xf32>,
        tpu.vector_store %arg8[%swap3A_537, %swap3A_538, %swap3A_539], %mul3A_535 {strides = array<i32>} : memref<4x80x128xf32, #tpu.memory_space<vmem>>, vector<16xf32>,
        %get3A_541 = arith.constant 0 : i32
        %get3A_542 = arith.index_cast %get3A_541 : i32 to index
        %get3A_543 = arith.index_cast %add3A_468 : i32 to index
        %get3A_544 = arith.constant 96 : index
        %get3A_545 = tpu.vector_load %arg8[%get3A_542, %get3A_543, %get3A_544] {strides = array<i32>} : memref<4x80x128xf32, #tpu.memory_space<vmem>>, vector<16xf32>,
        %mul3A_546 = arith.mulf %get3A_545, %bitcast3A : vector<16xf32>
        %swap3A_547 = arith.constant 0 : i32
        %swap3A_548 = arith.index_cast %swap3A_547 : i32 to index
        %swap3A_549 = arith.index_cast %add3A_468 : i32 to index
        %swap3A_550 = arith.constant 96 : index
        %swap3A_551 = tpu.vector_load %arg8[%swap3A_548, %swap3A_549, %swap3A_550] {strides = array<i32>} : memref<4x80x128xf32, #tpu.memory_space<vmem>>, vector<16xf32>,
        tpu.vector_store %arg8[%swap3A_548, %swap3A_549, %swap3A_550], %mul3A_546 {strides = array<i32>} : memref<4x80x128xf32, #tpu.memory_space<vmem>>, vector<16xf32>,
        %get3A_552 = arith.constant 0 : i32
        %get3A_553 = arith.index_cast %get3A_552 : i32 to index
        %get3A_554 = arith.index_cast %add3A_468 : i32 to index
        %get3A_555 = arith.constant 112 : index
        %get3A_556 = tpu.vector_load %arg8[%get3A_553, %get3A_554, %get3A_555] {strides = array<i32>} : memref<4x80x128xf32, #tpu.memory_space<vmem>>, vector<16xf32>,
        %mul3A_557 = arith.mulf %get3A_556, %bitcast3A : vector<16xf32>
        %swap3A_558 = arith.constant 0 : i32
        %swap3A_559 = arith.index_cast %swap3A_558 : i32 to index
        %swap3A_560 = arith.index_cast %add3A_468 : i32 to index
        %swap3A_561 = arith.constant 112 : index
        %swap3A_562 = tpu.vector_load %arg8[%swap3A_559, %swap3A_560, %swap3A_561] {strides = array<i32>} : memref<4x80x128xf32, #tpu.memory_space<vmem>>, vector<16xf32>,
        tpu.vector_store %arg8[%swap3A_559, %swap3A_560, %swap3A_561], %mul3A_557 {strides = array<i32>} : memref<4x80x128xf32, #tpu.memory_space<vmem>>, vector<16xf32>,
      }
      %scan3A_273 = arith.constant 80 : i32
      %dma_start3A_274 = arith.constant 0 : i32
      %dma_start3A_275 = arith.constant 0 : i32
      %dma_start3A_276 = arith.constant 1 : i32
      %dma_start3A_277 = arith.constant 0 : i32
      %dma_start3A_278 = arith.constant 0 : i32
      %dma_start3A_279 = arith.constant 0 : i32
      %dma_start3A_280 = tpu.memref_slice %arg8[%dma_start3A_274, %dma_start3A_278, %dma_start3A_279] : memref<4x80x128xf32, #tpu.memory_space<vmem>> -> memref<1x80x128xf32, #tpu.memory_space<vmem>>
      %dma_start3A_281 = tpu.memref_squeeze %dma_start3A_280 : memref<1x80x128xf32, #tpu.memory_space<vmem>> -> memref<80x128xf32, #tpu.memory_space<vmem>>
      %dma_start3A_282 = arith.constant 0 : i32
      %dma_start3A_283 = tpu.memref_slice %arg7[%dma_start3A_275, %dma_start3A_276, %dma_start3A_282] : memref<4x3x80xi32, #tpu.memory_space<vmem>> -> memref<1x1x80xi32, #tpu.memory_space<vmem>>
      %dma_start3A_284 = tpu.memref_squeeze %dma_start3A_283 : memref<1x1x80xi32, #tpu.memory_space<vmem>> -> memref<80xi32, #tpu.memory_space<vmem>>
      %dma_start3A_285 = arith.constant 0 : i32
      %dma_start3A_286 = arith.constant 0 : i32
      %dma_start3A_287 = tpu.memref_slice %arg9[%dma_start3A_285, %dma_start3A_286] : memref<10240x128xf32, #tpu.memory_space<vmem_shared>> -> memref<10240x128xf32, #tpu.memory_space<vmem_shared>>
      %dma_start3A_288 = tpu.memref_slice %arg11[%dma_start3A_277] : memref<4x!tpu.dma_semaphore, #tpu.memory_space<semaphore_mem>> -> memref<1x!tpu.dma_semaphore, #tpu.memory_space<semaphore_mem>>
      %dma_start3A_289 = tpu.memref_squeeze %dma_start3A_288 : memref<1x!tpu.dma_semaphore, #tpu.memory_space<semaphore_mem>> -> memref<!tpu.dma_semaphore, #tpu.memory_space<semaphore_mem>>
      tpu.enqueue_indirect_dma source(%dma_start3A_281 : memref<80x128xf32, #tpu.memory_space<vmem>>) target(%dma_start3A_287 : memref<10240x128xf32, #tpu.memory_space<vmem_shared>>) offsets(%dma_start3A_284 : memref<80xi32, #tpu.memory_space<vmem>>) semaphore(%dma_start3A_289 : memref<!tpu.dma_semaphore, #tpu.memory_space<semaphore_mem>>) {add = true}
      %add3A_290 = arith.constant 1 : i32
      %add3A_291 = arith.addi %add3A_235, %add3A_290 : i32
      %ge3A_292 = arith.constant 2 : i32
      %ge3A_293 = arith.cmpi sge, %add3A_291, %ge3A_292 : i32
      %convert_element_type3A_294 = arith.extui %ge3A_293 : i1 to i32
      %cond3A_295 = arith.constant 0 : i32
      %cond3A_296 = arith.cmpi ne, %convert_element_type3A_294, %cond3A_295 : i32
      scf.if %cond3A_296 {
        %dma_wait3A_464 = arith.constant 3 : i32
        %dma_wait3A_465 = arith.constant 3 : i32
        %dma_wait3A_466 = arith.constant 1 : i32
        %dma_wait3A_467 = arith.constant 3 : i32
        %dma_wait3A_468 = arith.constant 0 : i32
        %dma_wait3A_469 = arith.constant 0 : i32
        %dma_wait3A_470 = tpu.memref_slice %arg8[%dma_wait3A_464, %dma_wait3A_468, %dma_wait3A_469] : memref<4x80x128xf32, #tpu.memory_space<vmem>> -> memref<1x80x128xf32, #tpu.memory_space<vmem>>
        %dma_wait3A_471 = tpu.memref_squeeze %dma_wait3A_470 : memref<1x80x128xf32, #tpu.memory_space<vmem>> -> memref<80x128xf32, #tpu.memory_space<vmem>>
        %dma_wait3A_472 = arith.constant 0 : i32
        %dma_wait3A_473 = tpu.memref_slice %arg7[%dma_wait3A_465, %dma_wait3A_466, %dma_wait3A_472] : memref<4x3x80xi32, #tpu.memory_space<vmem>> -> memref<1x1x80xi32, #tpu.memory_space<vmem>>
        %dma_wait3A_474 = tpu.memref_squeeze %dma_wait3A_473 : memref<1x1x80xi32, #tpu.memory_space<vmem>> -> memref<80xi32, #tpu.memory_space<vmem>>
        %dma_wait3A_475 = arith.constant 0 : i32
        %dma_wait3A_476 = arith.constant 0 : i32
        %dma_wait3A_477 = tpu.memref_slice %arg9[%dma_wait3A_475, %dma_wait3A_476] : memref<10240x128xf32, #tpu.memory_space<vmem_shared>> -> memref<10240x128xf32, #tpu.memory_space<vmem_shared>>
        %dma_wait3A_478 = tpu.memref_slice %arg11[%dma_wait3A_467] : memref<4x!tpu.dma_semaphore, #tpu.memory_space<semaphore_mem>> -> memref<1x!tpu.dma_semaphore, #tpu.memory_space<semaphore_mem>>
        %dma_wait3A_479 = tpu.memref_squeeze %dma_wait3A_478 : memref<1x!tpu.dma_semaphore, #tpu.memory_space<semaphore_mem>> -> memref<!tpu.dma_semaphore, #tpu.memory_space<semaphore_mem>>
        tpu.wait_indirect_dma semaphore(%dma_wait3A_479 : memref<!tpu.dma_semaphore, #tpu.memory_space<semaphore_mem>>) src(%dma_wait3A_471 : memref<80x128xf32, #tpu.memory_space<vmem>>) dst(%dma_wait3A_477 : memref<10240x128xf32, #tpu.memory_space<vmem_shared>>)
      } else {
      }
      %add3A_297 = arith.constant 2 : i32
      %add3A_298 = arith.addi %add3A_291, %add3A_297 : i32
      %lt3A_299 = arith.constant 128 : i32
      %lt3A_300 = arith.cmpi slt, %add3A_298, %lt3A_299 : i32
      %convert_element_type3A_301 = arith.extui %lt3A_300 : i1 to i32
      %cond3A_302 = arith.constant 0 : i32
      %cond3A_303 = arith.cmpi ne, %convert_element_type3A_301, %cond3A_302 : i32
      scf.if %cond3A_303 {
        %add3A_464 = arith.constant 2 : i32
        %add3A_465 = arith.addi %add3A_291, %add3A_464 : i32
        %add3A_466 = arith.addi %mul3A_2, %add3A_465 : i32
        %mul3A_467 = arith.constant 80 : i32
        %mul3A_468 = arith.muli %add3A_466, %mul3A_467 : i32
        %dma_start3A_469 = arith.constant 3 : i32
        %dma_start3A_470 = arith.constant 0 : i32
        %dma_start3A_471 = arith.constant 3 : i32
        %dma_start3A_472 = arith.constant 0 : i32
        %dma_start3A_473 = tpu.memref_slice %arg7[%dma_start3A_469, %dma_start3A_470, %dma_start3A_472] : memref<4x3x80xi32, #tpu.memory_space<vmem>> -> memref<1x1x80xi32, #tpu.memory_space<vmem>>
        %dma_start3A_474 = tpu.memref_squeeze %dma_start3A_473 : memref<1x1x80xi32, #tpu.memory_space<vmem>> -> memref<80xi32, #tpu.memory_space<vmem>>
        %dma_start3A_475 = tpu.memref_slice %arg3[%mul3A_468] : memref<327680xi32, #tpu.memory_space<hbm>> -> memref<80xi32, #tpu.memory_space<hbm>>
        %dma_start3A_476 = tpu.memref_slice %arg10[%dma_start3A_471] : memref<4x!tpu.dma_semaphore, #tpu.memory_space<semaphore_mem>> -> memref<1x!tpu.dma_semaphore, #tpu.memory_space<semaphore_mem>>
        %dma_start3A_477 = tpu.memref_squeeze %dma_start3A_476 : memref<1x!tpu.dma_semaphore, #tpu.memory_space<semaphore_mem>> -> memref<!tpu.dma_semaphore, #tpu.memory_space<semaphore_mem>>
        %dma_start3A_478 = arith.constant 0 : i32
        %dma_start3A_479 = tpu.memref_slice %arg7[%dma_start3A_469, %dma_start3A_470, %dma_start3A_478] : memref<4x3x80xi32, #tpu.memory_space<vmem>> -> memref<1x1x80xi32, #tpu.memory_space<vmem>>
        %dma_start3A_480 = tpu.memref_squeeze %dma_start3A_479 : memref<1x1x80xi32, #tpu.memory_space<vmem>> -> memref<80xi32, #tpu.memory_space<vmem>>
        %dma_start3A_481 = tpu.memref_slice %arg3[%mul3A_468] : memref<327680xi32, #tpu.memory_space<hbm>> -> memref<80xi32, #tpu.memory_space<hbm>>
        tpu.enqueue_dma source(%dma_start3A_481 : memref<80xi32, #tpu.memory_space<hbm>>) target(%dma_start3A_480 : memref<80xi32, #tpu.memory_space<vmem>>) target_semaphore(%dma_start3A_477 : memref<!tpu.dma_semaphore, #tpu.memory_space<semaphore_mem>>)
        %dma_start3A_482 = arith.constant 3 : i32
        %dma_start3A_483 = arith.constant 1 : i32
        %dma_start3A_484 = arith.constant 3 : i32
        %dma_start3A_485 = arith.constant 0 : i32
        %dma_start3A_486 = tpu.memref_slice %arg7[%dma_start3A_482, %dma_start3A_483, %dma_start3A_485] : memref<4x3x80xi32, #tpu.memory_space<vmem>> -> memref<1x1x80xi32, #tpu.memory_space<vmem>>
        %dma_start3A_487 = tpu.memref_squeeze %dma_start3A_486 : memref<1x1x80xi32, #tpu.memory_space<vmem>> -> memref<80xi32, #tpu.memory_space<vmem>>
        %dma_start3A_488 = tpu.memref_slice %arg4[%mul3A_468] : memref<327680xi32, #tpu.memory_space<hbm>> -> memref<80xi32, #tpu.memory_space<hbm>>
        %dma_start3A_489 = tpu.memref_slice %arg10[%dma_start3A_484] : memref<4x!tpu.dma_semaphore, #tpu.memory_space<semaphore_mem>> -> memref<1x!tpu.dma_semaphore, #tpu.memory_space<semaphore_mem>>
        %dma_start3A_490 = tpu.memref_squeeze %dma_start3A_489 : memref<1x!tpu.dma_semaphore, #tpu.memory_space<semaphore_mem>> -> memref<!tpu.dma_semaphore, #tpu.memory_space<semaphore_mem>>
        %dma_start3A_491 = arith.constant 0 : i32
        %dma_start3A_492 = tpu.memref_slice %arg7[%dma_start3A_482, %dma_start3A_483, %dma_start3A_491] : memref<4x3x80xi32, #tpu.memory_space<vmem>> -> memref<1x1x80xi32, #tpu.memory_space<vmem>>
        %dma_start3A_493 = tpu.memref_squeeze %dma_start3A_492 : memref<1x1x80xi32, #tpu.memory_space<vmem>> -> memref<80xi32, #tpu.memory_space<vmem>>
        %dma_start3A_494 = tpu.memref_slice %arg4[%mul3A_468] : memref<327680xi32, #tpu.memory_space<hbm>> -> memref<80xi32, #tpu.memory_space<hbm>>
        tpu.enqueue_dma source(%dma_start3A_494 : memref<80xi32, #tpu.memory_space<hbm>>) target(%dma_start3A_493 : memref<80xi32, #tpu.memory_space<vmem>>) target_semaphore(%dma_start3A_490 : memref<!tpu.dma_semaphore, #tpu.memory_space<semaphore_mem>>)
        %dma_start3A_495 = arith.constant 3 : i32
        %dma_start3A_496 = arith.constant 2 : i32
        %dma_start3A_497 = arith.constant 3 : i32
        %dma_start3A_498 = arith.constant 0 : i32
        %dma_start3A_499 = tpu.memref_slice %arg7[%dma_start3A_495, %dma_start3A_496, %dma_start3A_498] : memref<4x3x80xi32, #tpu.memory_space<vmem>> -> memref<1x1x80xi32, #tpu.memory_space<vmem>>
        %dma_start3A_500 = tpu.memref_squeeze %dma_start3A_499 : memref<1x1x80xi32, #tpu.memory_space<vmem>> -> memref<80xi32, #tpu.memory_space<vmem>>
        %dma_start3A_501 = tpu.memref_slice %arg5[%mul3A_468] : memref<327680xi32, #tpu.memory_space<hbm>> -> memref<80xi32, #tpu.memory_space<hbm>>
        %dma_start3A_502 = tpu.memref_slice %arg10[%dma_start3A_497] : memref<4x!tpu.dma_semaphore, #tpu.memory_space<semaphore_mem>> -> memref<1x!tpu.dma_semaphore, #tpu.memory_space<semaphore_mem>>
        %dma_start3A_503 = tpu.memref_squeeze %dma_start3A_502 : memref<1x!tpu.dma_semaphore, #tpu.memory_space<semaphore_mem>> -> memref<!tpu.dma_semaphore, #tpu.memory_space<semaphore_mem>>
        %dma_start3A_504 = arith.constant 0 : i32
        %dma_start3A_505 = tpu.memref_slice %arg7[%dma_start3A_495, %dma_start3A_496, %dma_start3A_504] : memref<4x3x80xi32, #tpu.memory_space<vmem>> -> memref<1x1x80xi32, #tpu.memory_space<vmem>>
        %dma_start3A_506 = tpu.memref_squeeze %dma_start3A_505 : memref<1x1x80xi32, #tpu.memory_space<vmem>> -> memref<80xi32, #tpu.memory_space<vmem>>
        %dma_start3A_507 = tpu.memref_slice %arg5[%mul3A_468] : memref<327680xi32, #tpu.memory_space<hbm>> -> memref<80xi32, #tpu.memory_space<hbm>>
        tpu.enqueue_dma source(%dma_start3A_507 : memref<80xi32, #tpu.memory_space<hbm>>) target(%dma_start3A_506 : memref<80xi32, #tpu.memory_space<vmem>>) target_semaphore(%dma_start3A_503 : memref<!tpu.dma_semaphore, #tpu.memory_space<semaphore_mem>>)
      } else {
      }
      %add3A_304 = arith.constant 1 : i32
      %add3A_305 = arith.addi %add3A_291, %add3A_304 : i32
      %lt3A_306 = arith.constant 128 : i32
      %lt3A_307 = arith.cmpi slt, %add3A_305, %lt3A_306 : i32
      %convert_element_type3A_308 = arith.extui %lt3A_307 : i1 to i32
      %cond3A_309 = arith.constant 0 : i32
      %cond3A_310 = arith.cmpi ne, %convert_element_type3A_308, %cond3A_309 : i32
      scf.if %cond3A_310 {
        %add3A_464 = arith.constant 1 : i32
        %add3A_465 = arith.addi %add3A_291, %add3A_464 : i32
        %add3A_466 = arith.addi %mul3A_2, %add3A_465 : i32
        %mul3A_467 = arith.constant 80 : i32
        %mul3A_468 = arith.muli %add3A_466, %mul3A_467 : i32
        %dma_wait3A_469 = arith.constant 2 : i32
        %dma_wait3A_470 = arith.constant 0 : i32
        %dma_wait3A_471 = arith.constant 2 : i32
        %dma_wait3A_472 = arith.constant 0 : i32
        %dma_wait3A_473 = tpu.memref_slice %arg7[%dma_wait3A_469, %dma_wait3A_470, %dma_wait3A_472] : memref<4x3x80xi32, #tpu.memory_space<vmem>> -> memref<1x1x80xi32, #tpu.memory_space<vmem>>
        %dma_wait3A_474 = tpu.memref_squeeze %dma_wait3A_473 : memref<1x1x80xi32, #tpu.memory_space<vmem>> -> memref<80xi32, #tpu.memory_space<vmem>>
        %dma_wait3A_475 = tpu.memref_slice %arg3[%mul3A_468] : memref<327680xi32, #tpu.memory_space<hbm>> -> memref<80xi32, #tpu.memory_space<hbm>>
        %dma_wait3A_476 = tpu.memref_slice %arg10[%dma_wait3A_471] : memref<4x!tpu.dma_semaphore, #tpu.memory_space<semaphore_mem>> -> memref<1x!tpu.dma_semaphore, #tpu.memory_space<semaphore_mem>>
        %dma_wait3A_477 = tpu.memref_squeeze %dma_wait3A_476 : memref<1x!tpu.dma_semaphore, #tpu.memory_space<semaphore_mem>> -> memref<!tpu.dma_semaphore, #tpu.memory_space<semaphore_mem>>
        %dma_wait3A_478 = arith.constant 0 : i32
        %dma_wait3A_479 = tpu.memref_slice %arg7[%dma_wait3A_469, %dma_wait3A_470, %dma_wait3A_478] : memref<4x3x80xi32, #tpu.memory_space<vmem>> -> memref<1x1x80xi32, #tpu.memory_space<vmem>>
        %dma_wait3A_480 = tpu.memref_squeeze %dma_wait3A_479 : memref<1x1x80xi32, #tpu.memory_space<vmem>> -> memref<80xi32, #tpu.memory_space<vmem>>
        %dma_wait3A_481 = tpu.memref_slice %arg3[%mul3A_468] : memref<327680xi32, #tpu.memory_space<hbm>> -> memref<80xi32, #tpu.memory_space<hbm>>
        tpu.wait_dma2 semaphore(%dma_wait3A_477 : memref<!tpu.dma_semaphore, #tpu.memory_space<semaphore_mem>>) src(%dma_wait3A_481 : memref<80xi32, #tpu.memory_space<hbm>>) dst(%dma_wait3A_480 : memref<80xi32, #tpu.memory_space<vmem>>)
        %dma_wait3A_482 = arith.constant 2 : i32
        %dma_wait3A_483 = arith.constant 1 : i32
        %dma_wait3A_484 = arith.constant 2 : i32
        %dma_wait3A_485 = arith.constant 0 : i32
        %dma_wait3A_486 = tpu.memref_slice %arg7[%dma_wait3A_482, %dma_wait3A_483, %dma_wait3A_485] : memref<4x3x80xi32, #tpu.memory_space<vmem>> -> memref<1x1x80xi32, #tpu.memory_space<vmem>>
        %dma_wait3A_487 = tpu.memref_squeeze %dma_wait3A_486 : memref<1x1x80xi32, #tpu.memory_space<vmem>> -> memref<80xi32, #tpu.memory_space<vmem>>
        %dma_wait3A_488 = tpu.memref_slice %arg4[%mul3A_468] : memref<327680xi32, #tpu.memory_space<hbm>> -> memref<80xi32, #tpu.memory_space<hbm>>
        %dma_wait3A_489 = tpu.memref_slice %arg10[%dma_wait3A_484] : memref<4x!tpu.dma_semaphore, #tpu.memory_space<semaphore_mem>> -> memref<1x!tpu.dma_semaphore, #tpu.memory_space<semaphore_mem>>
        %dma_wait3A_490 = tpu.memref_squeeze %dma_wait3A_489 : memref<1x!tpu.dma_semaphore, #tpu.memory_space<semaphore_mem>> -> memref<!tpu.dma_semaphore, #tpu.memory_space<semaphore_mem>>
        %dma_wait3A_491 = arith.constant 0 : i32
        %dma_wait3A_492 = tpu.memref_slice %arg7[%dma_wait3A_482, %dma_wait3A_483, %dma_wait3A_491] : memref<4x3x80xi32, #tpu.memory_space<vmem>> -> memref<1x1x80xi32, #tpu.memory_space<vmem>>
        %dma_wait3A_493 = tpu.memref_squeeze %dma_wait3A_492 : memref<1x1x80xi32, #tpu.memory_space<vmem>> -> memref<80xi32, #tpu.memory_space<vmem>>
        %dma_wait3A_494 = tpu.memref_slice %arg4[%mul3A_468] : memref<327680xi32, #tpu.memory_space<hbm>> -> memref<80xi32, #tpu.memory_space<hbm>>
        tpu.wait_dma2 semaphore(%dma_wait3A_490 : memref<!tpu.dma_semaphore, #tpu.memory_space<semaphore_mem>>) src(%dma_wait3A_494 : memref<80xi32, #tpu.memory_space<hbm>>) dst(%dma_wait3A_493 : memref<80xi32, #tpu.memory_space<vmem>>)
        %dma_wait3A_495 = arith.constant 2 : i32
        %dma_wait3A_496 = arith.constant 2 : i32
        %dma_wait3A_497 = arith.constant 2 : i32
        %dma_wait3A_498 = arith.constant 0 : i32
        %dma_wait3A_499 = tpu.memref_slice %arg7[%dma_wait3A_495, %dma_wait3A_496, %dma_wait3A_498] : memref<4x3x80xi32, #tpu.memory_space<vmem>> -> memref<1x1x80xi32, #tpu.memory_space<vmem>>
        %dma_wait3A_500 = tpu.memref_squeeze %dma_wait3A_499 : memref<1x1x80xi32, #tpu.memory_space<vmem>> -> memref<80xi32, #tpu.memory_space<vmem>>
        %dma_wait3A_501 = tpu.memref_slice %arg5[%mul3A_468] : memref<327680xi32, #tpu.memory_space<hbm>> -> memref<80xi32, #tpu.memory_space<hbm>>
        %dma_wait3A_502 = tpu.memref_slice %arg10[%dma_wait3A_497] : memref<4x!tpu.dma_semaphore, #tpu.memory_space<semaphore_mem>> -> memref<1x!tpu.dma_semaphore, #tpu.memory_space<semaphore_mem>>
        %dma_wait3A_503 = tpu.memref_squeeze %dma_wait3A_502 : memref<1x!tpu.dma_semaphore, #tpu.memory_space<semaphore_mem>> -> memref<!tpu.dma_semaphore, #tpu.memory_space<semaphore_mem>>
        %dma_wait3A_504 = arith.constant 0 : i32
        %dma_wait3A_505 = tpu.memref_slice %arg7[%dma_wait3A_495, %dma_wait3A_496, %dma_wait3A_504] : memref<4x3x80xi32, #tpu.memory_space<vmem>> -> memref<1x1x80xi32, #tpu.memory_space<vmem>>
        %dma_wait3A_506 = tpu.memref_squeeze %dma_wait3A_505 : memref<1x1x80xi32, #tpu.memory_space<vmem>> -> memref<80xi32, #tpu.memory_space<vmem>>
        %dma_wait3A_507 = tpu.memref_slice %arg5[%mul3A_468] : memref<327680xi32, #tpu.memory_space<hbm>> -> memref<80xi32, #tpu.memory_space<hbm>>
        tpu.wait_dma2 semaphore(%dma_wait3A_503 : memref<!tpu.dma_semaphore, #tpu.memory_space<semaphore_mem>>) src(%dma_wait3A_507 : memref<80xi32, #tpu.memory_space<hbm>>) dst(%dma_wait3A_506 : memref<80xi32, #tpu.memory_space<vmem>>)
        %dma_start3A_508 = arith.constant 2 : i32
        %dma_start3A_509 = arith.constant 0 : i32
        %dma_start3A_510 = arith.constant 2 : i32
        %dma_start3A_511 = arith.constant 2 : i32
        %dma_start3A_512 = arith.constant 0 : i32
        %dma_start3A_513 = arith.constant 0 : i32
        %dma_start3A_514 = tpu.memref_slice %arg8[%dma_start3A_510, %dma_start3A_512, %dma_start3A_513] : memref<4x80x128xf32, #tpu.memory_space<vmem>> -> memref<1x80x128xf32, #tpu.memory_space<vmem>>
        %dma_start3A_515 = tpu.memref_squeeze %dma_start3A_514 : memref<1x80x128xf32, #tpu.memory_space<vmem>> -> memref<80x128xf32, #tpu.memory_space<vmem>>
        %dma_start3A_516 = arith.constant 0 : i32
        %dma_start3A_517 = tpu.memref_slice %arg7[%dma_start3A_508, %dma_start3A_509, %dma_start3A_516] : memref<4x3x80xi32, #tpu.memory_space<vmem>> -> memref<1x1x80xi32, #tpu.memory_space<vmem>>
        %dma_start3A_518 = tpu.memref_squeeze %dma_start3A_517 : memref<1x1x80xi32, #tpu.memory_space<vmem>> -> memref<80xi32, #tpu.memory_space<vmem>>
        %dma_start3A_519 = arith.constant 0 : i32
        %dma_start3A_520 = arith.constant 0 : i32
        %dma_start3A_521 = tpu.memref_slice %arg2[%dma_start3A_519, %dma_start3A_520] : memref<10000x128xf32, #tpu.memory_space<hbm>> -> memref<10000x128xf32, #tpu.memory_space<hbm>>
        %dma_start3A_522 = tpu.memref_slice %arg10[%dma_start3A_511] : memref<4x!tpu.dma_semaphore, #tpu.memory_space<semaphore_mem>> -> memref<1x!tpu.dma_semaphore, #tpu.memory_space<semaphore_mem>>
        %dma_start3A_523 = tpu.memref_squeeze %dma_start3A_522 : memref<1x!tpu.dma_semaphore, #tpu.memory_space<semaphore_mem>> -> memref<!tpu.dma_semaphore, #tpu.memory_space<semaphore_mem>>
        tpu.enqueue_indirect_dma source(%dma_start3A_521 : memref<10000x128xf32, #tpu.memory_space<hbm>>) target(%dma_start3A_515 : memref<80x128xf32, #tpu.memory_space<vmem>>) offsets(%dma_start3A_518 : memref<80xi32, #tpu.memory_space<vmem>>) semaphore(%dma_start3A_523 : memref<!tpu.dma_semaphore, #tpu.memory_space<semaphore_mem>>)
      } else {
      }
      %dma_wait3A_311 = arith.constant 1 : i32
      %dma_wait3A_312 = arith.constant 0 : i32
      %dma_wait3A_313 = arith.constant 1 : i32
      %dma_wait3A_314 = arith.constant 1 : i32
      %dma_wait3A_315 = arith.constant 0 : i32
      %dma_wait3A_316 = arith.constant 0 : i32
      %dma_wait3A_317 = tpu.memref_slice %arg8[%dma_wait3A_313, %dma_wait3A_315, %dma_wait3A_316] : memref<4x80x128xf32, #tpu.memory_space<vmem>> -> memref<1x80x128xf32, #tpu.memory_space<vmem>>
      %dma_wait3A_318 = tpu.memref_squeeze %dma_wait3A_317 : memref<1x80x128xf32, #tpu.memory_space<vmem>> -> memref<80x128xf32, #tpu.memory_space<vmem>>
      %dma_wait3A_319 = arith.constant 0 : i32
      %dma_wait3A_320 = tpu.memref_slice %arg7[%dma_wait3A_311, %dma_wait3A_312, %dma_wait3A_319] : memref<4x3x80xi32, #tpu.memory_space<vmem>> -> memref<1x1x80xi32, #tpu.memory_space<vmem>>
      %dma_wait3A_321 = tpu.memref_squeeze %dma_wait3A_320 : memref<1x1x80xi32, #tpu.memory_space<vmem>> -> memref<80xi32, #tpu.memory_space<vmem>>
      %dma_wait3A_322 = arith.constant 0 : i32
      %dma_wait3A_323 = arith.constant 0 : i32
      %dma_wait3A_324 = tpu.memref_slice %arg2[%dma_wait3A_322, %dma_wait3A_323] : memref<10000x128xf32, #tpu.memory_space<hbm>> -> memref<10000x128xf32, #tpu.memory_space<hbm>>
      %dma_wait3A_325 = tpu.memref_slice %arg10[%dma_wait3A_314] : memref<4x!tpu.dma_semaphore, #tpu.memory_space<semaphore_mem>> -> memref<1x!tpu.dma_semaphore, #tpu.memory_space<semaphore_mem>>
      %dma_wait3A_326 = tpu.memref_squeeze %dma_wait3A_325 : memref<1x!tpu.dma_semaphore, #tpu.memory_space<semaphore_mem>> -> memref<!tpu.dma_semaphore, #tpu.memory_space<semaphore_mem>>
      tpu.wait_indirect_dma semaphore(%dma_wait3A_326 : memref<!tpu.dma_semaphore, #tpu.memory_space<semaphore_mem>>) src(%dma_wait3A_324 : memref<10000x128xf32, #tpu.memory_space<hbm>>) dst(%dma_wait3A_318 : memref<80x128xf32, #tpu.memory_space<vmem>>)
      %scan3A_327 = arith.constant 0 : i32
      %scan3A_328 = arith.constant 80 : i32
      %scan3A_329 = arith.addi %scan3A_327, %scan3A_328 : i32
      %scan3A_330 = arith.constant 1 : i32
      scf.for %scan3A_464 = %scan3A_327 to %scan3A_329 step %scan3A_330  : i32 {
        %mul3A_465 = arith.constant 1 : i32
        %mul3A_466 = arith.muli %scan3A_464, %mul3A_465 : i32
        %add3A_467 = arith.constant 0 : i32
        %add3A_468 = arith.addi %add3A_467, %mul3A_466 : i32
        %broadcast_in_dim3A = arith.constant 0 : i32
        %broadcast_in_dim3A_469 = vector.broadcast %broadcast_in_dim3A : i32 to vector<16xi32>
        %add3A_470 = vector.broadcast %add3A_468 : i32 to vector<16xi32>
        %add3A_471 = arith.addi %broadcast_in_dim3A_469, %add3A_470 : vector<16xi32>
        %gather3A = arith.constant 1 : i32
        %gather3A_472 = arith.constant 2 : i32
        %gather3A_473 = arith.constant 0 : i32
        %gather3A_474 = tpu.memref_slice %arg7[%gather3A, %gather3A_472, %gather3A_473] : memref<4x3x80xi32, #tpu.memory_space<vmem>> -> memref<1x1x80xi32, #tpu.memory_space<vmem>>
        %gather3A_475 = tpu.memref_squeeze %gather3A_474 : memref<1x1x80xi32, #tpu.memory_space<vmem>> -> memref<80xi32, #tpu.memory_space<vmem>>
        %gather3A_476 = tpu.vector_load_idx %gather3A_475[%add3A_471] : memref<80xi32, #tpu.memory_space<vmem>>[vector<16xi32>], vector<16xi32>,
        %bitcast3A = vector.bitcast %gather3A_476 : vector<16xi32> to vector<16xf32>
        %get3A = arith.constant 1 : i32
        %get3A_477 = arith.index_cast %get3A : i32 to index
        %get3A_478 = arith.index_cast %add3A_468 : i32 to index
        %get3A_479 = arith.constant 0 : index
        %get3A_480 = tpu.vector_load %arg8[%get3A_477, %get3A_478, %get3A_479] {strides = array<i32>} : memref<4x80x128xf32, #tpu.memory_space<vmem>>, vector<16xf32>,
        %mul3A_481 = arith.mulf %get3A_480, %bitcast3A : vector<16xf32>
        %swap3A = arith.constant 1 : i32
        %swap3A_482 = arith.index_cast %swap3A : i32 to index
        %swap3A_483 = arith.index_cast %add3A_468 : i32 to index
        %swap3A_484 = arith.constant 0 : index
        %swap3A_485 = tpu.vector_load %arg8[%swap3A_482, %swap3A_483, %swap3A_484] {strides = array<i32>} : memref<4x80x128xf32, #tpu.memory_space<vmem>>, vector<16xf32>,
        tpu.vector_store %arg8[%swap3A_482, %swap3A_483, %swap3A_484], %mul3A_481 {strides = array<i32>} : memref<4x80x128xf32, #tpu.memory_space<vmem>>, vector<16xf32>,
        %get3A_486 = arith.constant 1 : i32
        %get3A_487 = arith.index_cast %get3A_486 : i32 to index
        %get3A_488 = arith.index_cast %add3A_468 : i32 to index
        %get3A_489 = arith.constant 16 : index
        %get3A_490 = tpu.vector_load %arg8[%get3A_487, %get3A_488, %get3A_489] {strides = array<i32>} : memref<4x80x128xf32, #tpu.memory_space<vmem>>, vector<16xf32>,
        %mul3A_491 = arith.mulf %get3A_490, %bitcast3A : vector<16xf32>
        %swap3A_492 = arith.constant 1 : i32
        %swap3A_493 = arith.index_cast %swap3A_492 : i32 to index
        %swap3A_494 = arith.index_cast %add3A_468 : i32 to index
        %swap3A_495 = arith.constant 16 : index
        %swap3A_496 = tpu.vector_load %arg8[%swap3A_493, %swap3A_494, %swap3A_495] {strides = array<i32>} : memref<4x80x128xf32, #tpu.memory_space<vmem>>, vector<16xf32>,
        tpu.vector_store %arg8[%swap3A_493, %swap3A_494, %swap3A_495], %mul3A_491 {strides = array<i32>} : memref<4x80x128xf32, #tpu.memory_space<vmem>>, vector<16xf32>,
        %get3A_497 = arith.constant 1 : i32
        %get3A_498 = arith.index_cast %get3A_497 : i32 to index
        %get3A_499 = arith.index_cast %add3A_468 : i32 to index
        %get3A_500 = arith.constant 32 : index
        %get3A_501 = tpu.vector_load %arg8[%get3A_498, %get3A_499, %get3A_500] {strides = array<i32>} : memref<4x80x128xf32, #tpu.memory_space<vmem>>, vector<16xf32>,
        %mul3A_502 = arith.mulf %get3A_501, %bitcast3A : vector<16xf32>
        %swap3A_503 = arith.constant 1 : i32
        %swap3A_504 = arith.index_cast %swap3A_503 : i32 to index
        %swap3A_505 = arith.index_cast %add3A_468 : i32 to index
        %swap3A_506 = arith.constant 32 : index
        %swap3A_507 = tpu.vector_load %arg8[%swap3A_504, %swap3A_505, %swap3A_506] {strides = array<i32>} : memref<4x80x128xf32, #tpu.memory_space<vmem>>, vector<16xf32>,
        tpu.vector_store %arg8[%swap3A_504, %swap3A_505, %swap3A_506], %mul3A_502 {strides = array<i32>} : memref<4x80x128xf32, #tpu.memory_space<vmem>>, vector<16xf32>,
        %get3A_508 = arith.constant 1 : i32
        %get3A_509 = arith.index_cast %get3A_508 : i32 to index
        %get3A_510 = arith.index_cast %add3A_468 : i32 to index
        %get3A_511 = arith.constant 48 : index
        %get3A_512 = tpu.vector_load %arg8[%get3A_509, %get3A_510, %get3A_511] {strides = array<i32>} : memref<4x80x128xf32, #tpu.memory_space<vmem>>, vector<16xf32>,
        %mul3A_513 = arith.mulf %get3A_512, %bitcast3A : vector<16xf32>
        %swap3A_514 = arith.constant 1 : i32
        %swap3A_515 = arith.index_cast %swap3A_514 : i32 to index
        %swap3A_516 = arith.index_cast %add3A_468 : i32 to index
        %swap3A_517 = arith.constant 48 : index
        %swap3A_518 = tpu.vector_load %arg8[%swap3A_515, %swap3A_516, %swap3A_517] {strides = array<i32>} : memref<4x80x128xf32, #tpu.memory_space<vmem>>, vector<16xf32>,
        tpu.vector_store %arg8[%swap3A_515, %swap3A_516, %swap3A_517], %mul3A_513 {strides = array<i32>} : memref<4x80x128xf32, #tpu.memory_space<vmem>>, vector<16xf32>,
        %get3A_519 = arith.constant 1 : i32
        %get3A_520 = arith.index_cast %get3A_519 : i32 to index
        %get3A_521 = arith.index_cast %add3A_468 : i32 to index
        %get3A_522 = arith.constant 64 : index
        %get3A_523 = tpu.vector_load %arg8[%get3A_520, %get3A_521, %get3A_522] {strides = array<i32>} : memref<4x80x128xf32, #tpu.memory_space<vmem>>, vector<16xf32>,
        %mul3A_524 = arith.mulf %get3A_523, %bitcast3A : vector<16xf32>
        %swap3A_525 = arith.constant 1 : i32
        %swap3A_526 = arith.index_cast %swap3A_525 : i32 to index
        %swap3A_527 = arith.index_cast %add3A_468 : i32 to index
        %swap3A_528 = arith.constant 64 : index
        %swap3A_529 = tpu.vector_load %arg8[%swap3A_526, %swap3A_527, %swap3A_528] {strides = array<i32>} : memref<4x80x128xf32, #tpu.memory_space<vmem>>, vector<16xf32>,
        tpu.vector_store %arg8[%swap3A_526, %swap3A_527, %swap3A_528], %mul3A_524 {strides = array<i32>} : memref<4x80x128xf32, #tpu.memory_space<vmem>>, vector<16xf32>,
        %get3A_530 = arith.constant 1 : i32
        %get3A_531 = arith.index_cast %get3A_530 : i32 to index
        %get3A_532 = arith.index_cast %add3A_468 : i32 to index
        %get3A_533 = arith.constant 80 : index
        %get3A_534 = tpu.vector_load %arg8[%get3A_531, %get3A_532, %get3A_533] {strides = array<i32>} : memref<4x80x128xf32, #tpu.memory_space<vmem>>, vector<16xf32>,
        %mul3A_535 = arith.mulf %get3A_534, %bitcast3A : vector<16xf32>
        %swap3A_536 = arith.constant 1 : i32
        %swap3A_537 = arith.index_cast %swap3A_536 : i32 to index
        %swap3A_538 = arith.index_cast %add3A_468 : i32 to index
        %swap3A_539 = arith.constant 80 : index
        %swap3A_540 = tpu.vector_load %arg8[%swap3A_537, %swap3A_538, %swap3A_539] {strides = array<i32>} : memref<4x80x128xf32, #tpu.memory_space<vmem>>, vector<16xf32>,
        tpu.vector_store %arg8[%swap3A_537, %swap3A_538, %swap3A_539], %mul3A_535 {strides = array<i32>} : memref<4x80x128xf32, #tpu.memory_space<vmem>>, vector<16xf32>,
        %get3A_541 = arith.constant 1 : i32
        %get3A_542 = arith.index_cast %get3A_541 : i32 to index
        %get3A_543 = arith.index_cast %add3A_468 : i32 to index
        %get3A_544 = arith.constant 96 : index
        %get3A_545 = tpu.vector_load %arg8[%get3A_542, %get3A_543, %get3A_544] {strides = array<i32>} : memref<4x80x128xf32, #tpu.memory_space<vmem>>, vector<16xf32>,
        %mul3A_546 = arith.mulf %get3A_545, %bitcast3A : vector<16xf32>
        %swap3A_547 = arith.constant 1 : i32
        %swap3A_548 = arith.index_cast %swap3A_547 : i32 to index
        %swap3A_549 = arith.index_cast %add3A_468 : i32 to index
        %swap3A_550 = arith.constant 96 : index
        %swap3A_551 = tpu.vector_load %arg8[%swap3A_548, %swap3A_549, %swap3A_550] {strides = array<i32>} : memref<4x80x128xf32, #tpu.memory_space<vmem>>, vector<16xf32>,
        tpu.vector_store %arg8[%swap3A_548, %swap3A_549, %swap3A_550], %mul3A_546 {strides = array<i32>} : memref<4x80x128xf32, #tpu.memory_space<vmem>>, vector<16xf32>,
        %get3A_552 = arith.constant 1 : i32
        %get3A_553 = arith.index_cast %get3A_552 : i32 to index
        %get3A_554 = arith.index_cast %add3A_468 : i32 to index
        %get3A_555 = arith.constant 112 : index
        %get3A_556 = tpu.vector_load %arg8[%get3A_553, %get3A_554, %get3A_555] {strides = array<i32>} : memref<4x80x128xf32, #tpu.memory_space<vmem>>, vector<16xf32>,
        %mul3A_557 = arith.mulf %get3A_556, %bitcast3A : vector<16xf32>
        %swap3A_558 = arith.constant 1 : i32
        %swap3A_559 = arith.index_cast %swap3A_558 : i32 to index
        %swap3A_560 = arith.index_cast %add3A_468 : i32 to index
        %swap3A_561 = arith.constant 112 : index
        %swap3A_562 = tpu.vector_load %arg8[%swap3A_559, %swap3A_560, %swap3A_561] {strides = array<i32>} : memref<4x80x128xf32, #tpu.memory_space<vmem>>, vector<16xf32>,
        tpu.vector_store %arg8[%swap3A_559, %swap3A_560, %swap3A_561], %mul3A_557 {strides = array<i32>} : memref<4x80x128xf32, #tpu.memory_space<vmem>>, vector<16xf32>,
      }
      %scan3A_331 = arith.constant 80 : i32
      %dma_start3A_332 = arith.constant 1 : i32
      %dma_start3A_333 = arith.constant 1 : i32
      %dma_start3A_334 = arith.constant 1 : i32
      %dma_start3A_335 = arith.constant 1 : i32
      %dma_start3A_336 = arith.constant 0 : i32
      %dma_start3A_337 = arith.constant 0 : i32
      %dma_start3A_338 = tpu.memref_slice %arg8[%dma_start3A_332, %dma_start3A_336, %dma_start3A_337] : memref<4x80x128xf32, #tpu.memory_space<vmem>> -> memref<1x80x128xf32, #tpu.memory_space<vmem>>
      %dma_start3A_339 = tpu.memref_squeeze %dma_start3A_338 : memref<1x80x128xf32, #tpu.memory_space<vmem>> -> memref<80x128xf32, #tpu.memory_space<vmem>>
      %dma_start3A_340 = arith.constant 0 : i32
      %dma_start3A_341 = tpu.memref_slice %arg7[%dma_start3A_333, %dma_start3A_334, %dma_start3A_340] : memref<4x3x80xi32, #tpu.memory_space<vmem>> -> memref<1x1x80xi32, #tpu.memory_space<vmem>>
      %dma_start3A_342 = tpu.memref_squeeze %dma_start3A_341 : memref<1x1x80xi32, #tpu.memory_space<vmem>> -> memref<80xi32, #tpu.memory_space<vmem>>
      %dma_start3A_343 = arith.constant 0 : i32
      %dma_start3A_344 = arith.constant 0 : i32
      %dma_start3A_345 = tpu.memref_slice %arg9[%dma_start3A_343, %dma_start3A_344] : memref<10240x128xf32, #tpu.memory_space<vmem_shared>> -> memref<10240x128xf32, #tpu.memory_space<vmem_shared>>
      %dma_start3A_346 = tpu.memref_slice %arg11[%dma_start3A_335] : memref<4x!tpu.dma_semaphore, #tpu.memory_space<semaphore_mem>> -> memref<1x!tpu.dma_semaphore, #tpu.memory_space<semaphore_mem>>
      %dma_start3A_347 = tpu.memref_squeeze %dma_start3A_346 : memref<1x!tpu.dma_semaphore, #tpu.memory_space<semaphore_mem>> -> memref<!tpu.dma_semaphore, #tpu.memory_space<semaphore_mem>>
      tpu.enqueue_indirect_dma source(%dma_start3A_339 : memref<80x128xf32, #tpu.memory_space<vmem>>) target(%dma_start3A_345 : memref<10240x128xf32, #tpu.memory_space<vmem_shared>>) offsets(%dma_start3A_342 : memref<80xi32, #tpu.memory_space<vmem>>) semaphore(%dma_start3A_347 : memref<!tpu.dma_semaphore, #tpu.memory_space<semaphore_mem>>) {add = true}
      %add3A_348 = arith.constant 2 : i32
      %add3A_349 = arith.addi %add3A_235, %add3A_348 : i32
      %ge3A_350 = arith.constant 2 : i32
      %ge3A_351 = arith.cmpi sge, %add3A_349, %ge3A_350 : i32
      %convert_element_type3A_352 = arith.extui %ge3A_351 : i1 to i32
      %cond3A_353 = arith.constant 0 : i32
      %cond3A_354 = arith.cmpi ne, %convert_element_type3A_352, %cond3A_353 : i32
      scf.if %cond3A_354 {
        %dma_wait3A_464 = arith.constant 0 : i32
        %dma_wait3A_465 = arith.constant 0 : i32
        %dma_wait3A_466 = arith.constant 1 : i32
        %dma_wait3A_467 = arith.constant 0 : i32
        %dma_wait3A_468 = arith.constant 0 : i32
        %dma_wait3A_469 = arith.constant 0 : i32
        %dma_wait3A_470 = tpu.memref_slice %arg8[%dma_wait3A_464, %dma_wait3A_468, %dma_wait3A_469] : memref<4x80x128xf32, #tpu.memory_space<vmem>> -> memref<1x80x128xf32, #tpu.memory_space<vmem>>
        %dma_wait3A_471 = tpu.memref_squeeze %dma_wait3A_470 : memref<1x80x128xf32, #tpu.memory_space<vmem>> -> memref<80x128xf32, #tpu.memory_space<vmem>>
        %dma_wait3A_472 = arith.constant 0 : i32
        %dma_wait3A_473 = tpu.memref_slice %arg7[%dma_wait3A_465, %dma_wait3A_466, %dma_wait3A_472] : memref<4x3x80xi32, #tpu.memory_space<vmem>> -> memref<1x1x80xi32, #tpu.memory_space<vmem>>
        %dma_wait3A_474 = tpu.memref_squeeze %dma_wait3A_473 : memref<1x1x80xi32, #tpu.memory_space<vmem>> -> memref<80xi32, #tpu.memory_space<vmem>>
        %dma_wait3A_475 = arith.constant 0 : i32
        %dma_wait3A_476 = arith.constant 0 : i32
        %dma_wait3A_477 = tpu.memref_slice %arg9[%dma_wait3A_475, %dma_wait3A_476] : memref<10240x128xf32, #tpu.memory_space<vmem_shared>> -> memref<10240x128xf32, #tpu.memory_space<vmem_shared>>
        %dma_wait3A_478 = tpu.memref_slice %arg11[%dma_wait3A_467] : memref<4x!tpu.dma_semaphore, #tpu.memory_space<semaphore_mem>> -> memref<1x!tpu.dma_semaphore, #tpu.memory_space<semaphore_mem>>
        %dma_wait3A_479 = tpu.memref_squeeze %dma_wait3A_478 : memref<1x!tpu.dma_semaphore, #tpu.memory_space<semaphore_mem>> -> memref<!tpu.dma_semaphore, #tpu.memory_space<semaphore_mem>>
        tpu.wait_indirect_dma semaphore(%dma_wait3A_479 : memref<!tpu.dma_semaphore, #tpu.memory_space<semaphore_mem>>) src(%dma_wait3A_471 : memref<80x128xf32, #tpu.memory_space<vmem>>) dst(%dma_wait3A_477 : memref<10240x128xf32, #tpu.memory_space<vmem_shared>>)
      } else {
      }
      %add3A_355 = arith.constant 2 : i32
      %add3A_356 = arith.addi %add3A_349, %add3A_355 : i32
      %lt3A_357 = arith.constant 128 : i32
      %lt3A_358 = arith.cmpi slt, %add3A_356, %lt3A_357 : i32
      %convert_element_type3A_359 = arith.extui %lt3A_358 : i1 to i32
      %cond3A_360 = arith.constant 0 : i32
      %cond3A_361 = arith.cmpi ne, %convert_element_type3A_359, %cond3A_360 : i32
      scf.if %cond3A_361 {
        %add3A_464 = arith.constant 2 : i32
        %add3A_465 = arith.addi %add3A_349, %add3A_464 : i32
        %add3A_466 = arith.addi %mul3A_2, %add3A_465 : i32
        %mul3A_467 = arith.constant 80 : i32
        %mul3A_468 = arith.muli %add3A_466, %mul3A_467 : i32
        %dma_start3A_469 = arith.constant 0 : i32
        %dma_start3A_470 = arith.constant 0 : i32
        %dma_start3A_471 = arith.constant 0 : i32
        %dma_start3A_472 = arith.constant 0 : i32
        %dma_start3A_473 = tpu.memref_slice %arg7[%dma_start3A_469, %dma_start3A_470, %dma_start3A_472] : memref<4x3x80xi32, #tpu.memory_space<vmem>> -> memref<1x1x80xi32, #tpu.memory_space<vmem>>
        %dma_start3A_474 = tpu.memref_squeeze %dma_start3A_473 : memref<1x1x80xi32, #tpu.memory_space<vmem>> -> memref<80xi32, #tpu.memory_space<vmem>>
        %dma_start3A_475 = tpu.memref_slice %arg3[%mul3A_468] : memref<327680xi32, #tpu.memory_space<hbm>> -> memref<80xi32, #tpu.memory_space<hbm>>
        %dma_start3A_476 = tpu.memref_slice %arg10[%dma_start3A_471] : memref<4x!tpu.dma_semaphore, #tpu.memory_space<semaphore_mem>> -> memref<1x!tpu.dma_semaphore, #tpu.memory_space<semaphore_mem>>
        %dma_start3A_477 = tpu.memref_squeeze %dma_start3A_476 : memref<1x!tpu.dma_semaphore, #tpu.memory_space<semaphore_mem>> -> memref<!tpu.dma_semaphore, #tpu.memory_space<semaphore_mem>>
        %dma_start3A_478 = arith.constant 0 : i32
        %dma_start3A_479 = tpu.memref_slice %arg7[%dma_start3A_469, %dma_start3A_470, %dma_start3A_478] : memref<4x3x80xi32, #tpu.memory_space<vmem>> -> memref<1x1x80xi32, #tpu.memory_space<vmem>>
        %dma_start3A_480 = tpu.memref_squeeze %dma_start3A_479 : memref<1x1x80xi32, #tpu.memory_space<vmem>> -> memref<80xi32, #tpu.memory_space<vmem>>
        %dma_start3A_481 = tpu.memref_slice %arg3[%mul3A_468] : memref<327680xi32, #tpu.memory_space<hbm>> -> memref<80xi32, #tpu.memory_space<hbm>>
        tpu.enqueue_dma source(%dma_start3A_481 : memref<80xi32, #tpu.memory_space<hbm>>) target(%dma_start3A_480 : memref<80xi32, #tpu.memory_space<vmem>>) target_semaphore(%dma_start3A_477 : memref<!tpu.dma_semaphore, #tpu.memory_space<semaphore_mem>>)
        %dma_start3A_482 = arith.constant 0 : i32
        %dma_start3A_483 = arith.constant 1 : i32
        %dma_start3A_484 = arith.constant 0 : i32
        %dma_start3A_485 = arith.constant 0 : i32
        %dma_start3A_486 = tpu.memref_slice %arg7[%dma_start3A_482, %dma_start3A_483, %dma_start3A_485] : memref<4x3x80xi32, #tpu.memory_space<vmem>> -> memref<1x1x80xi32, #tpu.memory_space<vmem>>
        %dma_start3A_487 = tpu.memref_squeeze %dma_start3A_486 : memref<1x1x80xi32, #tpu.memory_space<vmem>> -> memref<80xi32, #tpu.memory_space<vmem>>
        %dma_start3A_488 = tpu.memref_slice %arg4[%mul3A_468] : memref<327680xi32, #tpu.memory_space<hbm>> -> memref<80xi32, #tpu.memory_space<hbm>>
        %dma_start3A_489 = tpu.memref_slice %arg10[%dma_start3A_484] : memref<4x!tpu.dma_semaphore, #tpu.memory_space<semaphore_mem>> -> memref<1x!tpu.dma_semaphore, #tpu.memory_space<semaphore_mem>>
        %dma_start3A_490 = tpu.memref_squeeze %dma_start3A_489 : memref<1x!tpu.dma_semaphore, #tpu.memory_space<semaphore_mem>> -> memref<!tpu.dma_semaphore, #tpu.memory_space<semaphore_mem>>
        %dma_start3A_491 = arith.constant 0 : i32
        %dma_start3A_492 = tpu.memref_slice %arg7[%dma_start3A_482, %dma_start3A_483, %dma_start3A_491] : memref<4x3x80xi32, #tpu.memory_space<vmem>> -> memref<1x1x80xi32, #tpu.memory_space<vmem>>
        %dma_start3A_493 = tpu.memref_squeeze %dma_start3A_492 : memref<1x1x80xi32, #tpu.memory_space<vmem>> -> memref<80xi32, #tpu.memory_space<vmem>>
        %dma_start3A_494 = tpu.memref_slice %arg4[%mul3A_468] : memref<327680xi32, #tpu.memory_space<hbm>> -> memref<80xi32, #tpu.memory_space<hbm>>
        tpu.enqueue_dma source(%dma_start3A_494 : memref<80xi32, #tpu.memory_space<hbm>>) target(%dma_start3A_493 : memref<80xi32, #tpu.memory_space<vmem>>) target_semaphore(%dma_start3A_490 : memref<!tpu.dma_semaphore, #tpu.memory_space<semaphore_mem>>)
        %dma_start3A_495 = arith.constant 0 : i32
        %dma_start3A_496 = arith.constant 2 : i32
        %dma_start3A_497 = arith.constant 0 : i32
        %dma_start3A_498 = arith.constant 0 : i32
        %dma_start3A_499 = tpu.memref_slice %arg7[%dma_start3A_495, %dma_start3A_496, %dma_start3A_498] : memref<4x3x80xi32, #tpu.memory_space<vmem>> -> memref<1x1x80xi32, #tpu.memory_space<vmem>>
        %dma_start3A_500 = tpu.memref_squeeze %dma_start3A_499 : memref<1x1x80xi32, #tpu.memory_space<vmem>> -> memref<80xi32, #tpu.memory_space<vmem>>
        %dma_start3A_501 = tpu.memref_slice %arg5[%mul3A_468] : memref<327680xi32, #tpu.memory_space<hbm>> -> memref<80xi32, #tpu.memory_space<hbm>>
        %dma_start3A_502 = tpu.memref_slice %arg10[%dma_start3A_497] : memref<4x!tpu.dma_semaphore, #tpu.memory_space<semaphore_mem>> -> memref<1x!tpu.dma_semaphore, #tpu.memory_space<semaphore_mem>>
        %dma_start3A_503 = tpu.memref_squeeze %dma_start3A_502 : memref<1x!tpu.dma_semaphore, #tpu.memory_space<semaphore_mem>> -> memref<!tpu.dma_semaphore, #tpu.memory_space<semaphore_mem>>
        %dma_start3A_504 = arith.constant 0 : i32
        %dma_start3A_505 = tpu.memref_slice %arg7[%dma_start3A_495, %dma_start3A_496, %dma_start3A_504] : memref<4x3x80xi32, #tpu.memory_space<vmem>> -> memref<1x1x80xi32, #tpu.memory_space<vmem>>
        %dma_start3A_506 = tpu.memref_squeeze %dma_start3A_505 : memref<1x1x80xi32, #tpu.memory_space<vmem>> -> memref<80xi32, #tpu.memory_space<vmem>>
        %dma_start3A_507 = tpu.memref_slice %arg5[%mul3A_468] : memref<327680xi32, #tpu.memory_space<hbm>> -> memref<80xi32, #tpu.memory_space<hbm>>
        tpu.enqueue_dma source(%dma_start3A_507 : memref<80xi32, #tpu.memory_space<hbm>>) target(%dma_start3A_506 : memref<80xi32, #tpu.memory_space<vmem>>) target_semaphore(%dma_start3A_503 : memref<!tpu.dma_semaphore, #tpu.memory_space<semaphore_mem>>)
      } else {
      }
      %add3A_362 = arith.constant 1 : i32
      %add3A_363 = arith.addi %add3A_349, %add3A_362 : i32
      %lt3A_364 = arith.constant 128 : i32
      %lt3A_365 = arith.cmpi slt, %add3A_363, %lt3A_364 : i32
      %convert_element_type3A_366 = arith.extui %lt3A_365 : i1 to i32
      %cond3A_367 = arith.constant 0 : i32
      %cond3A_368 = arith.cmpi ne, %convert_element_type3A_366, %cond3A_367 : i32
      scf.if %cond3A_368 {
        %add3A_464 = arith.constant 1 : i32
        %add3A_465 = arith.addi %add3A_349, %add3A_464 : i32
        %add3A_466 = arith.addi %mul3A_2, %add3A_465 : i32
        %mul3A_467 = arith.constant 80 : i32
        %mul3A_468 = arith.muli %add3A_466, %mul3A_467 : i32
        %dma_wait3A_469 = arith.constant 3 : i32
        %dma_wait3A_470 = arith.constant 0 : i32
        %dma_wait3A_471 = arith.constant 3 : i32
        %dma_wait3A_472 = arith.constant 0 : i32
        %dma_wait3A_473 = tpu.memref_slice %arg7[%dma_wait3A_469, %dma_wait3A_470, %dma_wait3A_472] : memref<4x3x80xi32, #tpu.memory_space<vmem>> -> memref<1x1x80xi32, #tpu.memory_space<vmem>>
        %dma_wait3A_474 = tpu.memref_squeeze %dma_wait3A_473 : memref<1x1x80xi32, #tpu.memory_space<vmem>> -> memref<80xi32, #tpu.memory_space<vmem>>
        %dma_wait3A_475 = tpu.memref_slice %arg3[%mul3A_468] : memref<327680xi32, #tpu.memory_space<hbm>> -> memref<80xi32, #tpu.memory_space<hbm>>
        %dma_wait3A_476 = tpu.memref_slice %arg10[%dma_wait3A_471] : memref<4x!tpu.dma_semaphore, #tpu.memory_space<semaphore_mem>> -> memref<1x!tpu.dma_semaphore, #tpu.memory_space<semaphore_mem>>
        %dma_wait3A_477 = tpu.memref_squeeze %dma_wait3A_476 : memref<1x!tpu.dma_semaphore, #tpu.memory_space<semaphore_mem>> -> memref<!tpu.dma_semaphore, #tpu.memory_space<semaphore_mem>>
        %dma_wait3A_478 = arith.constant 0 : i32
        %dma_wait3A_479 = tpu.memref_slice %arg7[%dma_wait3A_469, %dma_wait3A_470, %dma_wait3A_478] : memref<4x3x80xi32, #tpu.memory_space<vmem>> -> memref<1x1x80xi32, #tpu.memory_space<vmem>>
        %dma_wait3A_480 = tpu.memref_squeeze %dma_wait3A_479 : memref<1x1x80xi32, #tpu.memory_space<vmem>> -> memref<80xi32, #tpu.memory_space<vmem>>
        %dma_wait3A_481 = tpu.memref_slice %arg3[%mul3A_468] : memref<327680xi32, #tpu.memory_space<hbm>> -> memref<80xi32, #tpu.memory_space<hbm>>
        tpu.wait_dma2 semaphore(%dma_wait3A_477 : memref<!tpu.dma_semaphore, #tpu.memory_space<semaphore_mem>>) src(%dma_wait3A_481 : memref<80xi32, #tpu.memory_space<hbm>>) dst(%dma_wait3A_480 : memref<80xi32, #tpu.memory_space<vmem>>)
        %dma_wait3A_482 = arith.constant 3 : i32
        %dma_wait3A_483 = arith.constant 1 : i32
        %dma_wait3A_484 = arith.constant 3 : i32
        %dma_wait3A_485 = arith.constant 0 : i32
        %dma_wait3A_486 = tpu.memref_slice %arg7[%dma_wait3A_482, %dma_wait3A_483, %dma_wait3A_485] : memref<4x3x80xi32, #tpu.memory_space<vmem>> -> memref<1x1x80xi32, #tpu.memory_space<vmem>>
        %dma_wait3A_487 = tpu.memref_squeeze %dma_wait3A_486 : memref<1x1x80xi32, #tpu.memory_space<vmem>> -> memref<80xi32, #tpu.memory_space<vmem>>
        %dma_wait3A_488 = tpu.memref_slice %arg4[%mul3A_468] : memref<327680xi32, #tpu.memory_space<hbm>> -> memref<80xi32, #tpu.memory_space<hbm>>
        %dma_wait3A_489 = tpu.memref_slice %arg10[%dma_wait3A_484] : memref<4x!tpu.dma_semaphore, #tpu.memory_space<semaphore_mem>> -> memref<1x!tpu.dma_semaphore, #tpu.memory_space<semaphore_mem>>
        %dma_wait3A_490 = tpu.memref_squeeze %dma_wait3A_489 : memref<1x!tpu.dma_semaphore, #tpu.memory_space<semaphore_mem>> -> memref<!tpu.dma_semaphore, #tpu.memory_space<semaphore_mem>>
        %dma_wait3A_491 = arith.constant 0 : i32
        %dma_wait3A_492 = tpu.memref_slice %arg7[%dma_wait3A_482, %dma_wait3A_483, %dma_wait3A_491] : memref<4x3x80xi32, #tpu.memory_space<vmem>> -> memref<1x1x80xi32, #tpu.memory_space<vmem>>
        %dma_wait3A_493 = tpu.memref_squeeze %dma_wait3A_492 : memref<1x1x80xi32, #tpu.memory_space<vmem>> -> memref<80xi32, #tpu.memory_space<vmem>>
        %dma_wait3A_494 = tpu.memref_slice %arg4[%mul3A_468] : memref<327680xi32, #tpu.memory_space<hbm>> -> memref<80xi32, #tpu.memory_space<hbm>>
        tpu.wait_dma2 semaphore(%dma_wait3A_490 : memref<!tpu.dma_semaphore, #tpu.memory_space<semaphore_mem>>) src(%dma_wait3A_494 : memref<80xi32, #tpu.memory_space<hbm>>) dst(%dma_wait3A_493 : memref<80xi32, #tpu.memory_space<vmem>>)
        %dma_wait3A_495 = arith.constant 3 : i32
        %dma_wait3A_496 = arith.constant 2 : i32
        %dma_wait3A_497 = arith.constant 3 : i32
        %dma_wait3A_498 = arith.constant 0 : i32
        %dma_wait3A_499 = tpu.memref_slice %arg7[%dma_wait3A_495, %dma_wait3A_496, %dma_wait3A_498] : memref<4x3x80xi32, #tpu.memory_space<vmem>> -> memref<1x1x80xi32, #tpu.memory_space<vmem>>
        %dma_wait3A_500 = tpu.memref_squeeze %dma_wait3A_499 : memref<1x1x80xi32, #tpu.memory_space<vmem>> -> memref<80xi32, #tpu.memory_space<vmem>>
        %dma_wait3A_501 = tpu.memref_slice %arg5[%mul3A_468] : memref<327680xi32, #tpu.memory_space<hbm>> -> memref<80xi32, #tpu.memory_space<hbm>>
        %dma_wait3A_502 = tpu.memref_slice %arg10[%dma_wait3A_497] : memref<4x!tpu.dma_semaphore, #tpu.memory_space<semaphore_mem>> -> memref<1x!tpu.dma_semaphore, #tpu.memory_space<semaphore_mem>>
        %dma_wait3A_503 = tpu.memref_squeeze %dma_wait3A_502 : memref<1x!tpu.dma_semaphore, #tpu.memory_space<semaphore_mem>> -> memref<!tpu.dma_semaphore, #tpu.memory_space<semaphore_mem>>
        %dma_wait3A_504 = arith.constant 0 : i32
        %dma_wait3A_505 = tpu.memref_slice %arg7[%dma_wait3A_495, %dma_wait3A_496, %dma_wait3A_504] : memref<4x3x80xi32, #tpu.memory_space<vmem>> -> memref<1x1x80xi32, #tpu.memory_space<vmem>>
        %dma_wait3A_506 = tpu.memref_squeeze %dma_wait3A_505 : memref<1x1x80xi32, #tpu.memory_space<vmem>> -> memref<80xi32, #tpu.memory_space<vmem>>
        %dma_wait3A_507 = tpu.memref_slice %arg5[%mul3A_468] : memref<327680xi32, #tpu.memory_space<hbm>> -> memref<80xi32, #tpu.memory_space<hbm>>
        tpu.wait_dma2 semaphore(%dma_wait3A_503 : memref<!tpu.dma_semaphore, #tpu.memory_space<semaphore_mem>>) src(%dma_wait3A_507 : memref<80xi32, #tpu.memory_space<hbm>>) dst(%dma_wait3A_506 : memref<80xi32, #tpu.memory_space<vmem>>)
        %dma_start3A_508 = arith.constant 3 : i32
        %dma_start3A_509 = arith.constant 0 : i32
        %dma_start3A_510 = arith.constant 3 : i32
        %dma_start3A_511 = arith.constant 3 : i32
        %dma_start3A_512 = arith.constant 0 : i32
        %dma_start3A_513 = arith.constant 0 : i32
        %dma_start3A_514 = tpu.memref_slice %arg8[%dma_start3A_510, %dma_start3A_512, %dma_start3A_513] : memref<4x80x128xf32, #tpu.memory_space<vmem>> -> memref<1x80x128xf32, #tpu.memory_space<vmem>>
        %dma_start3A_515 = tpu.memref_squeeze %dma_start3A_514 : memref<1x80x128xf32, #tpu.memory_space<vmem>> -> memref<80x128xf32, #tpu.memory_space<vmem>>
        %dma_start3A_516 = arith.constant 0 : i32
        %dma_start3A_517 = tpu.memref_slice %arg7[%dma_start3A_508, %dma_start3A_509, %dma_start3A_516] : memref<4x3x80xi32, #tpu.memory_space<vmem>> -> memref<1x1x80xi32, #tpu.memory_space<vmem>>
        %dma_start3A_518 = tpu.memref_squeeze %dma_start3A_517 : memref<1x1x80xi32, #tpu.memory_space<vmem>> -> memref<80xi32, #tpu.memory_space<vmem>>
        %dma_start3A_519 = arith.constant 0 : i32
        %dma_start3A_520 = arith.constant 0 : i32
        %dma_start3A_521 = tpu.memref_slice %arg2[%dma_start3A_519, %dma_start3A_520] : memref<10000x128xf32, #tpu.memory_space<hbm>> -> memref<10000x128xf32, #tpu.memory_space<hbm>>
        %dma_start3A_522 = tpu.memref_slice %arg10[%dma_start3A_511] : memref<4x!tpu.dma_semaphore, #tpu.memory_space<semaphore_mem>> -> memref<1x!tpu.dma_semaphore, #tpu.memory_space<semaphore_mem>>
        %dma_start3A_523 = tpu.memref_squeeze %dma_start3A_522 : memref<1x!tpu.dma_semaphore, #tpu.memory_space<semaphore_mem>> -> memref<!tpu.dma_semaphore, #tpu.memory_space<semaphore_mem>>
        tpu.enqueue_indirect_dma source(%dma_start3A_521 : memref<10000x128xf32, #tpu.memory_space<hbm>>) target(%dma_start3A_515 : memref<80x128xf32, #tpu.memory_space<vmem>>) offsets(%dma_start3A_518 : memref<80xi32, #tpu.memory_space<vmem>>) semaphore(%dma_start3A_523 : memref<!tpu.dma_semaphore, #tpu.memory_space<semaphore_mem>>)
      } else {
      }
      %dma_wait3A_369 = arith.constant 2 : i32
      %dma_wait3A_370 = arith.constant 0 : i32
      %dma_wait3A_371 = arith.constant 2 : i32
      %dma_wait3A_372 = arith.constant 2 : i32
      %dma_wait3A_373 = arith.constant 0 : i32
      %dma_wait3A_374 = arith.constant 0 : i32
      %dma_wait3A_375 = tpu.memref_slice %arg8[%dma_wait3A_371, %dma_wait3A_373, %dma_wait3A_374] : memref<4x80x128xf32, #tpu.memory_space<vmem>> -> memref<1x80x128xf32, #tpu.memory_space<vmem>>
      %dma_wait3A_376 = tpu.memref_squeeze %dma_wait3A_375 : memref<1x80x128xf32, #tpu.memory_space<vmem>> -> memref<80x128xf32, #tpu.memory_space<vmem>>
      %dma_wait3A_377 = arith.constant 0 : i32
      %dma_wait3A_378 = tpu.memref_slice %arg7[%dma_wait3A_369, %dma_wait3A_370, %dma_wait3A_377] : memref<4x3x80xi32, #tpu.memory_space<vmem>> -> memref<1x1x80xi32, #tpu.memory_space<vmem>>
      %dma_wait3A_379 = tpu.memref_squeeze %dma_wait3A_378 : memref<1x1x80xi32, #tpu.memory_space<vmem>> -> memref<80xi32, #tpu.memory_space<vmem>>
      %dma_wait3A_380 = arith.constant 0 : i32
      %dma_wait3A_381 = arith.constant 0 : i32
      %dma_wait3A_382 = tpu.memref_slice %arg2[%dma_wait3A_380, %dma_wait3A_381] : memref<10000x128xf32, #tpu.memory_space<hbm>> -> memref<10000x128xf32, #tpu.memory_space<hbm>>
      %dma_wait3A_383 = tpu.memref_slice %arg10[%dma_wait3A_372] : memref<4x!tpu.dma_semaphore, #tpu.memory_space<semaphore_mem>> -> memref<1x!tpu.dma_semaphore, #tpu.memory_space<semaphore_mem>>
      %dma_wait3A_384 = tpu.memref_squeeze %dma_wait3A_383 : memref<1x!tpu.dma_semaphore, #tpu.memory_space<semaphore_mem>> -> memref<!tpu.dma_semaphore, #tpu.memory_space<semaphore_mem>>
      tpu.wait_indirect_dma semaphore(%dma_wait3A_384 : memref<!tpu.dma_semaphore, #tpu.memory_space<semaphore_mem>>) src(%dma_wait3A_382 : memref<10000x128xf32, #tpu.memory_space<hbm>>) dst(%dma_wait3A_376 : memref<80x128xf32, #tpu.memory_space<vmem>>)
      %scan3A_385 = arith.constant 0 : i32
      %scan3A_386 = arith.constant 80 : i32
      %scan3A_387 = arith.addi %scan3A_385, %scan3A_386 : i32
      %scan3A_388 = arith.constant 1 : i32
      scf.for %scan3A_464 = %scan3A_385 to %scan3A_387 step %scan3A_388  : i32 {
        %mul3A_465 = arith.constant 1 : i32
        %mul3A_466 = arith.muli %scan3A_464, %mul3A_465 : i32
        %add3A_467 = arith.constant 0 : i32
        %add3A_468 = arith.addi %add3A_467, %mul3A_466 : i32
        %broadcast_in_dim3A = arith.constant 0 : i32
        %broadcast_in_dim3A_469 = vector.broadcast %broadcast_in_dim3A : i32 to vector<16xi32>
        %add3A_470 = vector.broadcast %add3A_468 : i32 to vector<16xi32>
        %add3A_471 = arith.addi %broadcast_in_dim3A_469, %add3A_470 : vector<16xi32>
        %gather3A = arith.constant 2 : i32
        %gather3A_472 = arith.constant 2 : i32
        %gather3A_473 = arith.constant 0 : i32
        %gather3A_474 = tpu.memref_slice %arg7[%gather3A, %gather3A_472, %gather3A_473] : memref<4x3x80xi32, #tpu.memory_space<vmem>> -> memref<1x1x80xi32, #tpu.memory_space<vmem>>
        %gather3A_475 = tpu.memref_squeeze %gather3A_474 : memref<1x1x80xi32, #tpu.memory_space<vmem>> -> memref<80xi32, #tpu.memory_space<vmem>>
        %gather3A_476 = tpu.vector_load_idx %gather3A_475[%add3A_471] : memref<80xi32, #tpu.memory_space<vmem>>[vector<16xi32>], vector<16xi32>,
        %bitcast3A = vector.bitcast %gather3A_476 : vector<16xi32> to vector<16xf32>
        %get3A = arith.constant 2 : i32
        %get3A_477 = arith.index_cast %get3A : i32 to index
        %get3A_478 = arith.index_cast %add3A_468 : i32 to index
        %get3A_479 = arith.constant 0 : index
        %get3A_480 = tpu.vector_load %arg8[%get3A_477, %get3A_478, %get3A_479] {strides = array<i32>} : memref<4x80x128xf32, #tpu.memory_space<vmem>>, vector<16xf32>,
        %mul3A_481 = arith.mulf %get3A_480, %bitcast3A : vector<16xf32>
        %swap3A = arith.constant 2 : i32
        %swap3A_482 = arith.index_cast %swap3A : i32 to index
        %swap3A_483 = arith.index_cast %add3A_468 : i32 to index
        %swap3A_484 = arith.constant 0 : index
        %swap3A_485 = tpu.vector_load %arg8[%swap3A_482, %swap3A_483, %swap3A_484] {strides = array<i32>} : memref<4x80x128xf32, #tpu.memory_space<vmem>>, vector<16xf32>,
        tpu.vector_store %arg8[%swap3A_482, %swap3A_483, %swap3A_484], %mul3A_481 {strides = array<i32>} : memref<4x80x128xf32, #tpu.memory_space<vmem>>, vector<16xf32>,
        %get3A_486 = arith.constant 2 : i32
        %get3A_487 = arith.index_cast %get3A_486 : i32 to index
        %get3A_488 = arith.index_cast %add3A_468 : i32 to index
        %get3A_489 = arith.constant 16 : index
        %get3A_490 = tpu.vector_load %arg8[%get3A_487, %get3A_488, %get3A_489] {strides = array<i32>} : memref<4x80x128xf32, #tpu.memory_space<vmem>>, vector<16xf32>,
        %mul3A_491 = arith.mulf %get3A_490, %bitcast3A : vector<16xf32>
        %swap3A_492 = arith.constant 2 : i32
        %swap3A_493 = arith.index_cast %swap3A_492 : i32 to index
        %swap3A_494 = arith.index_cast %add3A_468 : i32 to index
        %swap3A_495 = arith.constant 16 : index
        %swap3A_496 = tpu.vector_load %arg8[%swap3A_493, %swap3A_494, %swap3A_495] {strides = array<i32>} : memref<4x80x128xf32, #tpu.memory_space<vmem>>, vector<16xf32>,
        tpu.vector_store %arg8[%swap3A_493, %swap3A_494, %swap3A_495], %mul3A_491 {strides = array<i32>} : memref<4x80x128xf32, #tpu.memory_space<vmem>>, vector<16xf32>,
        %get3A_497 = arith.constant 2 : i32
        %get3A_498 = arith.index_cast %get3A_497 : i32 to index
        %get3A_499 = arith.index_cast %add3A_468 : i32 to index
        %get3A_500 = arith.constant 32 : index
        %get3A_501 = tpu.vector_load %arg8[%get3A_498, %get3A_499, %get3A_500] {strides = array<i32>} : memref<4x80x128xf32, #tpu.memory_space<vmem>>, vector<16xf32>,
        %mul3A_502 = arith.mulf %get3A_501, %bitcast3A : vector<16xf32>
        %swap3A_503 = arith.constant 2 : i32
        %swap3A_504 = arith.index_cast %swap3A_503 : i32 to index
        %swap3A_505 = arith.index_cast %add3A_468 : i32 to index
        %swap3A_506 = arith.constant 32 : index
        %swap3A_507 = tpu.vector_load %arg8[%swap3A_504, %swap3A_505, %swap3A_506] {strides = array<i32>} : memref<4x80x128xf32, #tpu.memory_space<vmem>>, vector<16xf32>,
        tpu.vector_store %arg8[%swap3A_504, %swap3A_505, %swap3A_506], %mul3A_502 {strides = array<i32>} : memref<4x80x128xf32, #tpu.memory_space<vmem>>, vector<16xf32>,
        %get3A_508 = arith.constant 2 : i32
        %get3A_509 = arith.index_cast %get3A_508 : i32 to index
        %get3A_510 = arith.index_cast %add3A_468 : i32 to index
        %get3A_511 = arith.constant 48 : index
        %get3A_512 = tpu.vector_load %arg8[%get3A_509, %get3A_510, %get3A_511] {strides = array<i32>} : memref<4x80x128xf32, #tpu.memory_space<vmem>>, vector<16xf32>,
        %mul3A_513 = arith.mulf %get3A_512, %bitcast3A : vector<16xf32>
        %swap3A_514 = arith.constant 2 : i32
        %swap3A_515 = arith.index_cast %swap3A_514 : i32 to index
        %swap3A_516 = arith.index_cast %add3A_468 : i32 to index
        %swap3A_517 = arith.constant 48 : index
        %swap3A_518 = tpu.vector_load %arg8[%swap3A_515, %swap3A_516, %swap3A_517] {strides = array<i32>} : memref<4x80x128xf32, #tpu.memory_space<vmem>>, vector<16xf32>,
        tpu.vector_store %arg8[%swap3A_515, %swap3A_516, %swap3A_517], %mul3A_513 {strides = array<i32>} : memref<4x80x128xf32, #tpu.memory_space<vmem>>, vector<16xf32>,
        %get3A_519 = arith.constant 2 : i32
        %get3A_520 = arith.index_cast %get3A_519 : i32 to index
        %get3A_521 = arith.index_cast %add3A_468 : i32 to index
        %get3A_522 = arith.constant 64 : index
        %get3A_523 = tpu.vector_load %arg8[%get3A_520, %get3A_521, %get3A_522] {strides = array<i32>} : memref<4x80x128xf32, #tpu.memory_space<vmem>>, vector<16xf32>,
        %mul3A_524 = arith.mulf %get3A_523, %bitcast3A : vector<16xf32>
        %swap3A_525 = arith.constant 2 : i32
        %swap3A_526 = arith.index_cast %swap3A_525 : i32 to index
        %swap3A_527 = arith.index_cast %add3A_468 : i32 to index
        %swap3A_528 = arith.constant 64 : index
        %swap3A_529 = tpu.vector_load %arg8[%swap3A_526, %swap3A_527, %swap3A_528] {strides = array<i32>} : memref<4x80x128xf32, #tpu.memory_space<vmem>>, vector<16xf32>,
        tpu.vector_store %arg8[%swap3A_526, %swap3A_527, %swap3A_528], %mul3A_524 {strides = array<i32>} : memref<4x80x128xf32, #tpu.memory_space<vmem>>, vector<16xf32>,
        %get3A_530 = arith.constant 2 : i32
        %get3A_531 = arith.index_cast %get3A_530 : i32 to index
        %get3A_532 = arith.index_cast %add3A_468 : i32 to index
        %get3A_533 = arith.constant 80 : index
        %get3A_534 = tpu.vector_load %arg8[%get3A_531, %get3A_532, %get3A_533] {strides = array<i32>} : memref<4x80x128xf32, #tpu.memory_space<vmem>>, vector<16xf32>,
        %mul3A_535 = arith.mulf %get3A_534, %bitcast3A : vector<16xf32>
        %swap3A_536 = arith.constant 2 : i32
        %swap3A_537 = arith.index_cast %swap3A_536 : i32 to index
        %swap3A_538 = arith.index_cast %add3A_468 : i32 to index
        %swap3A_539 = arith.constant 80 : index
        %swap3A_540 = tpu.vector_load %arg8[%swap3A_537, %swap3A_538, %swap3A_539] {strides = array<i32>} : memref<4x80x128xf32, #tpu.memory_space<vmem>>, vector<16xf32>,
        tpu.vector_store %arg8[%swap3A_537, %swap3A_538, %swap3A_539], %mul3A_535 {strides = array<i32>} : memref<4x80x128xf32, #tpu.memory_space<vmem>>, vector<16xf32>,
        %get3A_541 = arith.constant 2 : i32
        %get3A_542 = arith.index_cast %get3A_541 : i32 to index
        %get3A_543 = arith.index_cast %add3A_468 : i32 to index
        %get3A_544 = arith.constant 96 : index
        %get3A_545 = tpu.vector_load %arg8[%get3A_542, %get3A_543, %get3A_544] {strides = array<i32>} : memref<4x80x128xf32, #tpu.memory_space<vmem>>, vector<16xf32>,
        %mul3A_546 = arith.mulf %get3A_545, %bitcast3A : vector<16xf32>
        %swap3A_547 = arith.constant 2 : i32
        %swap3A_548 = arith.index_cast %swap3A_547 : i32 to index
        %swap3A_549 = arith.index_cast %add3A_468 : i32 to index
        %swap3A_550 = arith.constant 96 : index
        %swap3A_551 = tpu.vector_load %arg8[%swap3A_548, %swap3A_549, %swap3A_550] {strides = array<i32>} : memref<4x80x128xf32, #tpu.memory_space<vmem>>, vector<16xf32>,
        tpu.vector_store %arg8[%swap3A_548, %swap3A_549, %swap3A_550], %mul3A_546 {strides = array<i32>} : memref<4x80x128xf32, #tpu.memory_space<vmem>>, vector<16xf32>,
        %get3A_552 = arith.constant 2 : i32
        %get3A_553 = arith.index_cast %get3A_552 : i32 to index
        %get3A_554 = arith.index_cast %add3A_468 : i32 to index
        %get3A_555 = arith.constant 112 : index
        %get3A_556 = tpu.vector_load %arg8[%get3A_553, %get3A_554, %get3A_555] {strides = array<i32>} : memref<4x80x128xf32, #tpu.memory_space<vmem>>, vector<16xf32>,
        %mul3A_557 = arith.mulf %get3A_556, %bitcast3A : vector<16xf32>
        %swap3A_558 = arith.constant 2 : i32
        %swap3A_559 = arith.index_cast %swap3A_558 : i32 to index
        %swap3A_560 = arith.index_cast %add3A_468 : i32 to index
        %swap3A_561 = arith.constant 112 : index
        %swap3A_562 = tpu.vector_load %arg8[%swap3A_559, %swap3A_560, %swap3A_561] {strides = array<i32>} : memref<4x80x128xf32, #tpu.memory_space<vmem>>, vector<16xf32>,
        tpu.vector_store %arg8[%swap3A_559, %swap3A_560, %swap3A_561], %mul3A_557 {strides = array<i32>} : memref<4x80x128xf32, #tpu.memory_space<vmem>>, vector<16xf32>,
      }
      %scan3A_389 = arith.constant 80 : i32
      %dma_start3A_390 = arith.constant 2 : i32
      %dma_start3A_391 = arith.constant 2 : i32
      %dma_start3A_392 = arith.constant 1 : i32
      %dma_start3A_393 = arith.constant 2 : i32
      %dma_start3A_394 = arith.constant 0 : i32
      %dma_start3A_395 = arith.constant 0 : i32
      %dma_start3A_396 = tpu.memref_slice %arg8[%dma_start3A_390, %dma_start3A_394, %dma_start3A_395] : memref<4x80x128xf32, #tpu.memory_space<vmem>> -> memref<1x80x128xf32, #tpu.memory_space<vmem>>
      %dma_start3A_397 = tpu.memref_squeeze %dma_start3A_396 : memref<1x80x128xf32, #tpu.memory_space<vmem>> -> memref<80x128xf32, #tpu.memory_space<vmem>>
      %dma_start3A_398 = arith.constant 0 : i32
      %dma_start3A_399 = tpu.memref_slice %arg7[%dma_start3A_391, %dma_start3A_392, %dma_start3A_398] : memref<4x3x80xi32, #tpu.memory_space<vmem>> -> memref<1x1x80xi32, #tpu.memory_space<vmem>>
      %dma_start3A_400 = tpu.memref_squeeze %dma_start3A_399 : memref<1x1x80xi32, #tpu.memory_space<vmem>> -> memref<80xi32, #tpu.memory_space<vmem>>
      %dma_start3A_401 = arith.constant 0 : i32
      %dma_start3A_402 = arith.constant 0 : i32
      %dma_start3A_403 = tpu.memref_slice %arg9[%dma_start3A_401, %dma_start3A_402] : memref<10240x128xf32, #tpu.memory_space<vmem_shared>> -> memref<10240x128xf32, #tpu.memory_space<vmem_shared>>
      %dma_start3A_404 = tpu.memref_slice %arg11[%dma_start3A_393] : memref<4x!tpu.dma_semaphore, #tpu.memory_space<semaphore_mem>> -> memref<1x!tpu.dma_semaphore, #tpu.memory_space<semaphore_mem>>
      %dma_start3A_405 = tpu.memref_squeeze %dma_start3A_404 : memref<1x!tpu.dma_semaphore, #tpu.memory_space<semaphore_mem>> -> memref<!tpu.dma_semaphore, #tpu.memory_space<semaphore_mem>>
      tpu.enqueue_indirect_dma source(%dma_start3A_397 : memref<80x128xf32, #tpu.memory_space<vmem>>) target(%dma_start3A_403 : memref<10240x128xf32, #tpu.memory_space<vmem_shared>>) offsets(%dma_start3A_400 : memref<80xi32, #tpu.memory_space<vmem>>) semaphore(%dma_start3A_405 : memref<!tpu.dma_semaphore, #tpu.memory_space<semaphore_mem>>) {add = true}
      %add3A_406 = arith.constant 3 : i32
      %add3A_407 = arith.addi %add3A_235, %add3A_406 : i32
      %ge3A_408 = arith.constant 2 : i32
      %ge3A_409 = arith.cmpi sge, %add3A_407, %ge3A_408 : i32
      %convert_element_type3A_410 = arith.extui %ge3A_409 : i1 to i32
      %cond3A_411 = arith.constant 0 : i32
      %cond3A_412 = arith.cmpi ne, %convert_element_type3A_410, %cond3A_411 : i32
      scf.if %cond3A_412 {
        %dma_wait3A_464 = arith.constant 1 : i32
        %dma_wait3A_465 = arith.constant 1 : i32
        %dma_wait3A_466 = arith.constant 1 : i32
        %dma_wait3A_467 = arith.constant 1 : i32
        %dma_wait3A_468 = arith.constant 0 : i32
        %dma_wait3A_469 = arith.constant 0 : i32
        %dma_wait3A_470 = tpu.memref_slice %arg8[%dma_wait3A_464, %dma_wait3A_468, %dma_wait3A_469] : memref<4x80x128xf32, #tpu.memory_space<vmem>> -> memref<1x80x128xf32, #tpu.memory_space<vmem>>
        %dma_wait3A_471 = tpu.memref_squeeze %dma_wait3A_470 : memref<1x80x128xf32, #tpu.memory_space<vmem>> -> memref<80x128xf32, #tpu.memory_space<vmem>>
        %dma_wait3A_472 = arith.constant 0 : i32
        %dma_wait3A_473 = tpu.memref_slice %arg7[%dma_wait3A_465, %dma_wait3A_466, %dma_wait3A_472] : memref<4x3x80xi32, #tpu.memory_space<vmem>> -> memref<1x1x80xi32, #tpu.memory_space<vmem>>
        %dma_wait3A_474 = tpu.memref_squeeze %dma_wait3A_473 : memref<1x1x80xi32, #tpu.memory_space<vmem>> -> memref<80xi32, #tpu.memory_space<vmem>>
        %dma_wait3A_475 = arith.constant 0 : i32
        %dma_wait3A_476 = arith.constant 0 : i32
        %dma_wait3A_477 = tpu.memref_slice %arg9[%dma_wait3A_475, %dma_wait3A_476] : memref<10240x128xf32, #tpu.memory_space<vmem_shared>> -> memref<10240x128xf32, #tpu.memory_space<vmem_shared>>
        %dma_wait3A_478 = tpu.memref_slice %arg11[%dma_wait3A_467] : memref<4x!tpu.dma_semaphore, #tpu.memory_space<semaphore_mem>> -> memref<1x!tpu.dma_semaphore, #tpu.memory_space<semaphore_mem>>
        %dma_wait3A_479 = tpu.memref_squeeze %dma_wait3A_478 : memref<1x!tpu.dma_semaphore, #tpu.memory_space<semaphore_mem>> -> memref<!tpu.dma_semaphore, #tpu.memory_space<semaphore_mem>>
        tpu.wait_indirect_dma semaphore(%dma_wait3A_479 : memref<!tpu.dma_semaphore, #tpu.memory_space<semaphore_mem>>) src(%dma_wait3A_471 : memref<80x128xf32, #tpu.memory_space<vmem>>) dst(%dma_wait3A_477 : memref<10240x128xf32, #tpu.memory_space<vmem_shared>>)
      } else {
      }
      %add3A_413 = arith.constant 2 : i32
      %add3A_414 = arith.addi %add3A_407, %add3A_413 : i32
      %lt3A_415 = arith.constant 128 : i32
      %lt3A_416 = arith.cmpi slt, %add3A_414, %lt3A_415 : i32
      %convert_element_type3A_417 = arith.extui %lt3A_416 : i1 to i32
      %cond3A_418 = arith.constant 0 : i32
      %cond3A_419 = arith.cmpi ne, %convert_element_type3A_417, %cond3A_418 : i32
      scf.if %cond3A_419 {
        %add3A_464 = arith.constant 2 : i32
        %add3A_465 = arith.addi %add3A_407, %add3A_464 : i32
        %add3A_466 = arith.addi %mul3A_2, %add3A_465 : i32
        %mul3A_467 = arith.constant 80 : i32
        %mul3A_468 = arith.muli %add3A_466, %mul3A_467 : i32
        %dma_start3A_469 = arith.constant 1 : i32
        %dma_start3A_470 = arith.constant 0 : i32
        %dma_start3A_471 = arith.constant 1 : i32
        %dma_start3A_472 = arith.constant 0 : i32
        %dma_start3A_473 = tpu.memref_slice %arg7[%dma_start3A_469, %dma_start3A_470, %dma_start3A_472] : memref<4x3x80xi32, #tpu.memory_space<vmem>> -> memref<1x1x80xi32, #tpu.memory_space<vmem>>
        %dma_start3A_474 = tpu.memref_squeeze %dma_start3A_473 : memref<1x1x80xi32, #tpu.memory_space<vmem>> -> memref<80xi32, #tpu.memory_space<vmem>>
        %dma_start3A_475 = tpu.memref_slice %arg3[%mul3A_468] : memref<327680xi32, #tpu.memory_space<hbm>> -> memref<80xi32, #tpu.memory_space<hbm>>
        %dma_start3A_476 = tpu.memref_slice %arg10[%dma_start3A_471] : memref<4x!tpu.dma_semaphore, #tpu.memory_space<semaphore_mem>> -> memref<1x!tpu.dma_semaphore, #tpu.memory_space<semaphore_mem>>
        %dma_start3A_477 = tpu.memref_squeeze %dma_start3A_476 : memref<1x!tpu.dma_semaphore, #tpu.memory_space<semaphore_mem>> -> memref<!tpu.dma_semaphore, #tpu.memory_space<semaphore_mem>>
        %dma_start3A_478 = arith.constant 0 : i32
        %dma_start3A_479 = tpu.memref_slice %arg7[%dma_start3A_469, %dma_start3A_470, %dma_start3A_478] : memref<4x3x80xi32, #tpu.memory_space<vmem>> -> memref<1x1x80xi32, #tpu.memory_space<vmem>>
        %dma_start3A_480 = tpu.memref_squeeze %dma_start3A_479 : memref<1x1x80xi32, #tpu.memory_space<vmem>> -> memref<80xi32, #tpu.memory_space<vmem>>
        %dma_start3A_481 = tpu.memref_slice %arg3[%mul3A_468] : memref<327680xi32, #tpu.memory_space<hbm>> -> memref<80xi32, #tpu.memory_space<hbm>>
        tpu.enqueue_dma source(%dma_start3A_481 : memref<80xi32, #tpu.memory_space<hbm>>) target(%dma_start3A_480 : memref<80xi32, #tpu.memory_space<vmem>>) target_semaphore(%dma_start3A_477 : memref<!tpu.dma_semaphore, #tpu.memory_space<semaphore_mem>>)
        %dma_start3A_482 = arith.constant 1 : i32
        %dma_start3A_483 = arith.constant 1 : i32
        %dma_start3A_484 = arith.constant 1 : i32
        %dma_start3A_485 = arith.constant 0 : i32
        %dma_start3A_486 = tpu.memref_slice %arg7[%dma_start3A_482, %dma_start3A_483, %dma_start3A_485] : memref<4x3x80xi32, #tpu.memory_space<vmem>> -> memref<1x1x80xi32, #tpu.memory_space<vmem>>
        %dma_start3A_487 = tpu.memref_squeeze %dma_start3A_486 : memref<1x1x80xi32, #tpu.memory_space<vmem>> -> memref<80xi32, #tpu.memory_space<vmem>>
        %dma_start3A_488 = tpu.memref_slice %arg4[%mul3A_468] : memref<327680xi32, #tpu.memory_space<hbm>> -> memref<80xi32, #tpu.memory_space<hbm>>
        %dma_start3A_489 = tpu.memref_slice %arg10[%dma_start3A_484] : memref<4x!tpu.dma_semaphore, #tpu.memory_space<semaphore_mem>> -> memref<1x!tpu.dma_semaphore, #tpu.memory_space<semaphore_mem>>
        %dma_start3A_490 = tpu.memref_squeeze %dma_start3A_489 : memref<1x!tpu.dma_semaphore, #tpu.memory_space<semaphore_mem>> -> memref<!tpu.dma_semaphore, #tpu.memory_space<semaphore_mem>>
        %dma_start3A_491 = arith.constant 0 : i32
        %dma_start3A_492 = tpu.memref_slice %arg7[%dma_start3A_482, %dma_start3A_483, %dma_start3A_491] : memref<4x3x80xi32, #tpu.memory_space<vmem>> -> memref<1x1x80xi32, #tpu.memory_space<vmem>>
        %dma_start3A_493 = tpu.memref_squeeze %dma_start3A_492 : memref<1x1x80xi32, #tpu.memory_space<vmem>> -> memref<80xi32, #tpu.memory_space<vmem>>
        %dma_start3A_494 = tpu.memref_slice %arg4[%mul3A_468] : memref<327680xi32, #tpu.memory_space<hbm>> -> memref<80xi32, #tpu.memory_space<hbm>>
        tpu.enqueue_dma source(%dma_start3A_494 : memref<80xi32, #tpu.memory_space<hbm>>) target(%dma_start3A_493 : memref<80xi32, #tpu.memory_space<vmem>>) target_semaphore(%dma_start3A_490 : memref<!tpu.dma_semaphore, #tpu.memory_space<semaphore_mem>>)
        %dma_start3A_495 = arith.constant 1 : i32
        %dma_start3A_496 = arith.constant 2 : i32
        %dma_start3A_497 = arith.constant 1 : i32
        %dma_start3A_498 = arith.constant 0 : i32
        %dma_start3A_499 = tpu.memref_slice %arg7[%dma_start3A_495, %dma_start3A_496, %dma_start3A_498] : memref<4x3x80xi32, #tpu.memory_space<vmem>> -> memref<1x1x80xi32, #tpu.memory_space<vmem>>
        %dma_start3A_500 = tpu.memref_squeeze %dma_start3A_499 : memref<1x1x80xi32, #tpu.memory_space<vmem>> -> memref<80xi32, #tpu.memory_space<vmem>>
        %dma_start3A_501 = tpu.memref_slice %arg5[%mul3A_468] : memref<327680xi32, #tpu.memory_space<hbm>> -> memref<80xi32, #tpu.memory_space<hbm>>
        %dma_start3A_502 = tpu.memref_slice %arg10[%dma_start3A_497] : memref<4x!tpu.dma_semaphore, #tpu.memory_space<semaphore_mem>> -> memref<1x!tpu.dma_semaphore, #tpu.memory_space<semaphore_mem>>
        %dma_start3A_503 = tpu.memref_squeeze %dma_start3A_502 : memref<1x!tpu.dma_semaphore, #tpu.memory_space<semaphore_mem>> -> memref<!tpu.dma_semaphore, #tpu.memory_space<semaphore_mem>>
        %dma_start3A_504 = arith.constant 0 : i32
        %dma_start3A_505 = tpu.memref_slice %arg7[%dma_start3A_495, %dma_start3A_496, %dma_start3A_504] : memref<4x3x80xi32, #tpu.memory_space<vmem>> -> memref<1x1x80xi32, #tpu.memory_space<vmem>>
        %dma_start3A_506 = tpu.memref_squeeze %dma_start3A_505 : memref<1x1x80xi32, #tpu.memory_space<vmem>> -> memref<80xi32, #tpu.memory_space<vmem>>
        %dma_start3A_507 = tpu.memref_slice %arg5[%mul3A_468] : memref<327680xi32, #tpu.memory_space<hbm>> -> memref<80xi32, #tpu.memory_space<hbm>>
        tpu.enqueue_dma source(%dma_start3A_507 : memref<80xi32, #tpu.memory_space<hbm>>) target(%dma_start3A_506 : memref<80xi32, #tpu.memory_space<vmem>>) target_semaphore(%dma_start3A_503 : memref<!tpu.dma_semaphore, #tpu.memory_space<semaphore_mem>>)
      } else {
      }
      %add3A_420 = arith.constant 1 : i32
      %add3A_421 = arith.addi %add3A_407, %add3A_420 : i32
      %lt3A_422 = arith.constant 128 : i32
      %lt3A_423 = arith.cmpi slt, %add3A_421, %lt3A_422 : i32
      %convert_element_type3A_424 = arith.extui %lt3A_423 : i1 to i32
      %cond3A_425 = arith.constant 0 : i32
      %cond3A_426 = arith.cmpi ne, %convert_element_type3A_424, %cond3A_425 : i32
      scf.if %cond3A_426 {
        %add3A_464 = arith.constant 1 : i32
        %add3A_465 = arith.addi %add3A_407, %add3A_464 : i32
        %add3A_466 = arith.addi %mul3A_2, %add3A_465 : i32
        %mul3A_467 = arith.constant 80 : i32
        %mul3A_468 = arith.muli %add3A_466, %mul3A_467 : i32
        %dma_wait3A_469 = arith.constant 0 : i32
        %dma_wait3A_470 = arith.constant 0 : i32
        %dma_wait3A_471 = arith.constant 0 : i32
        %dma_wait3A_472 = arith.constant 0 : i32
        %dma_wait3A_473 = tpu.memref_slice %arg7[%dma_wait3A_469, %dma_wait3A_470, %dma_wait3A_472] : memref<4x3x80xi32, #tpu.memory_space<vmem>> -> memref<1x1x80xi32, #tpu.memory_space<vmem>>
        %dma_wait3A_474 = tpu.memref_squeeze %dma_wait3A_473 : memref<1x1x80xi32, #tpu.memory_space<vmem>> -> memref<80xi32, #tpu.memory_space<vmem>>
        %dma_wait3A_475 = tpu.memref_slice %arg3[%mul3A_468] : memref<327680xi32, #tpu.memory_space<hbm>> -> memref<80xi32, #tpu.memory_space<hbm>>
        %dma_wait3A_476 = tpu.memref_slice %arg10[%dma_wait3A_471] : memref<4x!tpu.dma_semaphore, #tpu.memory_space<semaphore_mem>> -> memref<1x!tpu.dma_semaphore, #tpu.memory_space<semaphore_mem>>
        %dma_wait3A_477 = tpu.memref_squeeze %dma_wait3A_476 : memref<1x!tpu.dma_semaphore, #tpu.memory_space<semaphore_mem>> -> memref<!tpu.dma_semaphore, #tpu.memory_space<semaphore_mem>>
        %dma_wait3A_478 = arith.constant 0 : i32
        %dma_wait3A_479 = tpu.memref_slice %arg7[%dma_wait3A_469, %dma_wait3A_470, %dma_wait3A_478] : memref<4x3x80xi32, #tpu.memory_space<vmem>> -> memref<1x1x80xi32, #tpu.memory_space<vmem>>
        %dma_wait3A_480 = tpu.memref_squeeze %dma_wait3A_479 : memref<1x1x80xi32, #tpu.memory_space<vmem>> -> memref<80xi32, #tpu.memory_space<vmem>>
        %dma_wait3A_481 = tpu.memref_slice %arg3[%mul3A_468] : memref<327680xi32, #tpu.memory_space<hbm>> -> memref<80xi32, #tpu.memory_space<hbm>>
        tpu.wait_dma2 semaphore(%dma_wait3A_477 : memref<!tpu.dma_semaphore, #tpu.memory_space<semaphore_mem>>) src(%dma_wait3A_481 : memref<80xi32, #tpu.memory_space<hbm>>) dst(%dma_wait3A_480 : memref<80xi32, #tpu.memory_space<vmem>>)
        %dma_wait3A_482 = arith.constant 0 : i32
        %dma_wait3A_483 = arith.constant 1 : i32
        %dma_wait3A_484 = arith.constant 0 : i32
        %dma_wait3A_485 = arith.constant 0 : i32
        %dma_wait3A_486 = tpu.memref_slice %arg7[%dma_wait3A_482, %dma_wait3A_483, %dma_wait3A_485] : memref<4x3x80xi32, #tpu.memory_space<vmem>> -> memref<1x1x80xi32, #tpu.memory_space<vmem>>
        %dma_wait3A_487 = tpu.memref_squeeze %dma_wait3A_486 : memref<1x1x80xi32, #tpu.memory_space<vmem>> -> memref<80xi32, #tpu.memory_space<vmem>>
        %dma_wait3A_488 = tpu.memref_slice %arg4[%mul3A_468] : memref<327680xi32, #tpu.memory_space<hbm>> -> memref<80xi32, #tpu.memory_space<hbm>>
        %dma_wait3A_489 = tpu.memref_slice %arg10[%dma_wait3A_484] : memref<4x!tpu.dma_semaphore, #tpu.memory_space<semaphore_mem>> -> memref<1x!tpu.dma_semaphore, #tpu.memory_space<semaphore_mem>>
        %dma_wait3A_490 = tpu.memref_squeeze %dma_wait3A_489 : memref<1x!tpu.dma_semaphore, #tpu.memory_space<semaphore_mem>> -> memref<!tpu.dma_semaphore, #tpu.memory_space<semaphore_mem>>
        %dma_wait3A_491 = arith.constant 0 : i32
        %dma_wait3A_492 = tpu.memref_slice %arg7[%dma_wait3A_482, %dma_wait3A_483, %dma_wait3A_491] : memref<4x3x80xi32, #tpu.memory_space<vmem>> -> memref<1x1x80xi32, #tpu.memory_space<vmem>>
        %dma_wait3A_493 = tpu.memref_squeeze %dma_wait3A_492 : memref<1x1x80xi32, #tpu.memory_space<vmem>> -> memref<80xi32, #tpu.memory_space<vmem>>
        %dma_wait3A_494 = tpu.memref_slice %arg4[%mul3A_468] : memref<327680xi32, #tpu.memory_space<hbm>> -> memref<80xi32, #tpu.memory_space<hbm>>
        tpu.wait_dma2 semaphore(%dma_wait3A_490 : memref<!tpu.dma_semaphore, #tpu.memory_space<semaphore_mem>>) src(%dma_wait3A_494 : memref<80xi32, #tpu.memory_space<hbm>>) dst(%dma_wait3A_493 : memref<80xi32, #tpu.memory_space<vmem>>)
        %dma_wait3A_495 = arith.constant 0 : i32
        %dma_wait3A_496 = arith.constant 2 : i32
        %dma_wait3A_497 = arith.constant 0 : i32
        %dma_wait3A_498 = arith.constant 0 : i32
        %dma_wait3A_499 = tpu.memref_slice %arg7[%dma_wait3A_495, %dma_wait3A_496, %dma_wait3A_498] : memref<4x3x80xi32, #tpu.memory_space<vmem>> -> memref<1x1x80xi32, #tpu.memory_space<vmem>>
        %dma_wait3A_500 = tpu.memref_squeeze %dma_wait3A_499 : memref<1x1x80xi32, #tpu.memory_space<vmem>> -> memref<80xi32, #tpu.memory_space<vmem>>
        %dma_wait3A_501 = tpu.memref_slice %arg5[%mul3A_468] : memref<327680xi32, #tpu.memory_space<hbm>> -> memref<80xi32, #tpu.memory_space<hbm>>
        %dma_wait3A_502 = tpu.memref_slice %arg10[%dma_wait3A_497] : memref<4x!tpu.dma_semaphore, #tpu.memory_space<semaphore_mem>> -> memref<1x!tpu.dma_semaphore, #tpu.memory_space<semaphore_mem>>
        %dma_wait3A_503 = tpu.memref_squeeze %dma_wait3A_502 : memref<1x!tpu.dma_semaphore, #tpu.memory_space<semaphore_mem>> -> memref<!tpu.dma_semaphore, #tpu.memory_space<semaphore_mem>>
        %dma_wait3A_504 = arith.constant 0 : i32
        %dma_wait3A_505 = tpu.memref_slice %arg7[%dma_wait3A_495, %dma_wait3A_496, %dma_wait3A_504] : memref<4x3x80xi32, #tpu.memory_space<vmem>> -> memref<1x1x80xi32, #tpu.memory_space<vmem>>
        %dma_wait3A_506 = tpu.memref_squeeze %dma_wait3A_505 : memref<1x1x80xi32, #tpu.memory_space<vmem>> -> memref<80xi32, #tpu.memory_space<vmem>>
        %dma_wait3A_507 = tpu.memref_slice %arg5[%mul3A_468] : memref<327680xi32, #tpu.memory_space<hbm>> -> memref<80xi32, #tpu.memory_space<hbm>>
        tpu.wait_dma2 semaphore(%dma_wait3A_503 : memref<!tpu.dma_semaphore, #tpu.memory_space<semaphore_mem>>) src(%dma_wait3A_507 : memref<80xi32, #tpu.memory_space<hbm>>) dst(%dma_wait3A_506 : memref<80xi32, #tpu.memory_space<vmem>>)
        %dma_start3A_508 = arith.constant 0 : i32
        %dma_start3A_509 = arith.constant 0 : i32
        %dma_start3A_510 = arith.constant 0 : i32
        %dma_start3A_511 = arith.constant 0 : i32
        %dma_start3A_512 = arith.constant 0 : i32
        %dma_start3A_513 = arith.constant 0 : i32
        %dma_start3A_514 = tpu.memref_slice %arg8[%dma_start3A_510, %dma_start3A_512, %dma_start3A_513] : memref<4x80x128xf32, #tpu.memory_space<vmem>> -> memref<1x80x128xf32, #tpu.memory_space<vmem>>
        %dma_start3A_515 = tpu.memref_squeeze %dma_start3A_514 : memref<1x80x128xf32, #tpu.memory_space<vmem>> -> memref<80x128xf32, #tpu.memory_space<vmem>>
        %dma_start3A_516 = arith.constant 0 : i32
        %dma_start3A_517 = tpu.memref_slice %arg7[%dma_start3A_508, %dma_start3A_509, %dma_start3A_516] : memref<4x3x80xi32, #tpu.memory_space<vmem>> -> memref<1x1x80xi32, #tpu.memory_space<vmem>>
        %dma_start3A_518 = tpu.memref_squeeze %dma_start3A_517 : memref<1x1x80xi32, #tpu.memory_space<vmem>> -> memref<80xi32, #tpu.memory_space<vmem>>
        %dma_start3A_519 = arith.constant 0 : i32
        %dma_start3A_520 = arith.constant 0 : i32
        %dma_start3A_521 = tpu.memref_slice %arg2[%dma_start3A_519, %dma_start3A_520] : memref<10000x128xf32, #tpu.memory_space<hbm>> -> memref<10000x128xf32, #tpu.memory_space<hbm>>
        %dma_start3A_522 = tpu.memref_slice %arg10[%dma_start3A_511] : memref<4x!tpu.dma_semaphore, #tpu.memory_space<semaphore_mem>> -> memref<1x!tpu.dma_semaphore, #tpu.memory_space<semaphore_mem>>
        %dma_start3A_523 = tpu.memref_squeeze %dma_start3A_522 : memref<1x!tpu.dma_semaphore, #tpu.memory_space<semaphore_mem>> -> memref<!tpu.dma_semaphore, #tpu.memory_space<semaphore_mem>>
        tpu.enqueue_indirect_dma source(%dma_start3A_521 : memref<10000x128xf32, #tpu.memory_space<hbm>>) target(%dma_start3A_515 : memref<80x128xf32, #tpu.memory_space<vmem>>) offsets(%dma_start3A_518 : memref<80xi32, #tpu.memory_space<vmem>>) semaphore(%dma_start3A_523 : memref<!tpu.dma_semaphore, #tpu.memory_space<semaphore_mem>>)
      } else {
      }
      %dma_wait3A_427 = arith.constant 3 : i32
      %dma_wait3A_428 = arith.constant 0 : i32
      %dma_wait3A_429 = arith.constant 3 : i32
      %dma_wait3A_430 = arith.constant 3 : i32
      %dma_wait3A_431 = arith.constant 0 : i32
      %dma_wait3A_432 = arith.constant 0 : i32
      %dma_wait3A_433 = tpu.memref_slice %arg8[%dma_wait3A_429, %dma_wait3A_431, %dma_wait3A_432] : memref<4x80x128xf32, #tpu.memory_space<vmem>> -> memref<1x80x128xf32, #tpu.memory_space<vmem>>
      %dma_wait3A_434 = tpu.memref_squeeze %dma_wait3A_433 : memref<1x80x128xf32, #tpu.memory_space<vmem>> -> memref<80x128xf32, #tpu.memory_space<vmem>>
      %dma_wait3A_435 = arith.constant 0 : i32
      %dma_wait3A_436 = tpu.memref_slice %arg7[%dma_wait3A_427, %dma_wait3A_428, %dma_wait3A_435] : memref<4x3x80xi32, #tpu.memory_space<vmem>> -> memref<1x1x80xi32, #tpu.memory_space<vmem>>
      %dma_wait3A_437 = tpu.memref_squeeze %dma_wait3A_436 : memref<1x1x80xi32, #tpu.memory_space<vmem>> -> memref<80xi32, #tpu.memory_space<vmem>>
      %dma_wait3A_438 = arith.constant 0 : i32
      %dma_wait3A_439 = arith.constant 0 : i32
      %dma_wait3A_440 = tpu.memref_slice %arg2[%dma_wait3A_438, %dma_wait3A_439] : memref<10000x128xf32, #tpu.memory_space<hbm>> -> memref<10000x128xf32, #tpu.memory_space<hbm>>
      %dma_wait3A_441 = tpu.memref_slice %arg10[%dma_wait3A_430] : memref<4x!tpu.dma_semaphore, #tpu.memory_space<semaphore_mem>> -> memref<1x!tpu.dma_semaphore, #tpu.memory_space<semaphore_mem>>
      %dma_wait3A_442 = tpu.memref_squeeze %dma_wait3A_441 : memref<1x!tpu.dma_semaphore, #tpu.memory_space<semaphore_mem>> -> memref<!tpu.dma_semaphore, #tpu.memory_space<semaphore_mem>>
      tpu.wait_indirect_dma semaphore(%dma_wait3A_442 : memref<!tpu.dma_semaphore, #tpu.memory_space<semaphore_mem>>) src(%dma_wait3A_440 : memref<10000x128xf32, #tpu.memory_space<hbm>>) dst(%dma_wait3A_434 : memref<80x128xf32, #tpu.memory_space<vmem>>)
      %scan3A_443 = arith.constant 0 : i32
      %scan3A_444 = arith.constant 80 : i32
      %scan3A_445 = arith.addi %scan3A_443, %scan3A_444 : i32
      %scan3A_446 = arith.constant 1 : i32
      scf.for %scan3A_464 = %scan3A_443 to %scan3A_445 step %scan3A_446  : i32 {
        %mul3A_465 = arith.constant 1 : i32
        %mul3A_466 = arith.muli %scan3A_464, %mul3A_465 : i32
        %add3A_467 = arith.constant 0 : i32
        %add3A_468 = arith.addi %add3A_467, %mul3A_466 : i32
        %broadcast_in_dim3A = arith.constant 0 : i32
        %broadcast_in_dim3A_469 = vector.broadcast %broadcast_in_dim3A : i32 to vector<16xi32>
        %add3A_470 = vector.broadcast %add3A_468 : i32 to vector<16xi32>
        %add3A_471 = arith.addi %broadcast_in_dim3A_469, %add3A_470 : vector<16xi32>
        %gather3A = arith.constant 3 : i32
        %gather3A_472 = arith.constant 2 : i32
        %gather3A_473 = arith.constant 0 : i32
        %gather3A_474 = tpu.memref_slice %arg7[%gather3A, %gather3A_472, %gather3A_473] : memref<4x3x80xi32, #tpu.memory_space<vmem>> -> memref<1x1x80xi32, #tpu.memory_space<vmem>>
        %gather3A_475 = tpu.memref_squeeze %gather3A_474 : memref<1x1x80xi32, #tpu.memory_space<vmem>> -> memref<80xi32, #tpu.memory_space<vmem>>
        %gather3A_476 = tpu.vector_load_idx %gather3A_475[%add3A_471] : memref<80xi32, #tpu.memory_space<vmem>>[vector<16xi32>], vector<16xi32>,
        %bitcast3A = vector.bitcast %gather3A_476 : vector<16xi32> to vector<16xf32>
        %get3A = arith.constant 3 : i32
        %get3A_477 = arith.index_cast %get3A : i32 to index
        %get3A_478 = arith.index_cast %add3A_468 : i32 to index
        %get3A_479 = arith.constant 0 : index
        %get3A_480 = tpu.vector_load %arg8[%get3A_477, %get3A_478, %get3A_479] {strides = array<i32>} : memref<4x80x128xf32, #tpu.memory_space<vmem>>, vector<16xf32>,
        %mul3A_481 = arith.mulf %get3A_480, %bitcast3A : vector<16xf32>
        %swap3A = arith.constant 3 : i32
        %swap3A_482 = arith.index_cast %swap3A : i32 to index
        %swap3A_483 = arith.index_cast %add3A_468 : i32 to index
        %swap3A_484 = arith.constant 0 : index
        %swap3A_485 = tpu.vector_load %arg8[%swap3A_482, %swap3A_483, %swap3A_484] {strides = array<i32>} : memref<4x80x128xf32, #tpu.memory_space<vmem>>, vector<16xf32>,
        tpu.vector_store %arg8[%swap3A_482, %swap3A_483, %swap3A_484], %mul3A_481 {strides = array<i32>} : memref<4x80x128xf32, #tpu.memory_space<vmem>>, vector<16xf32>,
        %get3A_486 = arith.constant 3 : i32
        %get3A_487 = arith.index_cast %get3A_486 : i32 to index
        %get3A_488 = arith.index_cast %add3A_468 : i32 to index
        %get3A_489 = arith.constant 16 : index
        %get3A_490 = tpu.vector_load %arg8[%get3A_487, %get3A_488, %get3A_489] {strides = array<i32>} : memref<4x80x128xf32, #tpu.memory_space<vmem>>, vector<16xf32>,
        %mul3A_491 = arith.mulf %get3A_490, %bitcast3A : vector<16xf32>
        %swap3A_492 = arith.constant 3 : i32
        %swap3A_493 = arith.index_cast %swap3A_492 : i32 to index
        %swap3A_494 = arith.index_cast %add3A_468 : i32 to index
        %swap3A_495 = arith.constant 16 : index
        %swap3A_496 = tpu.vector_load %arg8[%swap3A_493, %swap3A_494, %swap3A_495] {strides = array<i32>} : memref<4x80x128xf32, #tpu.memory_space<vmem>>, vector<16xf32>,
        tpu.vector_store %arg8[%swap3A_493, %swap3A_494, %swap3A_495], %mul3A_491 {strides = array<i32>} : memref<4x80x128xf32, #tpu.memory_space<vmem>>, vector<16xf32>,
        %get3A_497 = arith.constant 3 : i32
        %get3A_498 = arith.index_cast %get3A_497 : i32 to index
        %get3A_499 = arith.index_cast %add3A_468 : i32 to index
        %get3A_500 = arith.constant 32 : index
        %get3A_501 = tpu.vector_load %arg8[%get3A_498, %get3A_499, %get3A_500] {strides = array<i32>} : memref<4x80x128xf32, #tpu.memory_space<vmem>>, vector<16xf32>,
        %mul3A_502 = arith.mulf %get3A_501, %bitcast3A : vector<16xf32>
        %swap3A_503 = arith.constant 3 : i32
        %swap3A_504 = arith.index_cast %swap3A_503 : i32 to index
        %swap3A_505 = arith.index_cast %add3A_468 : i32 to index
        %swap3A_506 = arith.constant 32 : index
        %swap3A_507 = tpu.vector_load %arg8[%swap3A_504, %swap3A_505, %swap3A_506] {strides = array<i32>} : memref<4x80x128xf32, #tpu.memory_space<vmem>>, vector<16xf32>,
        tpu.vector_store %arg8[%swap3A_504, %swap3A_505, %swap3A_506], %mul3A_502 {strides = array<i32>} : memref<4x80x128xf32, #tpu.memory_space<vmem>>, vector<16xf32>,
        %get3A_508 = arith.constant 3 : i32
        %get3A_509 = arith.index_cast %get3A_508 : i32 to index
        %get3A_510 = arith.index_cast %add3A_468 : i32 to index
        %get3A_511 = arith.constant 48 : index
        %get3A_512 = tpu.vector_load %arg8[%get3A_509, %get3A_510, %get3A_511] {strides = array<i32>} : memref<4x80x128xf32, #tpu.memory_space<vmem>>, vector<16xf32>,
        %mul3A_513 = arith.mulf %get3A_512, %bitcast3A : vector<16xf32>
        %swap3A_514 = arith.constant 3 : i32
        %swap3A_515 = arith.index_cast %swap3A_514 : i32 to index
        %swap3A_516 = arith.index_cast %add3A_468 : i32 to index
        %swap3A_517 = arith.constant 48 : index
        %swap3A_518 = tpu.vector_load %arg8[%swap3A_515, %swap3A_516, %swap3A_517] {strides = array<i32>} : memref<4x80x128xf32, #tpu.memory_space<vmem>>, vector<16xf32>,
        tpu.vector_store %arg8[%swap3A_515, %swap3A_516, %swap3A_517], %mul3A_513 {strides = array<i32>} : memref<4x80x128xf32, #tpu.memory_space<vmem>>, vector<16xf32>,
        %get3A_519 = arith.constant 3 : i32
        %get3A_520 = arith.index_cast %get3A_519 : i32 to index
        %get3A_521 = arith.index_cast %add3A_468 : i32 to index
        %get3A_522 = arith.constant 64 : index
        %get3A_523 = tpu.vector_load %arg8[%get3A_520, %get3A_521, %get3A_522] {strides = array<i32>} : memref<4x80x128xf32, #tpu.memory_space<vmem>>, vector<16xf32>,
        %mul3A_524 = arith.mulf %get3A_523, %bitcast3A : vector<16xf32>
        %swap3A_525 = arith.constant 3 : i32
        %swap3A_526 = arith.index_cast %swap3A_525 : i32 to index
        %swap3A_527 = arith.index_cast %add3A_468 : i32 to index
        %swap3A_528 = arith.constant 64 : index
        %swap3A_529 = tpu.vector_load %arg8[%swap3A_526, %swap3A_527, %swap3A_528] {strides = array<i32>} : memref<4x80x128xf32, #tpu.memory_space<vmem>>, vector<16xf32>,
        tpu.vector_store %arg8[%swap3A_526, %swap3A_527, %swap3A_528], %mul3A_524 {strides = array<i32>} : memref<4x80x128xf32, #tpu.memory_space<vmem>>, vector<16xf32>,
        %get3A_530 = arith.constant 3 : i32
        %get3A_531 = arith.index_cast %get3A_530 : i32 to index
        %get3A_532 = arith.index_cast %add3A_468 : i32 to index
        %get3A_533 = arith.constant 80 : index
        %get3A_534 = tpu.vector_load %arg8[%get3A_531, %get3A_532, %get3A_533] {strides = array<i32>} : memref<4x80x128xf32, #tpu.memory_space<vmem>>, vector<16xf32>,
        %mul3A_535 = arith.mulf %get3A_534, %bitcast3A : vector<16xf32>
        %swap3A_536 = arith.constant 3 : i32
        %swap3A_537 = arith.index_cast %swap3A_536 : i32 to index
        %swap3A_538 = arith.index_cast %add3A_468 : i32 to index
        %swap3A_539 = arith.constant 80 : index
        %swap3A_540 = tpu.vector_load %arg8[%swap3A_537, %swap3A_538, %swap3A_539] {strides = array<i32>} : memref<4x80x128xf32, #tpu.memory_space<vmem>>, vector<16xf32>,
        tpu.vector_store %arg8[%swap3A_537, %swap3A_538, %swap3A_539], %mul3A_535 {strides = array<i32>} : memref<4x80x128xf32, #tpu.memory_space<vmem>>, vector<16xf32>,
        %get3A_541 = arith.constant 3 : i32
        %get3A_542 = arith.index_cast %get3A_541 : i32 to index
        %get3A_543 = arith.index_cast %add3A_468 : i32 to index
        %get3A_544 = arith.constant 96 : index
        %get3A_545 = tpu.vector_load %arg8[%get3A_542, %get3A_543, %get3A_544] {strides = array<i32>} : memref<4x80x128xf32, #tpu.memory_space<vmem>>, vector<16xf32>,
        %mul3A_546 = arith.mulf %get3A_545, %bitcast3A : vector<16xf32>
        %swap3A_547 = arith.constant 3 : i32
        %swap3A_548 = arith.index_cast %swap3A_547 : i32 to index
        %swap3A_549 = arith.index_cast %add3A_468 : i32 to index
        %swap3A_550 = arith.constant 96 : index
        %swap3A_551 = tpu.vector_load %arg8[%swap3A_548, %swap3A_549, %swap3A_550] {strides = array<i32>} : memref<4x80x128xf32, #tpu.memory_space<vmem>>, vector<16xf32>,
        tpu.vector_store %arg8[%swap3A_548, %swap3A_549, %swap3A_550], %mul3A_546 {strides = array<i32>} : memref<4x80x128xf32, #tpu.memory_space<vmem>>, vector<16xf32>,
        %get3A_552 = arith.constant 3 : i32
        %get3A_553 = arith.index_cast %get3A_552 : i32 to index
        %get3A_554 = arith.index_cast %add3A_468 : i32 to index
        %get3A_555 = arith.constant 112 : index
        %get3A_556 = tpu.vector_load %arg8[%get3A_553, %get3A_554, %get3A_555] {strides = array<i32>} : memref<4x80x128xf32, #tpu.memory_space<vmem>>, vector<16xf32>,
        %mul3A_557 = arith.mulf %get3A_556, %bitcast3A : vector<16xf32>
        %swap3A_558 = arith.constant 3 : i32
        %swap3A_559 = arith.index_cast %swap3A_558 : i32 to index
        %swap3A_560 = arith.index_cast %add3A_468 : i32 to index
        %swap3A_561 = arith.constant 112 : index
        %swap3A_562 = tpu.vector_load %arg8[%swap3A_559, %swap3A_560, %swap3A_561] {strides = array<i32>} : memref<4x80x128xf32, #tpu.memory_space<vmem>>, vector<16xf32>,
        tpu.vector_store %arg8[%swap3A_559, %swap3A_560, %swap3A_561], %mul3A_557 {strides = array<i32>} : memref<4x80x128xf32, #tpu.memory_space<vmem>>, vector<16xf32>,
      }
      %scan3A_447 = arith.constant 80 : i32
      %dma_start3A_448 = arith.constant 3 : i32
      %dma_start3A_449 = arith.constant 3 : i32
      %dma_start3A_450 = arith.constant 1 : i32
      %dma_start3A_451 = arith.constant 3 : i32
      %dma_start3A_452 = arith.constant 0 : i32
      %dma_start3A_453 = arith.constant 0 : i32
      %dma_start3A_454 = tpu.memref_slice %arg8[%dma_start3A_448, %dma_start3A_452, %dma_start3A_453] : memref<4x80x128xf32, #tpu.memory_space<vmem>> -> memref<1x80x128xf32, #tpu.memory_space<vmem>>
      %dma_start3A_455 = tpu.memref_squeeze %dma_start3A_454 : memref<1x80x128xf32, #tpu.memory_space<vmem>> -> memref<80x128xf32, #tpu.memory_space<vmem>>
      %dma_start3A_456 = arith.constant 0 : i32
      %dma_start3A_457 = tpu.memref_slice %arg7[%dma_start3A_449, %dma_start3A_450, %dma_start3A_456] : memref<4x3x80xi32, #tpu.memory_space<vmem>> -> memref<1x1x80xi32, #tpu.memory_space<vmem>>
      %dma_start3A_458 = tpu.memref_squeeze %dma_start3A_457 : memref<1x1x80xi32, #tpu.memory_space<vmem>> -> memref<80xi32, #tpu.memory_space<vmem>>
      %dma_start3A_459 = arith.constant 0 : i32
      %dma_start3A_460 = arith.constant 0 : i32
      %dma_start3A_461 = tpu.memref_slice %arg9[%dma_start3A_459, %dma_start3A_460] : memref<10240x128xf32, #tpu.memory_space<vmem_shared>> -> memref<10240x128xf32, #tpu.memory_space<vmem_shared>>
      %dma_start3A_462 = tpu.memref_slice %arg11[%dma_start3A_451] : memref<4x!tpu.dma_semaphore, #tpu.memory_space<semaphore_mem>> -> memref<1x!tpu.dma_semaphore, #tpu.memory_space<semaphore_mem>>
      %dma_start3A_463 = tpu.memref_squeeze %dma_start3A_462 : memref<1x!tpu.dma_semaphore, #tpu.memory_space<semaphore_mem>> -> memref<!tpu.dma_semaphore, #tpu.memory_space<semaphore_mem>>
      tpu.enqueue_indirect_dma source(%dma_start3A_455 : memref<80x128xf32, #tpu.memory_space<vmem>>) target(%dma_start3A_461 : memref<10240x128xf32, #tpu.memory_space<vmem_shared>>) offsets(%dma_start3A_458 : memref<80xi32, #tpu.memory_space<vmem>>) semaphore(%dma_start3A_463 : memref<!tpu.dma_semaphore, #tpu.memory_space<semaphore_mem>>) {add = true}
    }
    %scan3A_193 = arith.constant 32 : i32
    %dma_wait3A_194 = arith.constant 2 : i32
    %dma_wait3A_195 = arith.constant 2 : i32
    %dma_wait3A_196 = arith.constant 1 : i32
    %dma_wait3A_197 = arith.constant 2 : i32
    %dma_wait3A_198 = arith.constant 0 : i32
    %dma_wait3A_199 = arith.constant 0 : i32
    %dma_wait3A_200 = tpu.memref_slice %arg8[%dma_wait3A_194, %dma_wait3A_198, %dma_wait3A_199] : memref<4x80x128xf32, #tpu.memory_space<vmem>> -> memref<1x80x128xf32, #tpu.memory_space<vmem>>
    %dma_wait3A_201 = tpu.memref_squeeze %dma_wait3A_200 : memref<1x80x128xf32, #tpu.memory_space<vmem>> -> memref<80x128xf32, #tpu.memory_space<vmem>>
    %dma_wait3A_202 = arith.constant 0 : i32
    %dma_wait3A_203 = tpu.memref_slice %arg7[%dma_wait3A_195, %dma_wait3A_196, %dma_wait3A_202] : memref<4x3x80xi32, #tpu.memory_space<vmem>> -> memref<1x1x80xi32, #tpu.memory_space<vmem>>
    %dma_wait3A_204 = tpu.memref_squeeze %dma_wait3A_203 : memref<1x1x80xi32, #tpu.memory_space<vmem>> -> memref<80xi32, #tpu.memory_space<vmem>>
    %dma_wait3A_205 = arith.constant 0 : i32
    %dma_wait3A_206 = arith.constant 0 : i32
    %dma_wait3A_207 = tpu.memref_slice %arg9[%dma_wait3A_205, %dma_wait3A_206] : memref<10240x128xf32, #tpu.memory_space<vmem_shared>> -> memref<10240x128xf32, #tpu.memory_space<vmem_shared>>
    %dma_wait3A_208 = tpu.memref_slice %arg11[%dma_wait3A_197] : memref<4x!tpu.dma_semaphore, #tpu.memory_space<semaphore_mem>> -> memref<1x!tpu.dma_semaphore, #tpu.memory_space<semaphore_mem>>
    %dma_wait3A_209 = tpu.memref_squeeze %dma_wait3A_208 : memref<1x!tpu.dma_semaphore, #tpu.memory_space<semaphore_mem>> -> memref<!tpu.dma_semaphore, #tpu.memory_space<semaphore_mem>>
    tpu.wait_indirect_dma semaphore(%dma_wait3A_209 : memref<!tpu.dma_semaphore, #tpu.memory_space<semaphore_mem>>) src(%dma_wait3A_201 : memref<80x128xf32, #tpu.memory_space<vmem>>) dst(%dma_wait3A_207 : memref<10240x128xf32, #tpu.memory_space<vmem_shared>>)
    %dma_wait3A_210 = arith.constant 3 : i32
    %dma_wait3A_211 = arith.constant 3 : i32
    %dma_wait3A_212 = arith.constant 1 : i32
    %dma_wait3A_213 = arith.constant 3 : i32
    %dma_wait3A_214 = arith.constant 0 : i32
    %dma_wait3A_215 = arith.constant 0 : i32
    %dma_wait3A_216 = tpu.memref_slice %arg8[%dma_wait3A_210, %dma_wait3A_214, %dma_wait3A_215] : memref<4x80x128xf32, #tpu.memory_space<vmem>> -> memref<1x80x128xf32, #tpu.memory_space<vmem>>
    %dma_wait3A_217 = tpu.memref_squeeze %dma_wait3A_216 : memref<1x80x128xf32, #tpu.memory_space<vmem>> -> memref<80x128xf32, #tpu.memory_space<vmem>>
    %dma_wait3A_218 = arith.constant 0 : i32
    %dma_wait3A_219 = tpu.memref_slice %arg7[%dma_wait3A_211, %dma_wait3A_212, %dma_wait3A_218] : memref<4x3x80xi32, #tpu.memory_space<vmem>> -> memref<1x1x80xi32, #tpu.memory_space<vmem>>
    %dma_wait3A_220 = tpu.memref_squeeze %dma_wait3A_219 : memref<1x1x80xi32, #tpu.memory_space<vmem>> -> memref<80xi32, #tpu.memory_space<vmem>>
    %dma_wait3A_221 = arith.constant 0 : i32
    %dma_wait3A_222 = arith.constant 0 : i32
    %dma_wait3A_223 = tpu.memref_slice %arg9[%dma_wait3A_221, %dma_wait3A_222] : memref<10240x128xf32, #tpu.memory_space<vmem_shared>> -> memref<10240x128xf32, #tpu.memory_space<vmem_shared>>
    %dma_wait3A_224 = tpu.memref_slice %arg11[%dma_wait3A_213] : memref<4x!tpu.dma_semaphore, #tpu.memory_space<semaphore_mem>> -> memref<1x!tpu.dma_semaphore, #tpu.memory_space<semaphore_mem>>
    %dma_wait3A_225 = tpu.memref_squeeze %dma_wait3A_224 : memref<1x!tpu.dma_semaphore, #tpu.memory_space<semaphore_mem>> -> memref<!tpu.dma_semaphore, #tpu.memory_space<semaphore_mem>>
    tpu.wait_indirect_dma semaphore(%dma_wait3A_225 : memref<!tpu.dma_semaphore, #tpu.memory_space<semaphore_mem>>) src(%dma_wait3A_217 : memref<80x128xf32, #tpu.memory_space<vmem>>) dst(%dma_wait3A_223 : memref<10240x128xf32, #tpu.memory_space<vmem_shared>>)
    %barrier3A_226 = arith.constant 0 : index
    tpu.barrier barrier_id(%barrier3A_226)
    %mul3A_227 = arith.constant 640 : i32
    %mul3A_228 = arith.muli %arg1, %mul3A_227 : i32
    %mul3A_229 = arith.constant 640 : i32
    %mul3A_230 = arith.muli %arg1, %mul3A_229 : i32
    "tpu.region"() ({
      %run_scoped3A_231 = tpu.sem_alloc : memref<!tpu.dma_semaphore, #tpu.memory_space<semaphore_mem>>
      %dma_start3A_232 = arith.constant 0 : i32
      %dma_start3A_233 = tpu.memref_slice %arg6[%arg0, %mul3A_230, %dma_start3A_232] : memref<2x10240x128xf32, #tpu.memory_space<hbm>> -> memref<1x640x128xf32, #tpu.memory_space<hbm>>
      %dma_start3A_234 = tpu.memref_squeeze %dma_start3A_233 : memref<1x640x128xf32, #tpu.memory_space<hbm>> -> memref<640x128xf32, #tpu.memory_space<hbm>>
      %dma_start3A_235 = arith.constant 0 : i32
      %dma_start3A_236 = tpu.memref_slice %arg9[%mul3A_228, %dma_start3A_235] : memref<10240x128xf32, #tpu.memory_space<vmem_shared>> -> memref<640x128xf32, #tpu.memory_space<vmem_shared>>
      tpu.enqueue_dma source(%dma_start3A_236 : memref<640x128xf32, #tpu.memory_space<vmem_shared>>) target(%dma_start3A_234 : memref<640x128xf32, #tpu.memory_space<hbm>>) target_semaphore(%run_scoped3A_231 : memref<!tpu.dma_semaphore, #tpu.memory_space<semaphore_mem>>)
      %dma_wait3A_237 = arith.constant 0 : i32
      %dma_wait3A_238 = tpu.memref_slice %arg6[%arg0, %mul3A_230, %dma_wait3A_237] : memref<2x10240x128xf32, #tpu.memory_space<hbm>> -> memref<1x640x128xf32, #tpu.memory_space<hbm>>
      %dma_wait3A_239 = tpu.memref_squeeze %dma_wait3A_238 : memref<1x640x128xf32, #tpu.memory_space<hbm>> -> memref<640x128xf32, #tpu.memory_space<hbm>>
      %dma_wait3A_240 = arith.constant 0 : i32
      %dma_wait3A_241 = tpu.memref_slice %arg9[%mul3A_228, %dma_wait3A_240] : memref<10240x128xf32, #tpu.memory_space<vmem_shared>> -> memref<640x128xf32, #tpu.memory_space<vmem_shared>>
      tpu.wait_dma2 semaphore(%run_scoped3A_231 : memref<!tpu.dma_semaphore, #tpu.memory_space<semaphore_mem>>) src(%dma_wait3A_241 : memref<640x128xf32, #tpu.memory_space<vmem_shared>>) dst(%dma_wait3A_239 : memref<640x128xf32, #tpu.memory_space<hbm>>)
      tpu.yield
    }) : () -> ()
    return
  }
}

#map = affine_map<(d0, d1) -> (0, 0)>
module attributes {stable_mosaic.version = 14 : i64} {
  func.func @_deg_body(%arg0: i32, %arg1: i32, %arg2: memref<2560x128xi32, #tpu.memory_space<hbm>>, %arg3: memref<2560x128xf32, #tpu.memory_space<hbm>>, %arg4: memref<2x10240xf32, #tpu.memory_space<hbm>>, %arg5: memref<80x128xi32, #tpu.memory_space<vmem>>, %arg6: memref<80x128xf32, #tpu.memory_space<vmem>>, %arg7: memref<640xf32, #tpu.memory_space<vmem>>, %arg8: memref<10240xf32, #tpu.memory_space<vmem_shared>>, %arg9: memref<!tpu.dma_semaphore, #tpu.memory_space<semaphore_mem>>) attributes {dimension_semantics = [#tpu.dimension_semantics<core_parallel>, #tpu.dimension_semantics<subcore_parallel>], iteration_bounds = array<i64: 2, 16>, scalar_prefetch = 0 : i64, scratch_operands = 5 : i64, tpu.core_type = #tpu.core_type<sc_vector_subcore>, window_params = [{transform_indices = #map}, {transform_indices = #map}, {transform_indices = #map}]} {
    %mul3A = arith.constant 16 : i32
    %mul3A_0 = arith.muli %arg0, %mul3A : i32
    %add3A = arith.addi %mul3A_0, %arg1 : i32
    %mul3A_1 = arith.constant 80 : i32
    %mul3A_2 = arith.muli %add3A, %mul3A_1 : i32
    %dma_start3A = arith.constant 0 : i32
    %dma_start3A_3 = tpu.memref_slice %arg2[%mul3A_2, %dma_start3A] : memref<2560x128xi32, #tpu.memory_space<hbm>> -> memref<80x128xi32, #tpu.memory_space<hbm>>
    %dma_start3A_4 = arith.constant 0 : i32
    %dma_start3A_5 = tpu.memref_slice %arg2[%mul3A_2, %dma_start3A_4] : memref<2560x128xi32, #tpu.memory_space<hbm>> -> memref<80x128xi32, #tpu.memory_space<hbm>>
    tpu.enqueue_dma source(%dma_start3A_5 : memref<80x128xi32, #tpu.memory_space<hbm>>) target(%arg5 : memref<80x128xi32, #tpu.memory_space<vmem>>) target_semaphore(%arg9 : memref<!tpu.dma_semaphore, #tpu.memory_space<semaphore_mem>>)
    %dma_wait3A = arith.constant 0 : i32
    %dma_wait3A_6 = tpu.memref_slice %arg2[%mul3A_2, %dma_wait3A] : memref<2560x128xi32, #tpu.memory_space<hbm>> -> memref<80x128xi32, #tpu.memory_space<hbm>>
    %dma_wait3A_7 = arith.constant 0 : i32
    %dma_wait3A_8 = tpu.memref_slice %arg2[%mul3A_2, %dma_wait3A_7] : memref<2560x128xi32, #tpu.memory_space<hbm>> -> memref<80x128xi32, #tpu.memory_space<hbm>>
    tpu.wait_dma2 semaphore(%arg9 : memref<!tpu.dma_semaphore, #tpu.memory_space<semaphore_mem>>) src(%dma_wait3A_8 : memref<80x128xi32, #tpu.memory_space<hbm>>) dst(%arg5 : memref<80x128xi32, #tpu.memory_space<vmem>>)
    %dma_start3A_9 = arith.constant 0 : i32
    %dma_start3A_10 = tpu.memref_slice %arg3[%mul3A_2, %dma_start3A_9] : memref<2560x128xf32, #tpu.memory_space<hbm>> -> memref<80x128xf32, #tpu.memory_space<hbm>>
    %dma_start3A_11 = arith.constant 0 : i32
    %dma_start3A_12 = tpu.memref_slice %arg3[%mul3A_2, %dma_start3A_11] : memref<2560x128xf32, #tpu.memory_space<hbm>> -> memref<80x128xf32, #tpu.memory_space<hbm>>
    tpu.enqueue_dma source(%dma_start3A_12 : memref<80x128xf32, #tpu.memory_space<hbm>>) target(%arg6 : memref<80x128xf32, #tpu.memory_space<vmem>>) target_semaphore(%arg9 : memref<!tpu.dma_semaphore, #tpu.memory_space<semaphore_mem>>)
    %dma_wait3A_13 = arith.constant 0 : i32
    %dma_wait3A_14 = tpu.memref_slice %arg3[%mul3A_2, %dma_wait3A_13] : memref<2560x128xf32, #tpu.memory_space<hbm>> -> memref<80x128xf32, #tpu.memory_space<hbm>>
    %dma_wait3A_15 = arith.constant 0 : i32
    %dma_wait3A_16 = tpu.memref_slice %arg3[%mul3A_2, %dma_wait3A_15] : memref<2560x128xf32, #tpu.memory_space<hbm>> -> memref<80x128xf32, #tpu.memory_space<hbm>>
    tpu.wait_dma2 semaphore(%arg9 : memref<!tpu.dma_semaphore, #tpu.memory_space<semaphore_mem>>) src(%dma_wait3A_16 : memref<80x128xf32, #tpu.memory_space<hbm>>) dst(%arg6 : memref<80x128xf32, #tpu.memory_space<vmem>>)
    %scan3A = arith.constant 0 : i32
    %scan3A_17 = arith.constant 40 : i32
    %scan3A_18 = arith.addi %scan3A, %scan3A_17 : i32
    %scan3A_19 = arith.constant 1 : i32
    scf.for %scan3A_38 = %scan3A to %scan3A_18 step %scan3A_19  : i32 {
      %mul3A_39 = arith.constant 16 : i32
      %mul3A_40 = arith.muli %scan3A_38, %mul3A_39 : i32
      %add3A_41 = arith.constant 0 : i32
      %add3A_42 = arith.addi %add3A_41, %mul3A_40 : i32
      %broadcast_in_dim3A = arith.constant 0.000000e+00 : f32
      %broadcast_in_dim3A_43 = vector.broadcast %broadcast_in_dim3A : f32 to vector<16xf32>
      %swap3A = arith.index_cast %add3A_42 : i32 to index
      %swap3A_44 = tpu.vector_load %arg7[%swap3A] {strides = array<i32>} : memref<640xf32, #tpu.memory_space<vmem>>, vector<16xf32>,
      tpu.vector_store %arg7[%swap3A], %broadcast_in_dim3A_43 {strides = array<i32>} : memref<640xf32, #tpu.memory_space<vmem>>, vector<16xf32>,
    }
    %scan3A_20 = arith.constant 40 : i32
    %mul3A_21 = arith.constant 640 : i32
    %mul3A_22 = arith.muli %arg1, %mul3A_21 : i32
    "tpu.region"() ({
      %run_scoped3A = tpu.sem_alloc : memref<!tpu.dma_semaphore, #tpu.memory_space<semaphore_mem>>
      %dma_start3A_38 = tpu.memref_slice %arg8[%mul3A_22] : memref<10240xf32, #tpu.memory_space<vmem_shared>> -> memref<640xf32, #tpu.memory_space<vmem_shared>>
      %dma_start3A_39 = tpu.memref_slice %arg8[%mul3A_22] : memref<10240xf32, #tpu.memory_space<vmem_shared>> -> memref<640xf32, #tpu.memory_space<vmem_shared>>
      tpu.enqueue_dma source(%arg7 : memref<640xf32, #tpu.memory_space<vmem>>) target(%dma_start3A_39 : memref<640xf32, #tpu.memory_space<vmem_shared>>) target_semaphore(%run_scoped3A : memref<!tpu.dma_semaphore, #tpu.memory_space<semaphore_mem>>)
      %dma_wait3A_40 = tpu.memref_slice %arg8[%mul3A_22] : memref<10240xf32, #tpu.memory_space<vmem_shared>> -> memref<640xf32, #tpu.memory_space<vmem_shared>>
      %dma_wait3A_41 = tpu.memref_slice %arg8[%mul3A_22] : memref<10240xf32, #tpu.memory_space<vmem_shared>> -> memref<640xf32, #tpu.memory_space<vmem_shared>>
      tpu.wait_dma2 semaphore(%run_scoped3A : memref<!tpu.dma_semaphore, #tpu.memory_space<semaphore_mem>>) src(%arg7 : memref<640xf32, #tpu.memory_space<vmem>>) dst(%dma_wait3A_41 : memref<640xf32, #tpu.memory_space<vmem_shared>>)
      tpu.yield
    }) : () -> ()
    %barrier3A = arith.constant 0 : index
    tpu.barrier barrier_id(%barrier3A)
    %scan3A_23 = arith.constant 0 : i32
    %scan3A_24 = arith.constant 80 : i32
    %scan3A_25 = arith.addi %scan3A_23, %scan3A_24 : i32
    %scan3A_26 = arith.constant 1 : i32
    scf.for %scan3A_38 = %scan3A_23 to %scan3A_25 step %scan3A_26  : i32 {
      %mul3A_39 = arith.constant 1 : i32
      %mul3A_40 = arith.muli %scan3A_38, %mul3A_39 : i32
      %add3A_41 = arith.constant 0 : i32
      %add3A_42 = arith.addi %add3A_41, %mul3A_40 : i32
      %dma_start3A_43 = arith.constant 0 : i32
      %dma_start3A_44 = tpu.memref_slice %arg6[%add3A_42, %dma_start3A_43] : memref<80x128xf32, #tpu.memory_space<vmem>> -> memref<1x128xf32, #tpu.memory_space<vmem>>
      %dma_start3A_45 = tpu.memref_squeeze %dma_start3A_44 : memref<1x128xf32, #tpu.memory_space<vmem>> -> memref<128xf32, #tpu.memory_space<vmem>>
      %dma_start3A_46 = arith.constant 0 : i32
      %dma_start3A_47 = tpu.memref_slice %arg5[%add3A_42, %dma_start3A_46] : memref<80x128xi32, #tpu.memory_space<vmem>> -> memref<1x128xi32, #tpu.memory_space<vmem>>
      %dma_start3A_48 = tpu.memref_squeeze %dma_start3A_47 : memref<1x128xi32, #tpu.memory_space<vmem>> -> memref<128xi32, #tpu.memory_space<vmem>>
      %dma_start3A_49 = arith.constant 0 : i32
      %dma_start3A_50 = tpu.memref_slice %arg8[%dma_start3A_49] : memref<10240xf32, #tpu.memory_space<vmem_shared>> -> memref<10240xf32, #tpu.memory_space<vmem_shared>>
      tpu.enqueue_indirect_dma source(%dma_start3A_45 : memref<128xf32, #tpu.memory_space<vmem>>) target(%dma_start3A_50 : memref<10240xf32, #tpu.memory_space<vmem_shared>>) offsets(%dma_start3A_48 : memref<128xi32, #tpu.memory_space<vmem>>) semaphore(%arg9 : memref<!tpu.dma_semaphore, #tpu.memory_space<semaphore_mem>>) {add = true}
    }
    %scan3A_27 = arith.constant 80 : i32
    %scan3A_28 = arith.constant 0 : i32
    %scan3A_29 = arith.constant 80 : i32
    %scan3A_30 = arith.addi %scan3A_28, %scan3A_29 : i32
    %scan3A_31 = arith.constant 1 : i32
    scf.for %scan3A_38 = %scan3A_28 to %scan3A_30 step %scan3A_31  : i32 {
      %mul3A_39 = arith.constant 1 : i32
      %mul3A_40 = arith.muli %scan3A_38, %mul3A_39 : i32
      %add3A_41 = arith.constant 0 : i32
      %add3A_42 = arith.addi %add3A_41, %mul3A_40 : i32
      %dma_wait3A_43 = arith.constant 0 : i32
      %dma_wait3A_44 = tpu.memref_slice %arg6[%add3A_42, %dma_wait3A_43] : memref<80x128xf32, #tpu.memory_space<vmem>> -> memref<1x128xf32, #tpu.memory_space<vmem>>
      %dma_wait3A_45 = tpu.memref_squeeze %dma_wait3A_44 : memref<1x128xf32, #tpu.memory_space<vmem>> -> memref<128xf32, #tpu.memory_space<vmem>>
      %dma_wait3A_46 = arith.constant 0 : i32
      %dma_wait3A_47 = tpu.memref_slice %arg5[%add3A_42, %dma_wait3A_46] : memref<80x128xi32, #tpu.memory_space<vmem>> -> memref<1x128xi32, #tpu.memory_space<vmem>>
      %dma_wait3A_48 = tpu.memref_squeeze %dma_wait3A_47 : memref<1x128xi32, #tpu.memory_space<vmem>> -> memref<128xi32, #tpu.memory_space<vmem>>
      %dma_wait3A_49 = arith.constant 0 : i32
      %dma_wait3A_50 = tpu.memref_slice %arg8[%dma_wait3A_49] : memref<10240xf32, #tpu.memory_space<vmem_shared>> -> memref<10240xf32, #tpu.memory_space<vmem_shared>>
      tpu.wait_indirect_dma semaphore(%arg9 : memref<!tpu.dma_semaphore, #tpu.memory_space<semaphore_mem>>) src(%dma_wait3A_45 : memref<128xf32, #tpu.memory_space<vmem>>) dst(%dma_wait3A_50 : memref<10240xf32, #tpu.memory_space<vmem_shared>>)
    }
    %scan3A_32 = arith.constant 80 : i32
    %barrier3A_33 = arith.constant 0 : index
    tpu.barrier barrier_id(%barrier3A_33)
    %mul3A_34 = arith.constant 640 : i32
    %mul3A_35 = arith.muli %arg1, %mul3A_34 : i32
    %mul3A_36 = arith.constant 640 : i32
    %mul3A_37 = arith.muli %arg1, %mul3A_36 : i32
    "tpu.region"() ({
      %run_scoped3A = tpu.sem_alloc : memref<!tpu.dma_semaphore, #tpu.memory_space<semaphore_mem>>
      %dma_start3A_38 = tpu.memref_slice %arg4[%arg0, %mul3A_37] : memref<2x10240xf32, #tpu.memory_space<hbm>> -> memref<1x640xf32, #tpu.memory_space<hbm>>
      %dma_start3A_39 = tpu.memref_squeeze %dma_start3A_38 : memref<1x640xf32, #tpu.memory_space<hbm>> -> memref<640xf32, #tpu.memory_space<hbm>>
      %dma_start3A_40 = tpu.memref_slice %arg8[%mul3A_35] : memref<10240xf32, #tpu.memory_space<vmem_shared>> -> memref<640xf32, #tpu.memory_space<vmem_shared>>
      tpu.enqueue_dma source(%dma_start3A_40 : memref<640xf32, #tpu.memory_space<vmem_shared>>) target(%dma_start3A_39 : memref<640xf32, #tpu.memory_space<hbm>>) target_semaphore(%run_scoped3A : memref<!tpu.dma_semaphore, #tpu.memory_space<semaphore_mem>>)
      %dma_wait3A_41 = tpu.memref_slice %arg4[%arg0, %mul3A_37] : memref<2x10240xf32, #tpu.memory_space<hbm>> -> memref<1x640xf32, #tpu.memory_space<hbm>>
      %dma_wait3A_42 = tpu.memref_squeeze %dma_wait3A_41 : memref<1x640xf32, #tpu.memory_space<hbm>> -> memref<640xf32, #tpu.memory_space<hbm>>
      %dma_wait3A_43 = tpu.memref_slice %arg8[%mul3A_35] : memref<10240xf32, #tpu.memory_space<vmem_shared>> -> memref<640xf32, #tpu.memory_space<vmem_shared>>
      tpu.wait_dma2 semaphore(%run_scoped3A : memref<!tpu.dma_semaphore, #tpu.memory_space<semaphore_mem>>) src(%dma_wait3A_43 : memref<640xf32, #tpu.memory_space<vmem_shared>>) dst(%dma_wait3A_42 : memref<640xf32, #tpu.memory_space<hbm>>)
      tpu.yield
    }) : () -> ()
    return
  }
}

module attributes {stable_mosaic.version = 14 : i64} {
  func.func @_a_body(%arg0: memref<10000x128xf32, #tpu.memory_space<vmem>>, %arg1: memref<128x128xf32, #tpu.memory_space<vmem>>, %arg2: memref<16x1xf32, #tpu.memory_space<vmem>>, %arg3: memref<16x128xf32, #tpu.memory_space<vmem>>, %arg4: memref<2x10240x1xf32, #tpu.memory_space<vmem>>, %arg5: memref<10000x128xf32, #tpu.memory_space<vmem>>, %arg6: memref<10000x1xf32, #tpu.memory_space<vmem>>) attributes {dimension_semantics = [], scalar_prefetch = 0 : i64, scratch_operands = 0 : i64, tpu.core_type = #tpu.core_type<tc>} {
    %get3A = arith.constant 0 : index
    %get3A_0 = arith.constant 0 : index
    %get3A_1 = vector.load %arg2[%get3A, %get3A_0] : memref<16x1xf32, #tpu.memory_space<vmem>>, vector<16x1xf32>
    %get3A_2 = arith.constant 0 : index
    %get3A_3 = arith.constant 0 : index
    %get3A_4 = vector.load %arg3[%get3A_2, %get3A_3] : memref<16x128xf32, #tpu.memory_space<vmem>>, vector<16x128xf32>
    %mul3A = vector.broadcast %get3A_1 : vector<16x1xf32> to vector<16x128xf32>
    %mul3A_5 = arith.mulf %mul3A, %get3A_4 : vector<16x128xf32>
    %reduce_sum3A = arith.constant dense<0.000000e+00> : vector<128xf32>
    %reduce_sum3A_6 = vector.multi_reduction <add>, %mul3A_5, %reduce_sum3A [0] : vector<16x128xf32> to vector<128xf32>
    %broadcast_in_dim3A = vector.shape_cast %reduce_sum3A_6 : vector<128xf32> to vector<1x128xf32>
    %get3A_7 = arith.constant 0 : index
    %get3A_8 = arith.constant 0 : index
    %get3A_9 = vector.load %arg0[%get3A_7, %get3A_8] : memref<10000x128xf32, #tpu.memory_space<vmem>>, vector<10000x128xf32>
    %get3A_10 = arith.constant 0 : index
    %get3A_11 = arith.constant 0 : index
    %get3A_12 = vector.load %arg1[%get3A_10, %get3A_11] : memref<128x128xf32, #tpu.memory_space<vmem>>, vector<128x128xf32>
    %dot_general3A = arith.constant dense<0.000000e+00> : vector<10000x128xf32>
    %dot_general3A_13 = tpu.matmul %get3A_9, %get3A_12, %dot_general3A {dimension_numbers = #tpu.dot_dimension_numbers<[1], [0], [0], [1], [0, 0, 1, 1], [], []>, transpose_lhs_hint = false} : vector<10000x128xf32>, vector<128x128xf32>, vector<10000x128xf32> -> vector<10000x128xf32>
    %add3A = vector.broadcast %broadcast_in_dim3A : vector<1x128xf32> to vector<10000x128xf32>
    %add3A_14 = arith.addf %dot_general3A_13, %add3A : vector<10000x128xf32>
    %get3A_15 = arith.constant 0 : index
    %get3A_16 = arith.constant 0 : index
    %get3A_17 = arith.constant 0 : index
    %get3A_18 = vector.load %arg4[%get3A_15, %get3A_16, %get3A_17] : memref<2x10240x1xf32, #tpu.memory_space<vmem>>, vector<1x10000x1xf32>
    %get3A_19 = vector.shape_cast %get3A_18 : vector<1x10000x1xf32> to vector<10000x1xf32>
    %get3A_20 = arith.constant 1 : index
    %get3A_21 = arith.constant 0 : index
    %get3A_22 = arith.constant 0 : index
    %get3A_23 = vector.load %arg4[%get3A_20, %get3A_21, %get3A_22] : memref<2x10240x1xf32, #tpu.memory_space<vmem>>, vector<1x10000x1xf32>
    %get3A_24 = vector.shape_cast %get3A_23 : vector<1x10000x1xf32> to vector<10000x1xf32>
    %add3A_25 = arith.addf %get3A_19, %get3A_24 : vector<10000x1xf32>
    %add3A_26 = arith.constant 1.000000e+00 : f32
    %add3A_27 = vector.broadcast %add3A_26 : f32 to vector<10000x1xf32>
    %add3A_28 = arith.addf %add3A_25, %add3A_27 : vector<10000x1xf32>
    %rsqrt3A = math.rsqrt %add3A_28 : vector<10000x1xf32>
    %swap3A = arith.constant 0 : index
    %swap3A_29 = arith.constant 0 : index
    %swap3A_30 = vector.load %arg6[%swap3A, %swap3A_29] : memref<10000x1xf32, #tpu.memory_space<vmem>>, vector<10000x1xf32>
    tpu.vector_store %arg6[%swap3A, %swap3A_29], %rsqrt3A {strides = array<i32>} : memref<10000x1xf32, #tpu.memory_space<vmem>>, vector<10000x1xf32>,
    %mul3A_31 = vector.broadcast %rsqrt3A : vector<10000x1xf32> to vector<10000x128xf32>
    %mul3A_32 = arith.mulf %add3A_14, %mul3A_31 : vector<10000x128xf32>
    %swap3A_33 = arith.constant 0 : index
    %swap3A_34 = arith.constant 0 : index
    %swap3A_35 = vector.load %arg5[%swap3A_33, %swap3A_34] : memref<10000x128xf32, #tpu.memory_space<vmem>>, vector<10000x128xf32>
    tpu.vector_store %arg5[%swap3A_33, %swap3A_34], %mul3A_32 {strides = array<i32>} : memref<10000x128xf32, #tpu.memory_space<vmem>>, vector<10000x128xf32>,
    return
  }
}

module attributes {stable_mosaic.version = 14 : i64} {
  func.func @_e_body(%arg0: memref<2x10240x128xf32, #tpu.memory_space<vmem>>, %arg1: memref<10000x128xf32, #tpu.memory_space<vmem>>, %arg2: memref<10000x1xf32, #tpu.memory_space<vmem>>, %arg3: memref<1x128xf32, #tpu.memory_space<vmem>>, %arg4: memref<1x128xf32, #tpu.memory_space<vmem>>, %arg5: memref<1x128xf32, #tpu.memory_space<vmem>>, %arg6: memref<128x128xf32, #tpu.memory_space<vmem>>, %arg7: memref<1x128xf32, #tpu.memory_space<vmem>>, %arg8: memref<10000x128xf32, #tpu.memory_space<vmem>>) attributes {dimension_semantics = [], scalar_prefetch = 0 : i64, scratch_operands = 0 : i64, tpu.core_type = #tpu.core_type<tc>} {
    %get3A = arith.constant 0 : index
    %get3A_0 = arith.constant 0 : index
    %get3A_1 = arith.constant 0 : index
    %get3A_2 = vector.load %arg0[%get3A, %get3A_0, %get3A_1] : memref<2x10240x128xf32, #tpu.memory_space<vmem>>, vector<1x10000x128xf32>
    %get3A_3 = vector.shape_cast %get3A_2 : vector<1x10000x128xf32> to vector<10000x128xf32>
    %get3A_4 = arith.constant 1 : index
    %get3A_5 = arith.constant 0 : index
    %get3A_6 = arith.constant 0 : index
    %get3A_7 = vector.load %arg0[%get3A_4, %get3A_5, %get3A_6] : memref<2x10240x128xf32, #tpu.memory_space<vmem>>, vector<1x10000x128xf32>
    %get3A_8 = vector.shape_cast %get3A_7 : vector<1x10000x128xf32> to vector<10000x128xf32>
    %add3A = arith.addf %get3A_3, %get3A_8 : vector<10000x128xf32>
    %get3A_9 = arith.constant 0 : index
    %get3A_10 = arith.constant 0 : index
    %get3A_11 = vector.load %arg1[%get3A_9, %get3A_10] : memref<10000x128xf32, #tpu.memory_space<vmem>>, vector<10000x128xf32>
    %add3A_12 = arith.addf %add3A, %get3A_11 : vector<10000x128xf32>
    %get3A_13 = arith.constant 0 : index
    %get3A_14 = arith.constant 0 : index
    %get3A_15 = vector.load %arg2[%get3A_13, %get3A_14] : memref<10000x1xf32, #tpu.memory_space<vmem>>, vector<10000x1xf32>
    %mul3A = vector.broadcast %get3A_15 : vector<10000x1xf32> to vector<10000x128xf32>
    %mul3A_16 = arith.mulf %add3A_12, %mul3A : vector<10000x128xf32>
    %get3A_17 = arith.constant 0 : index
    %get3A_18 = arith.constant 0 : index
    %get3A_19 = vector.load %arg3[%get3A_17, %get3A_18] : memref<1x128xf32, #tpu.memory_space<vmem>>, vector<1x128xf32>
    %add3A_20 = vector.broadcast %get3A_19 : vector<1x128xf32> to vector<10000x128xf32>
    %add3A_21 = arith.addf %mul3A_16, %add3A_20 : vector<10000x128xf32>
    %reduce_sum3A = arith.constant dense<0.000000e+00> : vector<128xf32>
    %reduce_sum3A_22 = vector.multi_reduction <add>, %add3A_21, %reduce_sum3A [0] : vector<10000x128xf32> to vector<128xf32>
    %broadcast_in_dim3A = vector.shape_cast %reduce_sum3A_22 : vector<128xf32> to vector<1x128xf32>
    %div3A = arith.constant 1.000000e+04 : f32
    %div3A_23 = vector.broadcast %div3A : f32 to vector<1x128xf32>
    %div3A_24 = arith.divf %broadcast_in_dim3A, %div3A_23 : vector<1x128xf32>
    %sub3A = vector.broadcast %div3A_24 : vector<1x128xf32> to vector<10000x128xf32>
    %sub3A_25 = arith.subf %add3A_21, %sub3A : vector<10000x128xf32>
    %mul3A_26 = arith.mulf %sub3A_25, %sub3A_25 : vector<10000x128xf32>
    %reduce_sum3A_27 = arith.constant dense<0.000000e+00> : vector<128xf32>
    %reduce_sum3A_28 = vector.multi_reduction <add>, %mul3A_26, %reduce_sum3A_27 [0] : vector<10000x128xf32> to vector<128xf32>
    %broadcast_in_dim3A_29 = vector.shape_cast %reduce_sum3A_28 : vector<128xf32> to vector<1x128xf32>
    %div3A_30 = arith.constant 1.000000e+04 : f32
    %div3A_31 = vector.broadcast %div3A_30 : f32 to vector<1x128xf32>
    %div3A_32 = arith.divf %broadcast_in_dim3A_29, %div3A_31 : vector<1x128xf32>
    %add3A_33 = arith.constant 9.99999974E-6 : f32
    %add3A_34 = vector.broadcast %add3A_33 : f32 to vector<1x128xf32>
    %add3A_35 = arith.addf %div3A_32, %add3A_34 : vector<1x128xf32>
    %rsqrt3A = math.rsqrt %add3A_35 : vector<1x128xf32>
    %mul3A_36 = vector.broadcast %rsqrt3A : vector<1x128xf32> to vector<10000x128xf32>
    %mul3A_37 = arith.mulf %sub3A_25, %mul3A_36 : vector<10000x128xf32>
    %get3A_38 = arith.constant 0 : index
    %get3A_39 = arith.constant 0 : index
    %get3A_40 = vector.load %arg4[%get3A_38, %get3A_39] : memref<1x128xf32, #tpu.memory_space<vmem>>, vector<1x128xf32>
    %mul3A_41 = vector.broadcast %get3A_40 : vector<1x128xf32> to vector<10000x128xf32>
    %mul3A_42 = arith.mulf %mul3A_37, %mul3A_41 : vector<10000x128xf32>
    %get3A_43 = arith.constant 0 : index
    %get3A_44 = arith.constant 0 : index
    %get3A_45 = vector.load %arg5[%get3A_43, %get3A_44] : memref<1x128xf32, #tpu.memory_space<vmem>>, vector<1x128xf32>
    %add3A_46 = vector.broadcast %get3A_45 : vector<1x128xf32> to vector<10000x128xf32>
    %add3A_47 = arith.addf %mul3A_42, %add3A_46 : vector<10000x128xf32>
    %ge3A = arith.constant 0.000000e+00 : f32
    %ge3A_48 = vector.broadcast %ge3A : f32 to vector<10000x128xf32>
    %ge3A_49 = arith.cmpf oge, %add3A_47, %ge3A_48 : vector<10000x128xf32>
    %mul3A_50 = arith.constant 0.00999999977 : f32
    %mul3A_51 = vector.broadcast %mul3A_50 : f32 to vector<10000x128xf32>
    %mul3A_52 = arith.mulf %mul3A_51, %add3A_47 : vector<10000x128xf32>
    %select_n3A = arith.select %ge3A_49, %add3A_47, %mul3A_52 : vector<10000x128xi1>, vector<10000x128xf32>
    %get3A_53 = arith.constant 0 : index
    %get3A_54 = arith.constant 0 : index
    %get3A_55 = vector.load %arg6[%get3A_53, %get3A_54] : memref<128x128xf32, #tpu.memory_space<vmem>>, vector<128x128xf32>
    %dot_general3A = arith.constant dense<0.000000e+00> : vector<10000x128xf32>
    %dot_general3A_56 = tpu.matmul %select_n3A, %get3A_55, %dot_general3A {dimension_numbers = #tpu.dot_dimension_numbers<[1], [0], [0], [1], [0, 0, 1, 1], [], []>, transpose_lhs_hint = false} : vector<10000x128xf32>, vector<128x128xf32>, vector<10000x128xf32> -> vector<10000x128xf32>
    %get3A_57 = arith.constant 0 : index
    %get3A_58 = arith.constant 0 : index
    %get3A_59 = vector.load %arg7[%get3A_57, %get3A_58] : memref<1x128xf32, #tpu.memory_space<vmem>>, vector<1x128xf32>
    %add3A_60 = vector.broadcast %get3A_59 : vector<1x128xf32> to vector<10000x128xf32>
    %add3A_61 = arith.addf %dot_general3A_56, %add3A_60 : vector<10000x128xf32>
    %swap3A = arith.constant 0 : index
    %swap3A_62 = arith.constant 0 : index
    %swap3A_63 = vector.load %arg8[%swap3A, %swap3A_62] : memref<10000x128xf32, #tpu.memory_space<vmem>>, vector<10000x128xf32>
    tpu.vector_store %arg8[%swap3A, %swap3A_62], %add3A_61 {strides = array<i32>} : memref<10000x128xf32, #tpu.memory_space<vmem>>, vector<10000x128xf32>,
    return
  }
}

</mosaic_0001>

<sc_bundles>
// kernel: kernel.6.cloned.1.call-start
scs
__scs_entry_jumppad:
0x0: {  	(pc) =	sbr.rel $0x88, $3  }
0x1: {  	(tag) =	ssettag $0x0;
	lr =	simm.s32 $0x1  }
0x2: {  	[smem:$0x3F94] =	sst lr;
	_ =	strace $0xD0000000  }
0x3: {  	_ = 	snop  }
0x4: {  	_ = 	snop  }
0x5: {  	_ = 	snop  }
0x6: {  	_ = 	snop  }
0x7: {  	_ = 	snop  }
__scs_overlays_trampoline_lowered:
0x8: {  	[smem:$0x3FA3] =	sst s0  }
0x9: {  	[smem:$0x3FA4] =	sst s1  }
0xa: {  	[smem:$0x3FA5] =	sst s2  }
0xb: {  	[smem:$0x3FA6] =	sst s3  }
0xc: {  	[smem:$0x3FA7] =	sst s4  }
0xd: {  	[smem:$0x3FA8] =	sst s5  }
0xe: {  	[smem:$0x3FA9] =	sst s6  }
0xf: {  	[smem:$0x3FAA] =	sst s7  }
0x10: {  	[smem:$0x3FAB] =	sst s8  }
0x11: {  	[smem:$0x3FAC] =	sst s9;
	s0 =	simm.s32 @!p0 $0x0  }
0x12: {  	s1 =	sld [smem:$0x3F92];
	s0 =	simm.s32 @p0 $0x1  }
0x13: {  	[smem:$0x3FAD] =	sst s0;
	s0 =	simm.s32 @!p1 $0x0  }
0x14: {  	s2 =	sld [smem:$0x3F91];
	s0 =	simm.s32 @p1 $0x1  }
0x15: {  	[smem:$0x3FAE] =	sst s0;
	s0 =	simm.s32 @!p2 $0x0  }
0x16: {  	s3 =	sld [smem:$0x3FDB];
	s0 =	simm.s32 @p2 $0x1  }
0x17: {  	s4 =	simm.s32 $0x1BF5;
	[smem:$0x3FB0] =	sst s0  }
0x18: {  	s0 =	sld [smem:$0x3F93];
	_ =	swait.ge [sflag:s4], $0x0  }
0x19: {  	s7 =	sld [smem:$0x3F94]  }
0x1a: {  	s8 =	sadd.s32 $0xFFFFE003, lr  }
0x1b: {  	s9 =	sadd.s32 $0xFFFFFEF7, lr;
	s5 =	simm.s32 $0xFFFFFFFF;
	p2 =	slt.u32 s8, $0xFFFFF086  }
0x1c: {  	p1 =	slt.u32 s9, $0xF7A;
	s5 =	simm.s32 @!p2 $0x0  }
0x1d: {  	s5 =	simm.s32 @p1 $0x1;
	p0 =	seq.s32 s7, s2  }
0x1e: {  	s7 =	smul.u32 @!p0 $0xF7A, s2;
	p2 =	seq.s32 @!p0 s5, $0x0  }
0x1f: {  	s9 =	smul.u32 $0xF7A, s1;
	s8 =	simm.s32 @!p0 $0x1BF5;
	p2 =	por !p2, p0  }
0x20: {  	[sflag:s8] =	ssyncset.s32 @!p0 $0xFFFFF086;
	s6 =	sadd.s32 @!p0 s3, s7;
	s7 =	simm.s32 @!p0 $0x108  }
0x21: {  	s3 =	sadd.s32 s3, s9;
	s6 =	sadd.s32 @!p0 $0x88, s6;
	s7 =	simm.s32 @p2 $0x1082  }
0x22: {  	[simem:s7], [sflag:s8] =	dma.local @!p0 [hbm:s6], $0xF7A  }
0x23: {  	s9 =	sor.u32 $0xD0000000, s2;
	s6 =	simm.s32 $0x108;
	_ =	swait.ge @!p0 [sflag:s8], $0x0  }
0x24: {  	s3 =	sadd.s32 $0x88, s3;
	s6 =	simm.s32 @!p1 $0x1082;
	[sflag:s4] =	ssyncset.s32 $0xFFFFF086  }
0x25: {  	[simem:s6], [sflag:s4] =	dma.local [hbm:s3], $0xF7A  }
0x26: {  	[smem:$0x3F94] =	sst s1;
	(tag) =	ssettag s2;
	_ =	strace s9  }
0x27: {  	s1 =	sld [smem:$0x3FA4]  }
0x28: {  	s2 =	sld [smem:$0x3FA5]  }
0x29: {  	s4 =	sld [smem:$0x3FA7]  }
0x2a: {  	p0 =	seq.s32 s5, $0x0;
	s5 =	sld [smem:$0x3FA8]  }
0x2b: {  	s6 =	sld [smem:$0x3FA9]  }
0x2c: {  	s7 =	sld [smem:$0x3FAA]  }
0x2d: {  	s3 =	simm.s32 $0x108;
	s8 =	sld [smem:$0x3FAB]  }
0x2e: {  	s3 =	simm.s32 @!p0 $0x1082;
	s9 =	sld [smem:$0x3FAC]  }
0x2f: {  	lr =	sadd.s32 s0, s3;
	s0 =	sld [smem:$0x3FA3]  }
0x30: {  	s3 =	sld [smem:$0x3FA6]  }
0x31: {  	[smem:$0x3FAF] =	sst s10  }
0x32: {  	s10 =	sld [smem:$0x3FAD];
	_ =	sdelay $0x3  }
0x33: {  	p0 =	seq.s32 s10, $0x1;
	s10 =	sld [smem:$0x3FAF];
	_ =	sdelay $0x3  }
0x34: {  	[smem:$0x3FAF] =	sst s10  }
0x35: {  	s10 =	sld [smem:$0x3FAE];
	_ =	sdelay $0x3  }
0x36: {  	p1 =	seq.s32 s10, $0x1;
	s10 =	sld [smem:$0x3FAF];
	_ =	sdelay $0x3  }
0x37: {  	[smem:$0x3FAF] =	sst s10  }
0x38: {  	s10 =	sld [smem:$0x3FB0]  }
0x39: {  	_ = 	snop;
	(pc) =	sbr.ind lr, $3  }
0x3a: {  	_ = 	snop  }
0x3b: {  	_ = 	snop  }
0x3c: {  	p2 =	seq.s32 s10, $0x1;
	s10 =	sld [smem:$0x3FAF]  }
0x3d: {  	_ =	shalt  }
0x3e: {  	_ =	shalt  }
0x3f: {  	_ =	shalt  }
0x40: {  	_ =	shalt  }
0x41: {  	_ =	shalt  }
0x42: {  	_ =	shalt  }
0x43: {  	_ =	shalt  }
0x44: {  	_ =	shalt  }
0x45: {  	_ =	shalt  }
0x46: {  	_ =	shalt  }
0x47: {  	_ =	shalt  }
0x48: {  	_ =	shalt  }
0x49: {  	_ =	shalt  }
0x4a: {  	_ =	shalt  }
0x4b: {  	_ =	shalt  }
0x4c: {  	_ =	shalt  }
0x4d: {  	_ =	shalt  }
0x4e: {  	_ =	shalt  }
0x4f: {  	_ =	shalt  }
0x50: {  	_ =	shalt  }
0x51: {  	_ =	shalt  }
0x52: {  	_ =	shalt  }
0x53: {  	_ =	shalt  }
0x54: {  	_ =	shalt  }
0x55: {  	_ =	shalt  }
0x56: {  	_ =	shalt  }
0x57: {  	_ =	shalt  }
0x58: {  	_ =	shalt  }
0x59: {  	_ =	shalt  }
0x5a: {  	_ =	shalt  }
0x5b: {  	_ =	shalt  }
0x5c: {  	_ =	shalt  }
0x5d: {  	_ =	shalt  }
0x5e: {  	_ =	shalt  }
0x5f: {  	_ =	shalt  }
0x60: {  	_ =	shalt  }
0x61: {  	_ =	shalt  }
0x62: {  	_ =	shalt  }
0x63: {  	_ =	shalt  }
0x64: {  	_ =	shalt  }
0x65: {  	_ =	shalt  }
0x66: {  	_ =	shalt  }
0x67: {  	_ =	shalt  }
0x68: {  	_ =	shalt  }
0x69: {  	_ =	shalt  }
0x6a: {  	_ =	shalt  }
0x6b: {  	_ =	shalt  }
0x6c: {  	_ =	shalt  }
0x6d: {  	_ =	shalt  }
0x6e: {  	_ =	shalt  }
0x6f: {  	_ =	shalt  }
0x70: {  	_ =	shalt  }
0x71: {  	_ =	shalt  }
0x72: {  	_ =	shalt  }
0x73: {  	_ =	shalt  }
0x74: {  	_ =	shalt  }
0x75: {  	_ =	shalt  }
0x76: {  	_ =	shalt  }
0x77: {  	_ =	shalt  }
0x78: {  	_ =	shalt  }
0x79: {  	_ =	shalt  }
0x7a: {  	_ =	shalt  }
0x7b: {  	_ =	shalt  }
0x7c: {  	_ =	shalt  }
0x7d: {  	_ =	shalt  }
0x7e: {  	_ =	shalt  }
0x7f: {  	_ =	shalt  }
0x80: {  	_ =	shalt  }
0x81: {  	_ =	shalt  }
0x82: {  	_ =	shalt  }
0x83: {  	_ =	shalt  }
0x84: {  	_ =	shalt  }
0x85: {  	_ =	shalt  }
0x86: {  	_ =	shalt  }
0x87: {  	_ =	shalt  }
.Lfunc_end0:
.L_simem_size_0:
called_computation_lowered:
.L_overlay_start_0:
0x88: {  	s2 =	sld [smem:$0x3FD9]  }
0x89: {  	s3 =	sld [smem:$0x3FFE];
	_ =	sdelay $0x1  }
0x8a: {  	s1 =	srdreg.scid  }
0x8b: {  	s0 =	sand.u32 $0x1, s1  }
0x8c: {  	s17 =	sshll.u32 s0, $0xA;
	s2 =	sadd.s32 s3, s2  }
0x8d: {  	s2 =	sadd.s32 s2, s17  }
0x8e: {  	[smem:$0x3FBB] =	sst s2  }
0x8f: {  	_ = 	snop  }
0x90: {  	s2 =	sld [smem:$0x3FD0];
	(tm) =	ssettm $0x1  }
0x91: {  	s18 =	sld [smem:$0x3FFB];
	_ =	sdelay $0x3  }
0x92: {  	_ =	strace s18  }
0x93: {  	s3 =	sld [smem:$0x3FFC];
	_ =	sdelay $0x3  }
0x94: {  	_ =	strace s3  }
0x95: {  	s3 =	sld [smem:$0x3FFD];
	_ =	sdelay $0x3  }
0x96: {  	_ =	strace s3  }
0x97: {  	_ =	strace $0x8FFFFFFF  }
0x98: {  	s19 =	sld [smem:$0x3FDB];
	_ =	sdelay $0x1  }
0x99: {  	s4 =	simm.s32 $_scs_section_size  }
0x9a: {  	s5 =	simm.s32 $_size__tile_overlayer_lowered;
	s6 =	simm.s32 $_tile_overlayer_lowered  }
0x9b: {  	s22 =	simm.s32 $0x1BFF;
	s21 =	sshll.u32 s6, $0x1;
	s3 =	sadd.s32 s4, s19  }
0x9c: {  	s7 =	simm.s32 $0x0;
	s20 =	sshll.u32 s5, $0x1;
	s5 =	sadd.s32 s21, s3  }
0x9d: {  	[timem:s7], [sflag:s22] =	dma.local [hbm:s5], s20  }
0x9e: {  	_ =	swait.ge [sflag:s22], s20  }
0x9f: {  	s4 =	ssub.s32 $0x0, s20;
	[sflag:s22] =	ssyncset.done $0x0  }
0xa0: {  	[sflag:s22] =	ssyncadd.s32 s4;
	_ =	sdelay $0x1  }
0xa1: {  	s23 =	simm.s32 $0x1B8B  }
0xa2: {  	_ =	swait.ge [sflag:s23], $0x1  }
0xa3: {  	[sflag:s23] =	ssyncset.done $0x0  }
0xa4: {  	s25 =	simm.s32 $0x1B8E;
	s24 =	sld [smem:$0x3FFE];
	[sflag:s23] =	ssyncadd.s32 $0xFFFFFFFF  }
0xa5: {  	s26 =	simm.s32 $execute0_lowered;
	[smem:$0x3FD2] =	sst s25  }
0xa6: {  	s5 =	sshll.u32 s26, $0x1;
	_ =	strace $0x80000046;
	[dreg:$0x1] =	wrdreg $0xFFFFFFFF  }
0xa7: {  	s28 =	simm.s32 $_size_execute0_lowered;
	s3 =	sadd.s32 s3, s5;
	[dreg:$0x0] =	wrdreg $0x0  }
0xa8: {  	s5 =	sshll.u32 s28, $0x1;
	[dreg:$0x2] =	wrdreg s3  }
0xa9: {  	[dreg:$0x3] =	wrdreg s5  }
0xaa: {  	[dreg:$0x4] =	wrdreg $0xC0  }
0xab: {  	_ =	task [dreg:s7], $0x5FFFF  }
0xac: {  	[dreg:$0x1] =	wrdreg $0xFFFFFFFF  }
0xad: {  	[dreg:$0x0] =	wrdreg $0x60  }
0xae: {  	[dreg:$0x2] =	wrdreg s24  }
0xaf: {  	[dreg:$0x3] =	wrdreg s2  }
0xb0: {  	[dreg:$0x4] =	wrdreg $0x52800  }
0xb1: {  	[dreg:$0x5] =	wrdreg $0x9  }
0xb2: {  	_ =	task.clear_ibuf [dreg:s7], $0x6FFFF;
	_ =	strace $0x90000046  }
0xb3: {  	s29 =	simm.s32 $0x9;
	_ =	strace $0x80000048  }
0xb4: {  	_ =	swait.ge [sflag:s29], $0x1  }
0xb5: {  	[sflag:s29] =	ssyncadd.s32 $0xFFFFFFFF  }
0xb6: {  	_ =	strace $0x90000048  }
0xb7: {  	_ =	sfence  }
0xb8: {  	s30 =	sld [smem:$0x0];
	_ =	sdelay $0x2  }
0xb9: {  	s31 =	sshll.u32 s1, $0xD;
	s1 =	sshrl.u32 s1, $0x2  }
0xba: {  	s3 =	sand.u32 $0x4000, s31;
	s1 =	sadd.s32 s1, s30  }
0xbb: {  	s0 =	sor.u32 s3, s0;
	s1 =	sshll.u32 s1, $0x11  }
0xbc: {  	s0 =	sor.u32 s1, s0  }
0xbd: {  	s0 =	sadd.s32 $0x8F2B, s0  }
0xbe: {  	[sflag:s0] =	ssyncadd.remote.s32 $0x1  }
0xbf: {  	_ =	sfence.sel $0xFFFF  }
0xc0: {  	[dreg:$0x0] =	wrdreg $0xFFFFFFFF;
	(pc) =	sbr.abs _section_cstart, $3  }
0xc1: {  	[dreg:$0x1] =	wrdreg $0xFFFFFFFF  }
0xc2: {  	_ =	task.clear_ibuf [dreg:s7], $0x2FFFF;
	_ =	strace $0x9FFFFFFF  }
0xc3: {  	(tm) =	ssettm $0x7FFFFFFF  }
tec
execute0_lowered:
.L_overlay_start_1:
0x0: {  	(tag) =	ssettag $0x1  }
0x1: {  	s4 =	rddreg [dreg:$0x0]  }
0x2: {  	s5 =	rddreg [dreg:$0x1]  }
0x3: {  	s2 =	rddreg [dreg:$0x2];
	s3 =	srdreg.scid  }
0x4: {  	s0 =	rddreg [dreg:$0x3];
	s1 =	stileid.u32;
	s12 =	simm.s32 $0x2  }
0x5: {  	s13 =	simm.s32 $0x80;
	s16 =	simm.s32 $0x20;
	s17 =	simm.s32 $0x10  }
0x6: {  	s18 =	simm.s32 $0x0;
	s6 =	sand.u32 $0x1, s3;
	s8 =	smul.u32 $0x500, s1  }
0x7: {  	s3 =	simm.s32 $0x0;
	s29 =	smul.u32 $0xA00, s1;
	s14 =	sshll.u32 s1, $0x6  }
0x8: {  	s7 =	sshll.u32 s6, $0x4;
	[smem:$0x7FF] =	sst s3;
	s9 =	sshll.u32 s6, $0x7  }
0x9: {  	s6 =	ssub.s32 $0x2, s6;
	s14 =	sor.u32 $0x1C02, s14;
	s7 =	sor.u32 s1, s7  }
0xa: {  	_ =	strace $0x80000047;
	s8 =	sor.u32 s9, s8;
	s30 =	sshrl.u32 s6, $0x1  }
0xb: {  	s31 =	sshrl.u32 s29, $0x2;
	s9 =	simm.s32 $0x1;
	s7 =	smul.u32 $0x500, s7  }
0xc: {  	s8 =	sshrl.u32 s8, $0x3;
	s11 =	ssub.s32 s6, s30;
	s6 =	sadd.s32 s31, s2  }
0xd: {  	s8 =	sadd.s32 s8, s4;
	s15 =	sshrl.u32 s6, $0x3;
	s10 =	sadd.s32 s7, s4  }
0xe: {  	s5 =	sadd.s32 s5, s7;
	s7 =	sadd.s32 $0x20C00, s8;
	s8 =	smax.u32 s11, $0x1  }
0xf: {  	v0 =	vimm.f32 $0.0e+00;
	s11 =	simm.s32 $0x5000;
	s4 =	sadd.s32 $0xCC00, s10;
	s10 =	simm.s32 $0x2800  }
.LBB2_1:
0x10: {  	[tilespmem:s3], [sflag:$0x1] =	stream.linear.gather [hbm4b:s4+s3], $0x2800, $0x38;
	[tilespmem:$0x5500] =	vst v63  }
0x11: {  	_ =	swait.ge [sflag:s9], $0x2800  }
0x12: {  	[sflag:s9] =	ssyncset.done $0x0  }
0x13: {  	[sflag:s9] =	ssyncadd.s32 $0xFFFFD800  }
0x14: {  	[tilespmem:s10], [sflag:$0x1] =	stream.linear.gather [hbm4b:s5+s3], $0x2800, $0x38;
	[tilespmem:$0x5500] =	vst v63  }
0x15: {  	_ =	swait.ge [sflag:s9], $0x2800  }
0x16: {  	[sflag:s9] =	ssyncset.done $0x0  }
0x17: {  	[sflag:s9] =	ssyncadd.s32 $0xFFFFD800  }
0x18: {  	[tilespmem:$0x5000] =	vst v0  }
0x19: {  	[tilespmem:$0x5010] =	vst v0  }
0x1a: {  	[tilespmem:$0x5020] =	vst v0  }
0x1b: {  	[tilespmem:$0x5030] =	vst v0  }
0x1c: {  	[tilespmem:$0x5040] =	vst v0  }
0x1d: {  	[tilespmem:$0x5050] =	vst v0  }
0x1e: {  	[tilespmem:$0x5060] =	vst v0  }
0x1f: {  	[tilespmem:$0x5070] =	vst v0  }
0x20: {  	[tilespmem:$0x5080] =	vst v0  }
0x21: {  	[tilespmem:$0x5090] =	vst v0  }
0x22: {  	[tilespmem:$0x50A0] =	vst v0  }
0x23: {  	[tilespmem:$0x50B0] =	vst v0  }
0x24: {  	[tilespmem:$0x50C0] =	vst v0  }
0x25: {  	[tilespmem:$0x50D0] =	vst v0  }
0x26: {  	[tilespmem:$0x50E0] =	vst v0  }
0x27: {  	[tilespmem:$0x50F0] =	vst v0  }
0x28: {  	[tilespmem:$0x5100] =	vst v0  }
0x29: {  	[tilespmem:$0x5110] =	vst v0  }
0x2a: {  	[tilespmem:$0x5120] =	vst v0  }
0x2b: {  	[tilespmem:$0x5130] =	vst v0  }
0x2c: {  	[tilespmem:$0x5140] =	vst v0  }
0x2d: {  	[tilespmem:$0x5150] =	vst v0  }
0x2e: {  	[tilespmem:$0x5160] =	vst v0  }
0x2f: {  	[tilespmem:$0x5170] =	vst v0  }
0x30: {  	[tilespmem:$0x5180] =	vst v0  }
0x31: {  	[tilespmem:$0x5190] =	vst v0  }
0x32: {  	[tilespmem:$0x51A0] =	vst v0  }
0x33: {  	[tilespmem:$0x51B0] =	vst v0  }
0x34: {  	[tilespmem:$0x51C0] =	vst v0  }
0x35: {  	[tilespmem:$0x51D0] =	vst v0  }
0x36: {  	[tilespmem:$0x51E0] =	vst v0  }
0x37: {  	[tilespmem:$0x51F0] =	vst v0  }
0x38: {  	[tilespmem:$0x5200] =	vst v0  }
0x39: {  	[tilespmem:$0x5210] =	vst v0  }
0x3a: {  	[tilespmem:$0x5220] =	vst v0  }
0x3b: {  	[tilespmem:$0x5230] =	vst v0  }
0x3c: {  	[tilespmem:$0x5240] =	vst v0  }
0x3d: {  	[tilespmem:$0x5250] =	vst v0  }
0x3e: {  	[tilespmem:$0x5260] =	vst v0  }
0x3f: {  	[tilespmem:$0x5270] =	vst v0  }
0x40: {  	[spmem:s6] =	stream.linear.scatter [tilespmem:s11], [sflag:$0x2], $0x280, $0x38;
	[tilespmem:$0x5500] =	vst v63  }
0x41: {  	_ =	swait.ge [sflag:s12], $0x280  }
0x42: {  	[sflag:s12] =	ssyncset.done $0x0  }
0x43: {  	[sflag:s12] =	ssyncadd.s32 $0xFFFFFD80  }
0x44: {  	s19 =	simm.s32 $0x0;
	[bflag:$0x0] =	sbarrier.arrive $0xFFFF  }
.LBB2_2:
0x45: {  	p0 =	sne.s32 s19, $0x9E00  }
.Ltmp0:
0x46: {  	_ = 	snop;
	(pc) =	sbr.rel @p0 .LBB2_2-.Ltmp0, $4  }
0x47: {  	_ = 	snop  }
0x48: {  	s20 =	sshra.s32 s19, $0x2  }
0x49: {  	s19 =	sadd.s32 $0x200, s19;
	s21 =	sadd.s32 $0x2800, s20  }
0x4a: {  	[spmem:s2] =	stream.indirect.scatter.add.f32 [tilespmem:s21], [sflag:$0x1], $0x1, s20, s13, $0xb8;
	[tilespmem:$0x5500] =	vst v63  }
0x4b: {  	_ =	swait.ge [sflag:s9], $0x80  }
0x4c: {  	s19 =	simm.s32 $0x4F;
	[sflag:s9] =	ssyncset.done $0x0  }
.LBB2_4:
0x4d: {  	p0 =	sne.s32 s19, $0x1;
	s19 =	sadd.s32 $0xFFFFFFFF, s19;
	[sflag:s9] =	ssyncadd.s32 $0xFFFFFF80  }
.Ltmp1:
0x4e: {  	(pc) =	sbr.rel @p0 .LBB2_4-.Ltmp1, $3  }
0x4f: {  	_ =	sdelay $0x1  }
0x50: {  	_ =	swait.ge [sflag:s9], $0x80  }
0x51: {  	[sflag:s9] =	ssyncset.done $0x0  }
0x52: {  	s18 =	sadd.s32 $0x1, s18  }
0x53: {  	[sflag:s9] =	ssyncadd.s32 $0xFFFFFF80;
	p0 =	sne.s32 s18, s8  }
.Ltmp2:
0x54: {  	[bflag:$0x0] =	sbarrier.arrive $0xFFFF;
	(pc) =	sbr.rel @p0 .LBB2_1-.Ltmp2, $4  }
0x55: {  	[hbm:s7@s16], [sflag:s14] =	dma.strided [spmem:s15@s17], $0x50, s9, $0x10   }
0x56: {  	_ =	swait.ge [sflag:s12], $0x50  }
0x57: {  	[sflag:s12] =	ssyncset.done $0x0  }
0x58: {  	[sflag:s12] =	ssyncadd.s32 $0xFFFFFFB0  }
0x59: {  	_ =	sfence.sel $0x180000  }
0x5a: {  	[bflag:$0x0] =	sbarrier.arrive $0xFFFF  }
0x5b: {  	p0 =	sne.s32 s1, $0x0;
	_ =	strace $0x90000047  }
0x5c: {  	s0 =	sadd.s32 @!p0 $0x100000, s0;
	[bflag:$0x2] =	sbarrier.arrive $0xFFFF  }
0x5d: {  	[sflag:s0] =	ssyncadd.tile.s32 @!p0 $0x1;
	_ =	shalt  }
.Lfunc_end2:
_tile_overlayer_lowered:
.L_overlay_start_2:
0x5e: {  	(tag) =	ssettag $0x2  }
0x5f: {  	s0 =	rddreg [dreg:$0x0];
	s2 =	stileid.u32  }
0x60: {  	s1 =	rddreg [dreg:$0x1];
	p0 =	sne.s32 s2, $0x0  }
0x61: {  	s3 =	rddreg [dreg:$0x2];
	[bflag:$0x3] =	sbarrier.arrive $0xFFFF;
	s2 =	simm.s32 @!p0 $0x1C02  }
0x62: {  	[timem:s3], [sflag:s2] =	dma.local @!p0 [hbm:s0], s1  }
0x63: {  	s0 =	simm.s32 @!p0 $0x2  }
0x64: {  	_ =	swait.ge @!p0 [sflag:s0], s1  }
0x65: {  	s1 =	ssub.s32 @!p0 $0x0, s1;
	[sflag:s0] =	ssyncset.done @!p0 $0x0  }
0x66: {  	[sflag:s0] =	ssyncadd.s32 @!p0 s1  }
0x67: {  	[bflag:$0x3] =	sbarrier.arrive $0xFFFF  }
0x68: {  	_ =	shalt  }

// kernel: kernel.9.cloned.1.call-start
scs
__scs_entry_jumppad:
0x0: {  	(pc) =	sbr.rel $0x88, $3  }
0x1: {  	(tag) =	ssettag $0x0;
	lr =	simm.s32 $0x1  }
0x2: {  	[smem:$0x3F94] =	sst lr;
	_ =	strace $0xD0000000  }
0x3: {  	_ = 	snop  }
0x4: {  	_ = 	snop  }
0x5: {  	_ = 	snop  }
0x6: {  	_ = 	snop  }
0x7: {  	_ = 	snop  }
__scs_overlays_trampoline_lowered:
0x8: {  	[smem:$0x3FA3] =	sst s0  }
0x9: {  	[smem:$0x3FA4] =	sst s1  }
0xa: {  	[smem:$0x3FA5] =	sst s2  }
0xb: {  	[smem:$0x3FA6] =	sst s3  }
0xc: {  	[smem:$0x3FA7] =	sst s4  }
0xd: {  	[smem:$0x3FA8] =	sst s5  }
0xe: {  	[smem:$0x3FA9] =	sst s6  }
0xf: {  	[smem:$0x3FAA] =	sst s7  }
0x10: {  	[smem:$0x3FAB] =	sst s8  }
0x11: {  	[smem:$0x3FAC] =	sst s9;
	s0 =	simm.s32 @!p0 $0x0  }
0x12: {  	s1 =	sld [smem:$0x3F92];
	s0 =	simm.s32 @p0 $0x1  }
0x13: {  	[smem:$0x3FAD] =	sst s0;
	s0 =	simm.s32 @!p1 $0x0  }
0x14: {  	s2 =	sld [smem:$0x3F91];
	s0 =	simm.s32 @p1 $0x1  }
0x15: {  	[smem:$0x3FAE] =	sst s0;
	s0 =	simm.s32 @!p2 $0x0  }
0x16: {  	s3 =	sld [smem:$0x3FDB];
	s0 =	simm.s32 @p2 $0x1  }
0x17: {  	s4 =	simm.s32 $0x1BF5;
	[smem:$0x3FB0] =	sst s0  }
0x18: {  	s0 =	sld [smem:$0x3F93];
	_ =	swait.ge [sflag:s4], $0x0  }
0x19: {  	s7 =	sld [smem:$0x3F94]  }
0x1a: {  	s8 =	sadd.s32 $0xFFFFE003, lr  }
0x1b: {  	s9 =	sadd.s32 $0xFFFFFEF7, lr;
	s5 =	simm.s32 $0xFFFFFFFF;
	p2 =	slt.u32 s8, $0xFFFFF086  }
0x1c: {  	p1 =	slt.u32 s9, $0xF7A;
	s5 =	simm.s32 @!p2 $0x0  }
0x1d: {  	s5 =	simm.s32 @p1 $0x1;
	p0 =	seq.s32 s7, s2  }
0x1e: {  	s7 =	smul.u32 @!p0 $0xF7A, s2;
	p2 =	seq.s32 @!p0 s5, $0x0  }
0x1f: {  	s9 =	smul.u32 $0xF7A, s1;
	s8 =	simm.s32 @!p0 $0x1BF5;
	p2 =	por !p2, p0  }
0x20: {  	[sflag:s8] =	ssyncset.s32 @!p0 $0xFFFFF086;
	s6 =	sadd.s32 @!p0 s3, s7;
	s7 =	simm.s32 @!p0 $0x108  }
0x21: {  	s3 =	sadd.s32 s3, s9;
	s6 =	sadd.s32 @!p0 $0x88, s6;
	s7 =	simm.s32 @p2 $0x1082  }
0x22: {  	[simem:s7], [sflag:s8] =	dma.local @!p0 [hbm:s6], $0xF7A  }
0x23: {  	s9 =	sor.u32 $0xD0000000, s2;
	s6 =	simm.s32 $0x108;
	_ =	swait.ge @!p0 [sflag:s8], $0x0  }
0x24: {  	s3 =	sadd.s32 $0x88, s3;
	s6 =	simm.s32 @!p1 $0x1082;
	[sflag:s4] =	ssyncset.s32 $0xFFFFF086  }
0x25: {  	[simem:s6], [sflag:s4] =	dma.local [hbm:s3], $0xF7A  }
0x26: {  	[smem:$0x3F94] =	sst s1;
	(tag) =	ssettag s2;
	_ =	strace s9  }
0x27: {  	s1 =	sld [smem:$0x3FA4]  }
0x28: {  	s2 =	sld [smem:$0x3FA5]  }
0x29: {  	s4 =	sld [smem:$0x3FA7]  }
0x2a: {  	p0 =	seq.s32 s5, $0x0;
	s5 =	sld [smem:$0x3FA8]  }
0x2b: {  	s6 =	sld [smem:$0x3FA9]  }
0x2c: {  	s7 =	sld [smem:$0x3FAA]  }
0x2d: {  	s3 =	simm.s32 $0x108;
	s8 =	sld [smem:$0x3FAB]  }
0x2e: {  	s3 =	simm.s32 @!p0 $0x1082;
	s9 =	sld [smem:$0x3FAC]  }
0x2f: {  	lr =	sadd.s32 s0, s3;
	s0 =	sld [smem:$0x3FA3]  }
0x30: {  	s3 =	sld [smem:$0x3FA6]  }
0x31: {  	[smem:$0x3FAF] =	sst s10  }
0x32: {  	s10 =	sld [smem:$0x3FAD];
	_ =	sdelay $0x3  }
0x33: {  	p0 =	seq.s32 s10, $0x1;
	s10 =	sld [smem:$0x3FAF];
	_ =	sdelay $0x3  }
0x34: {  	[smem:$0x3FAF] =	sst s10  }
0x35: {  	s10 =	sld [smem:$0x3FAE];
	_ =	sdelay $0x3  }
0x36: {  	p1 =	seq.s32 s10, $0x1;
	s10 =	sld [smem:$0x3FAF];
	_ =	sdelay $0x3  }
0x37: {  	[smem:$0x3FAF] =	sst s10  }
0x38: {  	s10 =	sld [smem:$0x3FB0]  }
0x39: {  	_ = 	snop;
	(pc) =	sbr.ind lr, $3  }
0x3a: {  	_ = 	snop  }
0x3b: {  	_ = 	snop  }
0x3c: {  	p2 =	seq.s32 s10, $0x1;
	s10 =	sld [smem:$0x3FAF]  }
0x3d: {  	_ =	shalt  }
0x3e: {  	_ =	shalt  }
0x3f: {  	_ =	shalt  }
0x40: {  	_ =	shalt  }
0x41: {  	_ =	shalt  }
0x42: {  	_ =	shalt  }
0x43: {  	_ =	shalt  }
0x44: {  	_ =	shalt  }
0x45: {  	_ =	shalt  }
0x46: {  	_ =	shalt  }
0x47: {  	_ =	shalt  }
0x48: {  	_ =	shalt  }
0x49: {  	_ =	shalt  }
0x4a: {  	_ =	shalt  }
0x4b: {  	_ =	shalt  }
0x4c: {  	_ =	shalt  }
0x4d: {  	_ =	shalt  }
0x4e: {  	_ =	shalt  }
0x4f: {  	_ =	shalt  }
0x50: {  	_ =	shalt  }
0x51: {  	_ =	shalt  }
0x52: {  	_ =	shalt  }
0x53: {  	_ =	shalt  }
0x54: {  	_ =	shalt  }
0x55: {  	_ =	shalt  }
0x56: {  	_ =	shalt  }
0x57: {  	_ =	shalt  }
0x58: {  	_ =	shalt  }
0x59: {  	_ =	shalt  }
0x5a: {  	_ =	shalt  }
0x5b: {  	_ =	shalt  }
0x5c: {  	_ =	shalt  }
0x5d: {  	_ =	shalt  }
0x5e: {  	_ =	shalt  }
0x5f: {  	_ =	shalt  }
0x60: {  	_ =	shalt  }
0x61: {  	_ =	shalt  }
0x62: {  	_ =	shalt  }
0x63: {  	_ =	shalt  }
0x64: {  	_ =	shalt  }
0x65: {  	_ =	shalt  }
0x66: {  	_ =	shalt  }
0x67: {  	_ =	shalt  }
0x68: {  	_ =	shalt  }
0x69: {  	_ =	shalt  }
0x6a: {  	_ =	shalt  }
0x6b: {  	_ =	shalt  }
0x6c: {  	_ =	shalt  }
0x6d: {  	_ =	shalt  }
0x6e: {  	_ =	shalt  }
0x6f: {  	_ =	shalt  }
0x70: {  	_ =	shalt  }
0x71: {  	_ =	shalt  }
0x72: {  	_ =	shalt  }
0x73: {  	_ =	shalt  }
0x74: {  	_ =	shalt  }
0x75: {  	_ =	shalt  }
0x76: {  	_ =	shalt  }
0x77: {  	_ =	shalt  }
0x78: {  	_ =	shalt  }
0x79: {  	_ =	shalt  }
0x7a: {  	_ =	shalt  }
0x7b: {  	_ =	shalt  }
0x7c: {  	_ =	shalt  }
0x7d: {  	_ =	shalt  }
0x7e: {  	_ =	shalt  }
0x7f: {  	_ =	shalt  }
0x80: {  	_ =	shalt  }
0x81: {  	_ =	shalt  }
0x82: {  	_ =	shalt  }
0x83: {  	_ =	shalt  }
0x84: {  	_ =	shalt  }
0x85: {  	_ =	shalt  }
0x86: {  	_ =	shalt  }
0x87: {  	_ =	shalt  }
.Lfunc_end0:
.L_simem_size_0:
called_computation.1_lowered:
.L_overlay_start_0:
0x88: {  	s2 =	sld [smem:$0x3FD9]  }
0x89: {  	s3 =	sld [smem:$0x3FFE];
	_ =	sdelay $0x1  }
0x8a: {  	s1 =	srdreg.scid  }
0x8b: {  	s0 =	sand.u32 $0x1, s1  }
0x8c: {  	s17 =	sshll.u32 s0, $0xA;
	s2 =	sadd.s32 s3, s2  }
0x8d: {  	s2 =	sadd.s32 s2, s17  }
0x8e: {  	[smem:$0x3FBB] =	sst s2  }
0x8f: {  	_ = 	snop  }
0x90: {  	s2 =	sld [smem:$0x3FD0];
	(tm) =	ssettm $0x1  }
0x91: {  	s18 =	sld [smem:$0x3FFB];
	_ =	sdelay $0x3  }
0x92: {  	_ =	strace s18  }
0x93: {  	s3 =	sld [smem:$0x3FFC];
	_ =	sdelay $0x3  }
0x94: {  	_ =	strace s3  }
0x95: {  	s3 =	sld [smem:$0x3FFD];
	_ =	sdelay $0x3  }
0x96: {  	_ =	strace s3  }
0x97: {  	_ =	strace $0x8FFFFFFF  }
0x98: {  	s19 =	sld [smem:$0x3FDB];
	_ =	sdelay $0x1  }
0x99: {  	s4 =	simm.s32 $_scs_section_size  }
0x9a: {  	s5 =	simm.s32 $_size__tile_overlayer_lowered;
	s6 =	simm.s32 $_tile_overlayer_lowered  }
0x9b: {  	s22 =	simm.s32 $0x1BFF;
	s21 =	sshll.u32 s6, $0x1;
	s3 =	sadd.s32 s4, s19  }
0x9c: {  	s7 =	simm.s32 $0x0;
	s20 =	sshll.u32 s5, $0x1;
	s5 =	sadd.s32 s21, s3  }
0x9d: {  	[timem:s7], [sflag:s22] =	dma.local [hbm:s5], s20  }
0x9e: {  	_ =	swait.ge [sflag:s22], s20  }
0x9f: {  	s4 =	ssub.s32 $0x0, s20;
	[sflag:s22] =	ssyncset.done $0x0  }
0xa0: {  	[sflag:s22] =	ssyncadd.s32 s4;
	_ =	sdelay $0x1  }
0xa1: {  	s23 =	simm.s32 $0x1B8B  }
0xa2: {  	_ =	swait.ge [sflag:s23], $0x1  }
0xa3: {  	[sflag:s23] =	ssyncset.done $0x0  }
0xa4: {  	s25 =	simm.s32 $0x1B8E;
	s24 =	sld [smem:$0x3FFE];
	[sflag:s23] =	ssyncadd.s32 $0xFFFFFFFF  }
0xa5: {  	s26 =	simm.s32 $execute0_lowered;
	[smem:$0x3FD2] =	sst s25  }
0xa6: {  	s5 =	sshll.u32 s26, $0x1;
	_ =	strace $0x80000049;
	[dreg:$0x1] =	wrdreg $0xFFFFFFFF  }
0xa7: {  	s28 =	simm.s32 $_size_execute0_lowered;
	s3 =	sadd.s32 s3, s5;
	[dreg:$0x0] =	wrdreg $0x0  }
0xa8: {  	s5 =	sshll.u32 s28, $0x1;
	[dreg:$0x2] =	wrdreg s3  }
0xa9: {  	[dreg:$0x3] =	wrdreg s5  }
0xaa: {  	[dreg:$0x4] =	wrdreg $0xC0  }
0xab: {  	_ =	task [dreg:s7], $0x5FFFF  }
0xac: {  	[dreg:$0x1] =	wrdreg $0xFFFFFFFF  }
0xad: {  	[dreg:$0x0] =	wrdreg $0x60  }
0xae: {  	[dreg:$0x2] =	wrdreg s2  }
0xaf: {  	[dreg:$0x3] =	wrdreg s24  }
0xb0: {  	[dreg:$0x4] =	wrdreg $0xA8000  }
0xb1: {  	[dreg:$0x5] =	wrdreg $0x9  }
0xb2: {  	_ =	task.clear_ibuf [dreg:s7], $0x6FFFF;
	_ =	strace $0x90000049  }
0xb3: {  	s29 =	simm.s32 $0x9;
	_ =	strace $0x8000004B  }
0xb4: {  	_ =	swait.ge [sflag:s29], $0x1  }
0xb5: {  	[sflag:s29] =	ssyncadd.s32 $0xFFFFFFFF  }
0xb6: {  	_ =	strace $0x9000004B  }
0xb7: {  	_ =	sfence  }
0xb8: {  	s30 =	sld [smem:$0x0];
	_ =	sdelay $0x2  }
0xb9: {  	s31 =	sshll.u32 s1, $0xD;
	s1 =	sshrl.u32 s1, $0x2  }
0xba: {  	s3 =	sand.u32 $0x4000, s31;
	s1 =	sadd.s32 s1, s30  }
0xbb: {  	s0 =	sor.u32 s3, s0;
	s1 =	sshll.u32 s1, $0x11  }
0xbc: {  	s0 =	sor.u32 s1, s0  }
0xbd: {  	s0 =	sadd.s32 $0x8F2B, s0  }
0xbe: {  	[sflag:s0] =	ssyncadd.remote.s32 $0x1  }
0xbf: {  	_ =	sfence.sel $0xFFFF  }
0xc0: {  	[dreg:$0x0] =	wrdreg $0xFFFFFFFF;
	(pc) =	sbr.abs _section_cstart, $3  }
0xc1: {  	[dreg:$0x1] =	wrdreg $0xFFFFFFFF  }
0xc2: {  	_ =	task.clear_ibuf [dreg:s7], $0x2FFFF;
	_ =	strace $0x9FFFFFFF  }
0xc3: {  	(tm) =	ssettm $0x7FFFFFFF  }
tec
execute0_lowered:
.L_overlay_start_1:
0x0: {  	(tag) =	ssettag $0x1  }
0x1: {  	s0 =	rddreg [dreg:$0x0]  }
0x2: {  	s1 =	rddreg [dreg:$0x1];
	s2 =	srdreg.scid  }
0x3: {  	s3 =	rddreg [dreg:$0x2];
	s10 =	stileid.u32;
	s23 =	simm.s32 $0x0  }
0x4: {  	s2 =	sand.u32 $0x1, s2;
	s6 =	smul.u32 $0x14000, s10;
	[smem:$0x7FF] =	sst s23  }
0x5: {  	s5 =	sadd.s32 $0x2C00, s1;
	s8 =	smul.u32 $0x50000, s10;
	s7 =	sadd.s32 $0x16C00, s1  }
0x6: {  	s4 =	smul.u32 $0x140000, s2;
	s12 =	ssub.s32 $0x2, s2;
	s2 =	sshll.u32 s2, $0x4  }
0x7: {  	_ =	strace $0x8000004A;
	s9 =	sshrl.u32 s12, $0x1;
	s2 =	sor.u32 s10, s2  }
0x8: {  	s8 =	sshrl.u32 s8, $0x2;
	s4 =	sadd.s32 s6, s4;
	s10 =	sshll.u32 s2, $0x7  }
0x9: {  	s2 =	smul.u32 $0x500, s2;
	s26 =	sor.u32 $0x4, s10;
	[dreg:$0x6] =	wrdreg s10  }
0xa: {  	s6 =	sadd.s32 $0xCC00, s1;
	s30 =	sor.u32 $0x5, s10;
	[dreg:$0x14] =	wrdreg s26  }
0xb: {  	s4 =	sshrl.u32 s4, $0x3;
	s19 =	sadd.s32 s5, s2;
	[dreg:$0x17] =	wrdreg s30  }
0xc: {  	s1 =	sadd.s32 s4, s1;
	s20 =	sadd.s32 s6, s2;
	[dreg:$0xe] =	wrdreg s19  }
0xd: {  	s21 =	sor.u32 $0xA, s2;
	s2 =	sadd.s32 s7, s2;
	[dreg:$0xf] =	wrdreg s20  }
0xe: {  	s4 =	ssub.s32 s12, s9;
	s9 =	sadd.s32 s8, s3;
	[dreg:$0x10] =	wrdreg s2  }
0xf: {  	s8 =	sadd.s32 $0x2800, s9;
	[dreg:$0x5] =	wrdreg s9  }
0x10: {  	s13 =	sadd.s32 $0x5000, s9;
	[dreg:$0x7] =	wrdreg s8  }
0x11: {  	s14 =	sadd.s32 $0x7800, s9;
	[dreg:$0x8] =	wrdreg s13  }
0x12: {  	s31 =	simm.s32 $0x100;
	s15 =	sadd.s32 $0xA000, s9;
	[dreg:$0x9] =	wrdreg s14  }
0x13: {  	s11 =	simm.s32 $0x1;
	s16 =	sadd.s32 $0xC800, s9;
	[dreg:$0xa] =	wrdreg s15  }
0x14: {  	s29 =	simm.s32 $0x0;
	s17 =	sadd.s32 $0xF000, s9;
	[dreg:$0xb] =	wrdreg s16  }
0x15: {  	s10 =	simm.s32 $0x300;
	s18 =	sadd.s32 $0x11800, s9;
	[dreg:$0xc] =	wrdreg s17  }
0x16: {  	s26 =	simm.s32 $0x9;
	s22 =	sadd.s32 s5, s21;
	[dreg:$0xd] =	wrdreg s18  }
0x17: {  	s12 =	simm.s32 $0x50;
	s24 =	sadd.s32 s6, s21;
	[dreg:$0x11] =	wrdreg s22  }
0x18: {  	s25 =	sadd.s32 s7, s21;
	s1 =	sadd.s32 $0x20C00, s1;
	[dreg:$0x12] =	wrdreg s24  }
0x19: {  	s28 =	smax.u32 s4, $0x1;
	s19 =	simm.s32 $0x680;
	[dreg:$0x13] =	wrdreg s25  }
0x1a: {  	s20 =	simm.s32 $0x700;
	s21 =	simm.s32 $0x3;
	[dreg:$0x15] =	wrdreg s1  }
0x1b: {  	s4 =	simm.s32 $0x6;
	[dreg:$0x16] =	wrdreg s28;
	s13 =	simm.s32 $0x400  }
0x1c: {  	s14 =	simm.s32 $0x480;
	s15 =	simm.s32 $0x500;
	s16 =	simm.s32 $0x2  }
0x1d: {  	s17 =	simm.s32 $0x3000;
	s18 =	simm.s32 $0x600;
	s22 =	simm.s32 $0x5800  }
0x1e: {  	v0 =	vimm.f32 $0.0e+00;
	s24 =	simm.s32 $0x5;
	s25 =	simm.s32 $0x4;
	s8 =	simm.s32 $0x8000  }
.LBB2_1:
0x1f: {  	[dreg:$0x4] =	wrdreg s23;
	s1 =	simm.s32 $0x0;
	s2 =	simm.s32 $0x200  }
.LBB2_2:
0x20: {  	p0 =	sne.s32 s2, $0x9E00;
	[tilespmem:s1+$0x870] =	vst v0  }
0x21: {  	[tilespmem:s1+$0x800] =	vst v0  }
0x22: {  	[tilespmem:s1+$0x810] =	vst v0  }
.Ltmp0:
0x23: {  	[tilespmem:s1+$0x820] =	vst v0;
	(pc) =	sbr.rel @p0 .LBB2_2-.Ltmp0, $4  }
0x24: {  	[tilespmem:s1+$0x830] =	vst v0  }
0x25: {  	[tilespmem:s1+$0x840] =	vst v0  }
0x26: {  	[tilespmem:s1+$0x850] =	vst v0  }
0x27: {  	[tilespmem:s1+$0x860] =	vst v0;
	s1 =	sshra.s32 s2, $0x2;
	s2 =	sadd.s32 $0x200, s2  }
0x28: {  	[tilespmem:s1+$0x870] =	vst v0  }
0x29: {  	[tilespmem:s1+$0x800] =	vst v0  }
0x2a: {  	[tilespmem:s1+$0x810] =	vst v0  }
0x2b: {  	[tilespmem:s1+$0x820] =	vst v0  }
0x2c: {  	[tilespmem:s1+$0x830] =	vst v0  }
0x2d: {  	[tilespmem:s1+$0x840] =	vst v0  }
0x2e: {  	[tilespmem:s1+$0x850] =	vst v0  }
0x2f: {  	[tilespmem:s1+$0x860] =	vst v0;
	s2 =	simm.s32 $0x800  }
0x30: {  	[spmem:s9] =	stream.linear.scatter [tilespmem:s2], [sflag:$0x9], $0x2800, $0x38;
	[tilespmem:$0x1E800] =	vst v63  }
0x31: {  	_ =	swait.ge [sflag:s26], $0x2800  }
0x32: {  	[sflag:s26] =	ssyncset.done $0x0  }
0x33: {  	s9 =	rddreg [dreg:$0x7];
	[sflag:s26] =	ssyncadd.s32 $0xFFFFD800  }
0x34: {  	[spmem:s9] =	stream.linear.scatter [tilespmem:s2], [sflag:$0x9], $0x2800, $0x38;
	[tilespmem:$0x1E800] =	vst v63  }
0x35: {  	_ =	swait.ge [sflag:s26], $0x2800  }
0x36: {  	[sflag:s26] =	ssyncset.done $0x0  }
0x37: {  	s23 =	rddreg [dreg:$0x8];
	[sflag:s26] =	ssyncadd.s32 $0xFFFFD800  }
0x38: {  	[spmem:s23] =	stream.linear.scatter [tilespmem:s2], [sflag:$0x9], $0x2800, $0x38;
	[tilespmem:$0x1E800] =	vst v63  }
0x39: {  	_ =	swait.ge [sflag:s26], $0x2800  }
0x3a: {  	[sflag:s26] =	ssyncset.done $0x0  }
0x3b: {  	s28 =	rddreg [dreg:$0x9];
	[sflag:s26] =	ssyncadd.s32 $0xFFFFD800  }
0x3c: {  	[spmem:s28] =	stream.linear.scatter [tilespmem:s2], [sflag:$0x9], $0x2800, $0x38;
	[tilespmem:$0x1E800] =	vst v63  }
0x3d: {  	_ =	swait.ge [sflag:s26], $0x2800  }
0x3e: {  	[sflag:s26] =	ssyncset.done $0x0  }
0x3f: {  	s9 =	rddreg [dreg:$0xa];
	[sflag:s26] =	ssyncadd.s32 $0xFFFFD800  }
0x40: {  	[spmem:s9] =	stream.linear.scatter [tilespmem:s2], [sflag:$0x9], $0x2800, $0x38;
	[tilespmem:$0x1E800] =	vst v63  }
0x41: {  	_ =	swait.ge [sflag:s26], $0x2800  }
0x42: {  	[sflag:s26] =	ssyncset.done $0x0  }
0x43: {  	s23 =	rddreg [dreg:$0xb];
	[sflag:s26] =	ssyncadd.s32 $0xFFFFD800  }
0x44: {  	[spmem:s23] =	stream.linear.scatter [tilespmem:s2], [sflag:$0x9], $0x2800, $0x38;
	[tilespmem:$0x1E800] =	vst v63  }
0x45: {  	_ =	swait.ge [sflag:s26], $0x2800  }
0x46: {  	[sflag:s26] =	ssyncset.done $0x0  }
0x47: {  	s28 =	rddreg [dreg:$0xc];
	[sflag:s26] =	ssyncadd.s32 $0xFFFFD800  }
0x48: {  	[spmem:s28] =	stream.linear.scatter [tilespmem:s2], [sflag:$0x9], $0x2800, $0x38;
	[tilespmem:$0x1E800] =	vst v63  }
0x49: {  	_ =	swait.ge [sflag:s26], $0x2800  }
0x4a: {  	[sflag:s26] =	ssyncset.done $0x0  }
0x4b: {  	s9 =	rddreg [dreg:$0xd];
	[sflag:s26] =	ssyncadd.s32 $0xFFFFD800  }
0x4c: {  	[spmem:s9] =	stream.linear.scatter [tilespmem:s2], [sflag:$0x9], $0x2800, $0x38;
	[tilespmem:$0x1E800] =	vst v63  }
0x4d: {  	_ =	swait.ge [sflag:s26], $0x2800  }
0x4e: {  	[sflag:s26] =	ssyncset.done $0x0  }
0x4f: {  	[sflag:s26] =	ssyncadd.s32 $0xFFFFD800  }
0x50: {  	[bflag:$0x0] =	sbarrier.arrive $0xFFFF  }
0x51: {  	s23 =	rddreg [dreg:$0xe]  }
0x52: {  	[tilespmem:s29], [sflag:$0x1] =	stream.linear.gather [hbm4b:s23+s29], $0x50, $0x38;
	[tilespmem:$0x1E800] =	vst v63  }
0x53: {  	s28 =	simm.s32 $0x80;
	s26 =	rddreg [dreg:$0xf]  }
0x54: {  	[tilespmem:s28], [sflag:$0x1] =	stream.linear.gather [hbm4b:s26+s29], $0x50, $0x38;
	[tilespmem:$0x1E800] =	vst v63  }
0x55: {  	s23 =	rddreg [dreg:$0x10]  }
0x56: {  	[tilespmem:s31], [sflag:$0x1] =	stream.linear.gather [hbm4b:s23+s29], $0x50, $0x38;
	[tilespmem:$0x1E800] =	vst v63  }
0x57: {  	s26 =	rddreg [dreg:$0x11];
	s28 =	simm.s32 $0x200  }
0x58: {  	[tilespmem:s28], [sflag:$0x2] =	stream.linear.gather [hbm4b:s26+s29], $0x50, $0x38;
	[tilespmem:$0x1E800] =	vst v63  }
0x59: {  	s23 =	rddreg [dreg:$0x12];
	s26 =	simm.s32 $0x280  }
0x5a: {  	[tilespmem:s26], [sflag:$0x2] =	stream.linear.gather [hbm4b:s23+s29], $0x50, $0x38;
	[tilespmem:$0x1E800] =	vst v63  }
0x5b: {  	s28 =	rddreg [dreg:$0x13]  }
0x5c: {  	[tilespmem:s10], [sflag:$0x2] =	stream.linear.gather [hbm4b:s28+s29], $0x50, $0x38;
	[tilespmem:$0x1E800] =	vst v63  }
0x5d: {  	_ =	swait.ge [sflag:s11], $0x50  }
0x5e: {  	[sflag:s11] =	ssyncset.done $0x0  }
0x5f: {  	[sflag:s11] =	ssyncadd.s32 $0xFFFFFFB0  }
0x60: {  	_ =	swait.ge [sflag:s11], $0x50  }
0x61: {  	[sflag:s11] =	ssyncset.done $0x0  }
0x62: {  	[sflag:s11] =	ssyncadd.s32 $0xFFFFFFB0  }
0x63: {  	_ =	swait.ge [sflag:s11], $0x50  }
0x64: {  	[sflag:s11] =	ssyncset.done $0x0  }
0x65: {  	s30 =	simm.s32 $0x0;
	[sflag:s11] =	ssyncadd.s32 $0xFFFFFFB0  }
0x66: {  	[tilespmem:s2], [sflag:$0x1] =	stream.indirect.gather [hbm4b:s0+s12], $0x80, s29, s12, $0xb8;
	[tilespmem:$0x1E800] =	vst v63  }
.LBB2_4:
0x67: {  	s1 =	sshll.u32 s30, $0x2;
	s2 =	rddreg [dreg:$0x6]  }
0x68: {  	p0 =	seq.s32 s30, $0x0;
	s2 =	sor.u32 s1, s2  }
0x69: {  	s9 =	simm.s32 @!p0 $0x7;
	s2 =	smul.u32 $0xA, s2  }
0x6a: {  	_ =	swait.ge @!p0 [sflag:s9], $0x2800  }
0x6b: {  	[sflag:s9] =	ssyncset.done @!p0 $0x0;
	s23 =	sadd.s32 $0x14, s2  }
0x6c: {  	[sflag:s9] =	ssyncadd.s32 @!p0 $0xFFFFD800;
	s26 =	sadd.s32 s5, s23  }
0x6d: {  	[tilespmem:s13], [sflag:$0x3] =	stream.linear.gather [hbm4b:s26+s29], $0x50, $0x38;
	[tilespmem:$0x1E800] =	vst v63  }
0x6e: {  	s26 =	sadd.s32 s6, s23  }
0x6f: {  	[tilespmem:s14], [sflag:$0x3] =	stream.linear.gather [hbm4b:s26+s29], $0x50, $0x38;
	[tilespmem:$0x1E800] =	vst v63  }
0x70: {  	s23 =	sadd.s32 s7, s23  }
0x71: {  	[tilespmem:s15], [sflag:$0x3] =	stream.linear.gather [hbm4b:s23+s29], $0x50, $0x38;
	[tilespmem:$0x1E800] =	vst v63  }
0x72: {  	_ =	swait.ge [sflag:s16], $0x50  }
0x73: {  	[sflag:s16] =	ssyncset.done $0x0  }
0x74: {  	[sflag:s16] =	ssyncadd.s32 $0xFFFFFFB0  }
0x75: {  	_ =	swait.ge [sflag:s16], $0x50  }
0x76: {  	[sflag:s16] =	ssyncset.done $0x0  }
0x77: {  	[sflag:s16] =	ssyncadd.s32 $0xFFFFFFB0  }
0x78: {  	_ =	swait.ge [sflag:s16], $0x50  }
0x79: {  	[sflag:s16] =	ssyncset.done $0x0  }
0x7a: {  	s26 =	simm.s32 $0x200;
	[sflag:s16] =	ssyncadd.s32 $0xFFFFFFB0  }
0x7b: {  	[tilespmem:s17], [sflag:$0x2] =	stream.indirect.gather [hbm4b:s0+s12], $0x80, s26, s12, $0xb8;
	[tilespmem:$0x1E800] =	vst v63  }
0x7c: {  	_ =	swait.ge [sflag:s11], $0x2800  }
0x7d: {  	v1 =	vmov s29;
	[sflag:s11] =	ssyncset.done $0x0  }
0x7e: {  	s28 =	simm.s32 $0x840;
	[sflag:s11] =	ssyncadd.s32 $0xFFFFD800  }
0x7f: {  	v5 =	vld [tilespmem:s28+$0x30]  }
0x80: {  	v8 =	vld [tilespmem:s28+$0x10]  }
0x81: {  	v6 =	vld [tilespmem:s28+$0xFFFFFFC0]  }
0x82: {  	v2 =	vld.idx.msk [tilespmem:v1+s31+$0x0], $0xffff  }
0x83: {  	v10 =	vld [tilespmem:s28+$0xFFFFFFE0]  }
0x84: {  	v1 =	vld [tilespmem:s28+$0xFFFFFFF0]  }
0x85: {  	v3 =	vld [tilespmem:s28+$0x20]  }
0x86: {  	v4 =	vld [tilespmem:s28+$0xFFFFFFD0]  }
0x87: {  	v9 =	vmul.f32 v2, v5;
	v5 =	vld [tilespmem:s28+$0x0]  }
0x88: {  	v7 =	vmul.f32 v2, v6  }
0x89: {  	s9 =	simm.s32 $0x1;
	s23 =	simm.s32 $0x840;
	v6 =	vmul.f32 v2, v10;
	v8 =	vmul.f32 v2, v8  }
.LBB2_5:
0x8a: {  	p1 =	sne.s32 s9, $0x4F  }
0x8b: {  	v4 =	vmul.f32 v2, v4;
	v3 =	vmul.f32 v2, v3;
	[tilespmem:s28+$0x30] =	vst v9;
	s23 =	sadd.s32 $0x80, s23;
	s26 =	smov.u32 s9;
	s9 =	sadd.s32 $0x1, s9  }
0x8c: {  	[tilespmem:s28+$0xFFFFFFC0] =	vst v7;
	v7 =	vmul.f32 v2, v1;
	v2 =	vmul.f32 v2, v5  }
0x8d: {  	[tilespmem:s28+$0x10] =	vst v8  }
0x8e: {  	v5 =	vmov s26;
	[tilespmem:s28+$0xFFFFFFE0] =	vst v6  }
0x8f: {  	v1 =	vld [tilespmem:s23+$0xFFFFFFF0];
	[tilespmem:s28+$0xFFFFFFF0] =	vst v7  }
0x90: {  	v6 =	vld [tilespmem:s23+$0x30];
	[tilespmem:s28+$0x0] =	vst v2  }
0x91: {  	v8 =	vld [tilespmem:s23+$0x10];
	[tilespmem:s28+$0x20] =	vst v3  }
0x92: {  	v7 =	vld [tilespmem:s23+$0xFFFFFFC0];
	[tilespmem:s28+$0xFFFFFFD0] =	vst v4;
	s28 =	smov.u32 s23  }
0x93: {  	v2 =	vld.idx.msk [tilespmem:v5+s31+$0x0], $0xffff  }
0x94: {  	v10 =	vld [tilespmem:s23+$0xFFFFFFE0]  }
0x95: {  	v3 =	vld [tilespmem:s23+$0x20]  }
.Ltmp1:
0x96: {  	v4 =	vld [tilespmem:s23+$0xFFFFFFD0];
	(pc) =	sbr.rel @p1 .LBB2_5-.Ltmp1, $3  }
0x97: {  	v5 =	vld [tilespmem:s23+$0x0];
	_ =	sdelay $0x1  }
0x98: {  	v7 =	vmul.f32 v2, v7;
	v9 =	vmul.f32 v2, v6  }
0x99: {  	v8 =	vmul.f32 v2, v8;
	v6 =	vmul.f32 v2, v10  }
0x9a: {  	[tilespmem:s28+$0x30] =	vst v9  }
0x9b: {  	[tilespmem:s28+$0xFFFFFFC0] =	vst v7  }
0x9c: {  	v1 =	vmul.f32 v2, v1;
	[tilespmem:s28+$0x10] =	vst v8  }
0x9d: {  	v3 =	vmul.f32 v2, v3;
	[tilespmem:s28+$0xFFFFFFE0] =	vst v6  }
0x9e: {  	v5 =	vmul.f32 v2, v5;
	[tilespmem:s28+$0xFFFFFFF0] =	vst v1  }
0x9f: {  	v1 =	vmul.f32 v2, v4;
	[tilespmem:s28+$0x20] =	vst v3  }
0xa0: {  	[tilespmem:s28+$0x0] =	vst v5  }
0xa1: {  	s9 =	simm.s32 $0x800;
	s23 =	simm.s32 $0x80;
	[tilespmem:s28+$0xFFFFFFD0] =	vst v1  }
0xa2: {  	[spmem:s3] =	stream.indirect.scatter.add.f32 [tilespmem:s9], [sflag:$0x5], $0x80, s23, s12, $0xb8;
	[tilespmem:$0x1E800] =	vst v63  }
0xa3: {  	s9 =	simm.s32 @!p0 $0x8  }
0xa4: {  	_ =	swait.ge @!p0 [sflag:s9], $0x2800  }
0xa5: {  	s2 =	sadd.s32 $0x1E, s2;
	[sflag:s9] =	ssyncset.done @!p0 $0x0  }
0xa6: {  	s26 =	simm.s32 $0x0;
	s23 =	sadd.s32 s5, s2;
	[sflag:s9] =	ssyncadd.s32 @!p0 $0xFFFFD800  }
0xa7: {  	[tilespmem:s18], [sflag:$0x4] =	stream.linear.gather [hbm4b:s23+s26], $0x50, $0x38;
	[tilespmem:$0x1E800] =	vst v63  }
0xa8: {  	s28 =	sadd.s32 s6, s2  }
0xa9: {  	[tilespmem:s19], [sflag:$0x4] =	stream.linear.gather [hbm4b:s28+s26], $0x50, $0x38;
	[tilespmem:$0x1E800] =	vst v63  }
0xaa: {  	s2 =	sadd.s32 s7, s2  }
0xab: {  	[tilespmem:s20], [sflag:$0x4] =	stream.linear.gather [hbm4b:s2+s26], $0x50, $0x38;
	[tilespmem:$0x1E800] =	vst v63  }
0xac: {  	_ =	swait.ge [sflag:s21], $0x50  }
0xad: {  	[sflag:s21] =	ssyncset.done $0x0  }
0xae: {  	[sflag:s21] =	ssyncadd.s32 $0xFFFFFFB0  }
0xaf: {  	_ =	swait.ge [sflag:s21], $0x50  }
0xb0: {  	[sflag:s21] =	ssyncset.done $0x0  }
0xb1: {  	[sflag:s21] =	ssyncadd.s32 $0xFFFFFFB0  }
0xb2: {  	_ =	swait.ge [sflag:s21], $0x50  }
0xb3: {  	[sflag:s21] =	ssyncset.done $0x0  }
0xb4: {  	[sflag:s21] =	ssyncadd.s32 $0xFFFFFFB0  }
0xb5: {  	[tilespmem:s22], [sflag:$0x3] =	stream.indirect.gather [hbm4b:s0+s12], $0x80, s13, s12, $0xb8;
	[tilespmem:$0x1E800] =	vst v63  }
0xb6: {  	v1 =	vmov s26;
	_ =	swait.ge [sflag:s16], $0x2800  }
0xb7: {  	[sflag:s16] =	ssyncset.done $0x0  }
0xb8: {  	s2 =	simm.s32 $0x3070;
	[sflag:s16] =	ssyncadd.s32 $0xFFFFD800  }
0xb9: {  	v5 =	vld [tilespmem:s2+$0x0]  }
0xba: {  	v8 =	vld [tilespmem:s2+$0xFFFFFFE0]  }
0xbb: {  	v1 =	vld.idx.msk [tilespmem:v1+s10+$0x0], $0xffff  }
0xbc: {  	v6 =	vld [tilespmem:s2+$0xFFFFFF90]  }
0xbd: {  	v10 =	vld [tilespmem:s2+$0xFFFFFFB0]  }
0xbe: {  	v2 =	vld [tilespmem:s2+$0xFFFFFFF0]  }
0xbf: {  	v3 =	vld [tilespmem:s2+$0xFFFFFFC0]  }
0xc0: {  	v4 =	vld [tilespmem:s2+$0xFFFFFFA0]  }
0xc1: {  	v9 =	vmul.f32 v1, v5;
	v5 =	vld [tilespmem:s2+$0xFFFFFFD0]  }
0xc2: {  	v7 =	vmul.f32 v1, v6  }
0xc3: {  	s9 =	simm.s32 $0x1;
	s23 =	simm.s32 $0x3070;
	v6 =	vmul.f32 v1, v10;
	v8 =	vmul.f32 v1, v8  }
.LBB2_7:
0xc4: {  	p0 =	sne.s32 s9, $0x4F  }
0xc5: {  	v4 =	vmul.f32 v1, v4;
	v10 =	vmul.f32 v1, v2;
	[tilespmem:s2+$0x0] =	vst v9;
	s23 =	sadd.s32 $0x80, s23;
	s26 =	smov.u32 s9;
	s9 =	sadd.s32 $0x1, s9  }
0xc6: {  	v3 =	vmul.f32 v1, v3;
	[tilespmem:s2+$0xFFFFFF90] =	vst v7;
	v1 =	vmul.f32 v1, v5  }
0xc7: {  	[tilespmem:s2+$0xFFFFFFE0] =	vst v8  }
0xc8: {  	v5 =	vmov s26;
	[tilespmem:s2+$0xFFFFFFB0] =	vst v6  }
0xc9: {  	v2 =	vld [tilespmem:s23+$0xFFFFFFF0];
	[tilespmem:s2+$0xFFFFFFC0] =	vst v3  }
0xca: {  	v6 =	vld [tilespmem:s23+$0x0];
	[tilespmem:s2+$0xFFFFFFD0] =	vst v1  }
0xcb: {  	v3 =	vld [tilespmem:s23+$0xFFFFFFC0];
	[tilespmem:s2+$0xFFFFFFF0] =	vst v10  }
0xcc: {  	v8 =	vld [tilespmem:s23+$0xFFFFFFE0];
	[tilespmem:s2+$0xFFFFFFA0] =	vst v4;
	s2 =	smov.u32 s23  }
0xcd: {  	v1 =	vld.idx.msk [tilespmem:v5+s10+$0x0], $0xffff  }
0xce: {  	v7 =	vld [tilespmem:s23+$0xFFFFFF90]  }
0xcf: {  	v10 =	vld [tilespmem:s23+$0xFFFFFFB0]  }
.Ltmp2:
0xd0: {  	v4 =	vld [tilespmem:s23+$0xFFFFFFA0];
	(pc) =	sbr.rel @p0 .LBB2_7-.Ltmp2, $3  }
0xd1: {  	v5 =	vld [tilespmem:s23+$0xFFFFFFD0];
	_ =	sdelay $0x1  }
0xd2: {  	v9 =	vmul.f32 v1, v6;
	v7 =	vmul.f32 v1, v7  }
0xd3: {  	v8 =	vmul.f32 v1, v8;
	v6 =	vmul.f32 v1, v10  }
0xd4: {  	[tilespmem:s2+$0x0] =	vst v9  }
0xd5: {  	[tilespmem:s2+$0xFFFFFF90] =	vst v7  }
0xd6: {  	v3 =	vmul.f32 v1, v3;
	[tilespmem:s2+$0xFFFFFFE0] =	vst v8  }
0xd7: {  	v2 =	vmul.f32 v1, v2;
	[tilespmem:s2+$0xFFFFFFB0] =	vst v6  }
0xd8: {  	v5 =	vmul.f32 v1, v5;
	[tilespmem:s2+$0xFFFFFFC0] =	vst v3  }
0xd9: {  	v1 =	vmul.f32 v1, v4;
	[tilespmem:s2+$0xFFFFFFF0] =	vst v2  }
0xda: {  	[tilespmem:s2+$0xFFFFFFD0] =	vst v5  }
0xdb: {  	s26 =	simm.s32 $0x280;
	p0 =	seq.s32 s30, $0x1F;
	[tilespmem:s2+$0xFFFFFFA0] =	vst v1;
	s2 =	rddreg [dreg:$0x14]  }
0xdc: {  	[spmem:s3] =	stream.indirect.scatter.add.f32 [tilespmem:s17], [sflag:$0x6], $0x80, s26, s12, $0xb8;
	[tilespmem:$0x1E800] =	vst v63  }
0xdd: {  	s2 =	sadd.s32 @!p0 s1, s2  }
0xde: {  	_ =	swait.ge [sflag:s24], $0x2800;
	s2 =	smul.u32 @!p0 $0xA, s2  }
0xdf: {  	[sflag:s24] =	ssyncset.done $0x0  }
0xe0: {  	s23 =	simm.s32 @!p0 $0x0;
	[sflag:s24] =	ssyncadd.s32 $0xFFFFD800;
	s9 =	sadd.s32 @!p0 s5, s2  }
0xe1: {  	[tilespmem:s23], [sflag:$0x1] =	stream.linear.gather @!p0 [hbm4b:s9+s23], $0x50, $0x38;
	[tilespmem:$0x1E800] =	vst v63  }
0xe2: {  	s26 =	simm.s32 @!p0 $0x80;
	s9 =	sadd.s32 @!p0 s6, s2  }
0xe3: {  	[tilespmem:s26], [sflag:$0x1] =	stream.linear.gather @!p0 [hbm4b:s9+s23], $0x50, $0x38;
	[tilespmem:$0x1E800] =	vst v63  }
0xe4: {  	s2 =	sadd.s32 @!p0 s7, s2;
	s9 =	simm.s32 @!p0 $0x100  }
0xe5: {  	[tilespmem:s9], [sflag:$0x1] =	stream.linear.gather @!p0 [hbm4b:s2+s23], $0x50, $0x38;
	[tilespmem:$0x1E800] =	vst v63  }
0xe6: {  	_ =	swait.ge [sflag:s25], $0x50  }
0xe7: {  	[sflag:s25] =	ssyncset.done $0x0  }
0xe8: {  	[sflag:s25] =	ssyncadd.s32 $0xFFFFFFB0  }
0xe9: {  	_ =	swait.ge [sflag:s25], $0x50  }
0xea: {  	[sflag:s25] =	ssyncset.done $0x0  }
0xeb: {  	[sflag:s25] =	ssyncadd.s32 $0xFFFFFFB0  }
0xec: {  	_ =	swait.ge [sflag:s25], $0x50  }
0xed: {  	[sflag:s25] =	ssyncset.done $0x0  }
0xee: {  	[sflag:s25] =	ssyncadd.s32 $0xFFFFFFB0  }
0xef: {  	[tilespmem:s8], [sflag:$0x4] =	stream.indirect.gather [hbm4b:s0+s12], $0x80, s18, s12, $0xb8;
	[tilespmem:$0x1E800] =	vst v63  }
0xf0: {  	s28 =	simm.s32 $0x0;
	_ =	swait.ge [sflag:s21], $0x2800  }
0xf1: {  	v1 =	vmov s28;
	[sflag:s21] =	ssyncset.done $0x0  }
0xf2: {  	s2 =	simm.s32 $0x0;
	[sflag:s21] =	ssyncadd.s32 $0xFFFFD800  }
0xf3: {  	v9 =	vld [tilespmem:s2+$0x5820]  }
0xf4: {  	v8 =	vld [tilespmem:s2+$0x5800]  }
0xf5: {  	v4 =	vld [tilespmem:s2+$0x5850]  }
0xf6: {  	v1 =	vld.idx.msk [tilespmem:v1+s15+$0x0], $0xffff  }
0xf7: {  	v5 =	vld [tilespmem:s2+$0x5830]  }
0xf8: {  	v3 =	vld [tilespmem:s2+$0x5860]  }
0xf9: {  	v6 =	vld [tilespmem:s2+$0x5840]  }
0xfa: {  	v7 =	vld [tilespmem:s2+$0x5870]  }
0xfb: {  	s9 =	simm.s32 $0x200;
	v2 =	vld [tilespmem:s2+$0x5810];
	v8 =	vmul.f32 v1, v8;
	v9 =	vmul.f32 v1, v9  }
.LBB2_9:
0xfc: {  	p1 =	sne.s32 s9, $0x9E00  }
0xfd: {  	v5 =	vmul.f32 v1, v5;
	v4 =	vmul.f32 v1, v4;
	s28 =	sadd.s32 $0x1, s28;
	s23 =	smov.u32 s9;
	s9 =	sadd.s32 $0x200, s9  }
0xfe: {  	v3 =	vmul.f32 v1, v3;
	[tilespmem:s2+$0x5820] =	vst v9;
	v6 =	vmul.f32 v1, v6  }
0xff: {  	[tilespmem:s2+$0x5800] =	vst v8;
	v7 =	vmul.f32 v1, v7  }
0x100: {  	v8 =	vmov s28;
	[tilespmem:s2+$0x5850] =	vst v4  }
0x101: {  	s23 =	sshra.s32 s23, $0x2;
	[tilespmem:s2+$0x5870] =	vst v7  }
0x102: {  	v1 =	vmul.f32 v1, v2;
	v9 =	vld [tilespmem:s23+$0x5820];
	[tilespmem:s2+$0x5830] =	vst v5  }
0x103: {  	v10 =	vld [tilespmem:s23+$0x5800];
	[tilespmem:s2+$0x5840] =	vst v6  }
0x104: {  	v4 =	vld [tilespmem:s23+$0x5850];
	[tilespmem:s2+$0x5860] =	vst v3  }
0x105: {  	v5 =	vld [tilespmem:s23+$0x5830];
	[tilespmem:s2+$0x5810] =	vst v1;
	s2 =	smov.u32 s23  }
0x106: {  	v1 =	vld.idx.msk [tilespmem:v8+s15+$0x0], $0xffff  }
0x107: {  	v3 =	vld [tilespmem:s2+$0x5860]  }
.Ltmp3:
0x108: {  	v2 =	vld [tilespmem:s2+$0x5810];
	(pc) =	sbr.rel @p1 .LBB2_9-.Ltmp3, $3  }
0x109: {  	v6 =	vld [tilespmem:s2+$0x5840]  }
0x10a: {  	v7 =	vld [tilespmem:s2+$0x5870];
	_ =	sdelay $0x1  }
0x10b: {  	v8 =	vmul.f32 v1, v10;
	v9 =	vmul.f32 v1, v9  }
0x10c: {  	_ = 	snop  }
0x10d: {  	v4 =	vmul.f32 v1, v4;
	[tilespmem:s2+$0x5820] =	vst v9  }
0x10e: {  	v5 =	vmul.f32 v1, v5;
	[tilespmem:s2+$0x5800] =	vst v8  }
0x10f: {  	v3 =	vmul.f32 v1, v3;
	[tilespmem:s2+$0x5850] =	vst v4  }
0x110: {  	v7 =	vmul.f32 v1, v7;
	[tilespmem:s2+$0x5830] =	vst v5  }
0x111: {  	v4 =	vmul.f32 v1, v6;
	[tilespmem:s2+$0x5860] =	vst v3  }
0x112: {  	v1 =	vmul.f32 v1, v2;
	[tilespmem:s2+$0x5870] =	vst v7  }
0x113: {  	[tilespmem:s2+$0x5840] =	vst v4  }
0x114: {  	[tilespmem:s2+$0x5810] =	vst v1  }
0x115: {  	[spmem:s3] =	stream.indirect.scatter.add.f32 [tilespmem:s22], [sflag:$0x7], $0x80, s14, s12, $0xb8;
	[tilespmem:$0x1E800] =	vst v63  }
0x116: {  	_ =	swait.ge [sflag:s4], $0x2800  }
0x117: {  	s2 =	rddreg [dreg:$0x17]  }
0x118: {  	s1 =	sadd.s32 @!p0 s1, s2  }
0x119: {  	s1 =	smul.u32 @!p0 $0xA, s1  }
0x11a: {  	s9 =	simm.s32 @!p0 $0x0;
	[sflag:s4] =	ssyncset.done $0x0  }
0x11b: {  	s23 =	simm.s32 @!p0 $0x200;
	[sflag:s4] =	ssyncadd.s32 $0xFFFFD800;
	s2 =	sadd.s32 @!p0 s5, s1  }
0x11c: {  	[tilespmem:s23], [sflag:$0x2] =	stream.linear.gather @!p0 [hbm4b:s2+s9], $0x50, $0x38;
	[tilespmem:$0x1E800] =	vst v63  }
0x11d: {  	s2 =	sadd.s32 @!p0 s6, s1;
	s23 =	simm.s32 @!p0 $0x280  }
0x11e: {  	[tilespmem:s23], [sflag:$0x2] =	stream.linear.gather @!p0 [hbm4b:s2+s9], $0x50, $0x38;
	[tilespmem:$0x1E800] =	vst v63  }
0x11f: {  	s1 =	sadd.s32 @!p0 s7, s1;
	s2 =	simm.s32 @!p0 $0x300  }
0x120: {  	[tilespmem:s2], [sflag:$0x2] =	stream.linear.gather @!p0 [hbm4b:s1+s9], $0x50, $0x38;
	[tilespmem:$0x1E800] =	vst v63  }
0x121: {  	s1 =	simm.s32 @!p0 $0x1  }
0x122: {  	_ =	swait.ge @!p0 [sflag:s1], $0x50  }
0x123: {  	[sflag:s1] =	ssyncset.done @!p0 $0x0  }
0x124: {  	[sflag:s1] =	ssyncadd.s32 @!p0 $0xFFFFFFB0  }
0x125: {  	_ =	swait.ge @!p0 [sflag:s1], $0x50  }
0x126: {  	[sflag:s1] =	ssyncset.done @!p0 $0x0  }
0x127: {  	[sflag:s1] =	ssyncadd.s32 @!p0 $0xFFFFFFB0  }
0x128: {  	_ =	swait.ge @!p0 [sflag:s1], $0x50  }
0x129: {  	[sflag:s1] =	ssyncset.done @!p0 $0x0  }
0x12a: {  	s2 =	simm.s32 @!p0 $0x800;
	[sflag:s1] =	ssyncadd.s32 @!p0 $0xFFFFFFB0;
	s1 =	simm.s32 @!p0 $0x50  }
0x12b: {  	[tilespmem:s2], [sflag:$0x1] =	stream.indirect.gather @!p0 [hbm4b:s0+s1], $0x80, s9, s1, $0xb8;
	[tilespmem:$0x1E800] =	vst v63  }
0x12c: {  	s2 =	simm.s32 $0x0;
	_ =	swait.ge [sflag:s25], $0x2800  }
0x12d: {  	v1 =	vmov s2;
	[sflag:s25] =	ssyncset.done $0x0  }
0x12e: {  	s1 =	simm.s32 $0x0;
	[sflag:s25] =	ssyncadd.s32 $0xFFFFD800  }
0x12f: {  	v9 =	vld [tilespmem:s1+$0x8020]  }
0x130: {  	v8 =	vld [tilespmem:s1+$0x8000]  }
0x131: {  	v4 =	vld [tilespmem:s1+$0x8050]  }
0x132: {  	v1 =	vld.idx.msk [tilespmem:v1+s20+$0x0], $0xffff  }
0x133: {  	v5 =	vld [tilespmem:s1+$0x8030]  }
0x134: {  	v3 =	vld [tilespmem:s1+$0x8060]  }
0x135: {  	v6 =	vld [tilespmem:s1+$0x8040]  }
0x136: {  	v7 =	vld [tilespmem:s1+$0x8070]  }
0x137: {  	s9 =	simm.s32 $0x200;
	v2 =	vld [tilespmem:s1+$0x8010];
	v8 =	vmul.f32 v1, v8;
	v9 =	vmul.f32 v1, v9  }
.LBB2_11:
0x138: {  	p0 =	sne.s32 s9, $0x9E00  }
0x139: {  	v5 =	vmul.f32 v1, v5;
	v4 =	vmul.f32 v1, v4;
	s2 =	sadd.s32 $0x1, s2;
	s23 =	smov.u32 s9;
	s9 =	sadd.s32 $0x200, s9  }
0x13a: {  	v3 =	vmul.f32 v1, v3;
	[tilespmem:s1+$0x8020] =	vst v9;
	v6 =	vmul.f32 v1, v6  }
0x13b: {  	[tilespmem:s1+$0x8000] =	vst v8;
	v7 =	vmul.f32 v1, v7  }
0x13c: {  	v8 =	vmov s2;
	[tilespmem:s1+$0x8050] =	vst v4  }
0x13d: {  	s23 =	sshra.s32 s23, $0x2;
	[tilespmem:s1+$0x8070] =	vst v7  }
0x13e: {  	v1 =	vmul.f32 v1, v2;
	v9 =	vld [tilespmem:s23+$0x8020];
	[tilespmem:s1+$0x8030] =	vst v5  }
0x13f: {  	v10 =	vld [tilespmem:s23+$0x8000];
	[tilespmem:s1+$0x8040] =	vst v6  }
0x140: {  	v4 =	vld [tilespmem:s23+$0x8050];
	[tilespmem:s1+$0x8060] =	vst v3  }
0x141: {  	v5 =	vld [tilespmem:s23+$0x8030];
	[tilespmem:s1+$0x8010] =	vst v1;
	s1 =	smov.u32 s23  }
0x142: {  	v1 =	vld.idx.msk [tilespmem:v8+s20+$0x0], $0xffff  }
0x143: {  	v3 =	vld [tilespmem:s1+$0x8060]  }
.Ltmp4:
0x144: {  	v2 =	vld [tilespmem:s1+$0x8010];
	(pc) =	sbr.rel @p0 .LBB2_11-.Ltmp4, $3  }
0x145: {  	v6 =	vld [tilespmem:s1+$0x8040]  }
0x146: {  	v7 =	vld [tilespmem:s1+$0x8070];
	_ =	sdelay $0x1  }
0x147: {  	v8 =	vmul.f32 v1, v10;
	v9 =	vmul.f32 v1, v9  }
0x148: {  	_ = 	snop  }
0x149: {  	v4 =	vmul.f32 v1, v4;
	[tilespmem:s1+$0x8020] =	vst v9  }
0x14a: {  	v5 =	vmul.f32 v1, v5;
	[tilespmem:s1+$0x8000] =	vst v8  }
0x14b: {  	v3 =	vmul.f32 v1, v3;
	s30 =	sadd.s32 $0x1, s30;
	[tilespmem:s1+$0x8050] =	vst v4  }
0x14c: {  	v63 =	vmul.f32 v1, v6;
	p0 =	sne.s32 s30, $0x20;
	[tilespmem:s1+$0x8030] =	vst v5  }
.Ltmp5:
0x14d: {  	v7 =	vmul.f32 v1, v7;
	[tilespmem:s1+$0x8060] =	vst v3;
	(pc) =	sbr.rel @p0 .LBB2_4-.Ltmp5, $4  }
0x14e: {  	v1 =	vmul.f32 v1, v2;
	[tilespmem:s1+$0x8040] =	vst v63  }
0x14f: {  	[tilespmem:s1+$0x8070] =	vst v7  }
0x150: {  	[tilespmem:s1+$0x8010] =	vst v1  }
0x151: {  	[spmem:s3] =	stream.indirect.scatter.add.f32 [tilespmem:s8], [sflag:$0x8], $0x80, s19, s12, $0xb8;
	[tilespmem:$0x1E800] =	vst v63  }
0x152: {  	s1 =	simm.s32 $0x7  }
0x153: {  	_ =	swait.ge [sflag:s1], $0x2800  }
0x154: {  	[sflag:s1] =	ssyncset.done $0x0  }
0x155: {  	s23 =	simm.s32 $0x8;
	[sflag:s1] =	ssyncadd.s32 $0xFFFFD800  }
0x156: {  	_ =	swait.ge [sflag:s23], $0x2800  }
0x157: {  	[sflag:s23] =	ssyncset.done $0x0  }
0x158: {  	[sflag:s23] =	ssyncadd.s32 $0xFFFFD800  }
0x159: {  	s26 =	stileid.u32;
	[bflag:$0x0] =	sbarrier.arrive $0xFFFF  }
0x15a: {  	s1 =	sshll.u32 s26, $0x6;
	s26 =	simm.s32 $0x9;
	s9 =	rddreg [dreg:$0x5]  }
0x15b: {  	s1 =	sor.u32 $0x1C09, s1;
	s23 =	rddreg [dreg:$0x15];
	s2 =	sshrl.u32 s9, $0x3  }
0x15c: {  	[hbm:s23], [sflag:s1] =	dma.local [spmem:s2], $0x2800  }
0x15d: {  	_ =	swait.ge [sflag:s26], $0x2800  }
0x15e: {  	s28 =	rddreg [dreg:$0x4]  }
0x15f: {  	s30 =	rddreg [dreg:$0x16];
	s23 =	sadd.s32 $0x1, s28  }
0x160: {  	p0 =	sne.s32 s23, s30  }
.Ltmp6:
0x161: {  	_ = 	snop;
	(pc) =	sbr.rel @p0 .LBB2_1-.Ltmp6, $3  }
0x162: {  	_ =	sdelay $0x1  }
0x163: {  	[sflag:s26] =	ssyncset.done $0x0  }
0x164: {  	[sflag:s26] =	ssyncadd.s32 $0xFFFFD800  }
0x165: {  	_ =	sfence.sel $0x180000  }
0x166: {  	[bflag:$0x0] =	sbarrier.arrive $0xFFFF  }
0x167: {  	_ =	strace $0x9000004A  }
0x168: {  	s0 =	stileid.u32;
	[bflag:$0x2] =	sbarrier.arrive $0xFFFF  }
0x169: {  	p0 =	sne.s32 s0, $0x0;
	s0 =	rddreg [dreg:$0x3]  }
0x16a: {  	s0 =	sadd.s32 @!p0 $0x100000, s0  }
0x16b: {  	[sflag:s0] =	ssyncadd.tile.s32 @!p0 $0x1;
	_ =	shalt  }
.Lfunc_end2:
_tile_overlayer_lowered:
.L_overlay_start_2:
0x16c: {  	(tag) =	ssettag $0x2  }
0x16d: {  	s0 =	rddreg [dreg:$0x0];
	s2 =	stileid.u32  }
0x16e: {  	s1 =	rddreg [dreg:$0x1];
	p0 =	sne.s32 s2, $0x0  }
0x16f: {  	s3 =	rddreg [dreg:$0x2];
	[bflag:$0x3] =	sbarrier.arrive $0xFFFF;
	s2 =	simm.s32 @!p0 $0x1C09  }
0x170: {  	[timem:s3], [sflag:s2] =	dma.local @!p0 [hbm:s0], s1  }
0x171: {  	s0 =	simm.s32 @!p0 $0x9  }
0x172: {  	_ =	swait.ge @!p0 [sflag:s0], s1  }
0x173: {  	s1 =	ssub.s32 @!p0 $0x0, s1;
	[sflag:s0] =	ssyncset.done @!p0 $0x0  }
0x174: {  	[sflag:s0] =	ssyncadd.s32 @!p0 s1  }
0x175: {  	[bflag:$0x3] =	sbarrier.arrive $0xFFFF  }
0x176: {  	_ =	shalt  }

</sc_bundles>
